<compile_context>
chip_gen: v7x
topology: tpu7x:2x2x1
jax: 0.10.2.dev20260603
libtpu: 0.0.44.dev20260713+nightly
codegen_flags: <defaults>
</compile_context>

<pallas_src>
import functools

import jax
import jax.numpy as jnp
from jax import lax
from jax.experimental import pallas as pl
from jax.experimental.pallas import tpu as pltpu
from jax.experimental.pallas import tpu_sc as plsc

_B = 16
_T = 2048
_F = 16
_E = 32768
_H = 128
_M = 8
_D = 16
_L = 16
_EC = 4096
_CT = 128


def _sc_diffusion(x, edge_index, edge_weight):
    mesh = plsc.VectorSubcoreMesh(core_axis_name="c", subcore_axis_name="s",
                                  num_cores=2, num_subcores=16)
    nchunk = _E // _EC
    ngrp = _EC // _L

    @functools.partial(
        pl.kernel,
        out_type=jax.ShapeDtypeStruct((_B, 4, _T, _F), jnp.float32),
        mesh=mesh,
        scratch_types=[
            pltpu.VMEM((_T, _F), jnp.float32),
            pltpu.VMEM((_T, _F), jnp.float32),
            pltpu.VMEM((_T, _F), jnp.float32),
            pltpu.VMEM((_T,), jnp.float32),
            pltpu.VMEM((2, _EC), jnp.int32),
            pltpu.VMEM((2, _EC), jnp.int32),
            pltpu.VMEM((2, _EC), jnp.float32),
            pltpu.VMEM((_EC,), jnp.float32),
            pltpu.SemaphoreType.DMA,
            pltpu.SemaphoreType.DMA,
        ],
        compiler_params=pltpu.CompilerParams(needs_layout_passes=False,
                                             use_tc_tiling_on_sc=False),
    )
    def sc_kernel(x_hbm, ei_hbm, ew_hbm, out_hbm, xv, o1, o2, deg,
                  gch, sch, wch, wnch, esem, xsem):
        c = lax.axis_index("c")
        s = lax.axis_index("s")
        b = s
        d = c
        od = 1 - d

        pltpu.async_copy(x_hbm.at[b], xv, xsem)

        zrow = jnp.zeros((_L,), jnp.float32)

        def zero_rows(i, _):
            o1[i] = zrow
            o2[i] = zrow
            return 0

        lax.fori_loop(0, _T, zero_rows, 0)

        def zero_deg(i, _):
            deg[pl.ds(i * _L, _L)] = zrow
            return 0

        lax.fori_loop(0, _T // _L, zero_deg, 0)

        def issue(ch, slot, with_sidx):
            pltpu.async_copy(ei_hbm.at[b, d, pl.ds(ch * _EC, _EC)],
                             gch.at[slot], esem)
            if with_sidx:
                pltpu.async_copy(ei_hbm.at[b, od, pl.ds(ch * _EC, _EC)],
                                 sch.at[slot], esem)
            pltpu.async_copy(ew_hbm.at[b, pl.ds(ch * _EC, _EC)],
                             wch.at[slot], esem)

        def wait(ch, slot, with_sidx):
            pltpu.make_async_copy(ei_hbm.at[b, d, pl.ds(ch * _EC, _EC)],
                                  gch.at[slot], esem).wait()
            if with_sidx:
                pltpu.make_async_copy(ei_hbm.at[b, od, pl.ds(ch * _EC, _EC)],
                                      sch.at[slot], esem).wait()
            pltpu.make_async_copy(ew_hbm.at[b, pl.ds(ch * _EC, _EC)],
                                  wch.at[slot], esem).wait()

        def stream_chunks(with_sidx, process):
            issue(0, 0, with_sidx)

            def chunk_body(ch, _):
                slot = lax.rem(ch, 2)
                wait(ch, slot, with_sidx)

                @pl.when(ch + 1 < nchunk)
                def _():
                    issue(ch + 1, 1 - slot, with_sidx)

                process(slot)
                return 0

            lax.fori_loop(0, nchunk, chunk_body, 0)

        def deg_process(slot):
            @plsc.parallel_loop(0, ngrp, 1, unroll=4)
            def grp(i):
                gi = gch[slot, pl.ds(i * _L, _L)]
                w = wch[slot, pl.ds(i * _L, _L)]
                plsc.addupdate_scatter(deg, [gi], w)

        stream_chunks(False, deg_process)
        pltpu.make_async_copy(x_hbm.at[b], xv, xsem).wait()

        def prop(src_ref, tgt_ref):
            def process(slot):
                @plsc.parallel_loop(0, ngrp, 1, unroll=4)
                def norm(i):
                    gi = gch[slot, pl.ds(i * _L, _L)]
                    w = wch[slot, pl.ds(i * _L, _L)]
                    wnch[pl.ds(i * _L, _L)] = w / plsc.load_gather(deg, [gi])

                @plsc.parallel_loop(0, ngrp, 1, unroll=1)
                def edge(i):
                    giv = gch[slot, pl.ds(i * _L, _L)]
                    siv = sch[slot, pl.ds(i * _L, _L)]
                    wnv = wnch[pl.ds(i * _L, _L)]
                    for k in range(_L):
                        plsc.addupdate(tgt_ref.at[siv[k]],
                                       src_ref[giv[k]] * wnv[k])

            stream_chunks(True, process)

        prop(xv, o1)
        prop(o1, o2)

        pltpu.sync_copy(o1, out_hbm.at[b, 2 * d])
        pltpu.sync_copy(o2, out_hbm.at[b, 2 * d + 1])

    return sc_kernel(x, edge_index, edge_weight)


def _tc_body(z_ref, x_ref, wdiff_ref, bdiff_ref, wiht_ref, whht_ref, bg_ref,
             wmu_ref, bmu_ref, wsig_ref, bsig_ref, wpi_ref, bpi_ref,
             mu_ref, sig_ref, pi_ref, h_s, c_s, xw_s, hs_s):
    i = pl.program_id(0)

    @pl.when(i == 0)
    def _():
        h_s[...] = jnp.zeros_like(h_s)
        c_s[...] = jnp.zeros_like(c_s)

    wiht = wiht_ref[...]
    wz = jnp.dot(wdiff_ref[...], wiht[:_H, :],
                 preferred_element_type=jnp.float32)
    bias = (jnp.dot(bdiff_ref[...], wiht[:_H, :],
                    preferred_element_type=jnp.float32)
            + bg_ref[...])

    z = z_ref[...].reshape(_CT * _B, 4 * _F)
    xx = x_ref[...].reshape(_CT * _B, _F)
    xw = (jnp.dot(z, wz, preferred_element_type=jnp.float32)
          + jnp.dot(xx, wiht[_H:, :], preferred_element_type=jnp.float32)
          + bias)
    xw_s[...] = xw.reshape(_CT, _B, 4 * _H)

    def sigm(x):
        return 0.5 * jnp.tanh(0.5 * x) + 0.5

    def step(t, carry):
        h, c = carry
        g = xw_s[t] + jnp.dot(h.astype(jnp.bfloat16), whht_ref[...],
                              preferred_element_type=jnp.float32)
        ig = sigm(g[:, 0 * _H:1 * _H])
        fg = sigm(g[:, 1 * _H:2 * _H])
        gg = jnp.tanh(g[:, 2 * _H:3 * _H])
        og = sigm(g[:, 3 * _H:4 * _H])
        c2 = fg * c + ig * gg
        h2 = og * jnp.tanh(c2)
        hs_s[t] = h2
        return h2, c2

    hN, cN = lax.fori_loop(0, _CT, step, (h_s[...], c_s[...]))
    h_s[...] = hN
    c_s[...] = cN

    hs = hs_s[...].reshape(_CT * _B, _H)
    mu = jnp.dot(hs, wmu_ref[...], preferred_element_type=jnp.float32) + bmu_ref[...]
    mu_ref[...] = mu.reshape(_CT, _B, _M * _D)
    sg = jnp.exp(jnp.dot(hs, wsig_ref[...], preferred_element_type=jnp.float32)
                 + bsig_ref[...])
    sig_ref[...] = sg.reshape(_CT, _B, _M * _D)
    logits = jnp.dot(hs, wpi_ref[...], preferred_element_type=jnp.float32) + bpi_ref[...]
    logits = logits - jnp.max(logits, axis=-1, keepdims=True)
    e = jnp.exp(logits)
    pi = e / jnp.sum(e, axis=-1, keepdims=True)
    pi_ref[...] = pi.reshape(_CT, _B, _M)


def _tc_lstm(z_t, x_t, W_diff, b_diff, W_ih_T, W_hh_T, b_gate,
             W_mu, b_mu, W_sigma, b_sigma, W_pi, b_pi):
    ng = _T // _CT

    def full(a):
        return pl.BlockSpec(a.shape, lambda i: (0,) * a.ndim)

    in_specs = [
            pl.BlockSpec((_CT, _B, 4 * _F), lambda i: (i, 0, 0)),
            pl.BlockSpec((_CT, _B, _F), lambda i: (i, 0, 0)),
            full(W_diff), full(b_diff), full(W_ih_T), full(W_hh_T),
            full(b_gate), full(W_mu), full(b_mu), full(W_sigma),
            full(b_sigma), full(W_pi), full(b_pi),
    ]
    out_specs = [
        pl.BlockSpec((_CT, _B, _M * _D), lambda i: (i, 0, 0)),
        pl.BlockSpec((_CT, _B, _M * _D), lambda i: (i, 0, 0)),
        pl.BlockSpec((_CT, _B, _M), lambda i: (i, 0, 0)),
    ]
    out_shape = [
        jax.ShapeDtypeStruct((_T, _B, _M * _D), jnp.float32),
        jax.ShapeDtypeStruct((_T, _B, _M * _D), jnp.float32),
        jax.ShapeDtypeStruct((_T, _B, _M), jnp.float32),
    ]
    return pl.pallas_call(
        _tc_body,
        grid=(ng,),
        in_specs=in_specs,
        out_specs=out_specs,
        out_shape=out_shape,
        scratch_shapes=[
            pltpu.VMEM((_B, _H), jnp.float32),
            pltpu.VMEM((_B, _H), jnp.float32),
            pltpu.VMEM((_CT, _B, 4 * _H), jnp.float32),
            pltpu.VMEM((_CT, _B, _H), jnp.float32),
        ],
    )(z_t, x_t, W_diff, b_diff, W_ih_T, W_hh_T, b_gate,
      W_mu, b_mu, W_sigma, b_sigma, W_pi, b_pi)


def kernel(x, edge_index, edge_weight, W_diff, b_diff, W_ih, W_hh, b_ih, b_hh,
           W_mu, b_mu, W_sigma, b_sigma, W_pi, b_pi):
    out4 = _sc_diffusion(x, edge_index, edge_weight)
    z_t = out4.transpose(2, 0, 1, 3).reshape(_T, _B, 4 * _F)
    x_t = x.transpose(1, 0, 2)

    mu_t, sig_t, pi_t = _tc_lstm(
        z_t, x_t, W_diff, b_diff.reshape(1, _H),
        W_ih.T, W_hh.T.astype(jnp.bfloat16), (b_ih + b_hh).reshape(1, 4 * _H),
        W_mu, b_mu.reshape(1, _M * _D), W_sigma, b_sigma.reshape(1, _M * _D),
        W_pi, b_pi.reshape(1, _M))

    mu = mu_t.transpose(1, 0, 2).reshape(_B, _T, _M, _D)
    sigma = sig_t.transpose(1, 0, 2).reshape(_B, _T, _M, _D)
    pi = pi_t.transpose(1, 0, 2)
    return (mu, sigma, pi)

# --- scband reference (transcript-rebuilt; emitter-appended) ---
"""Pipeline reference for scband-ggtm-6640019439946 (READ-ONLY COPY).

The authoritative reference and input builder live on the scoring server;
editing this copy changes nothing except your own understanding.
"""

import jax, jax.numpy as jnp
import numpy as np

B = 16
T = 2048
F_IN = 16
E = 32768
H = 128
M = 8
D = 16

def setup_inputs(seed: int = 0):
    key = jax.random.key(seed)
    ks = jax.random.split(key, 16)
    x = jax.random.normal(ks[0], (B, T, F_IN), dtype=jnp.float32)
    edge_index = jax.random.randint(ks[1], (B, 2, E), 0, T, dtype=jnp.int32)
    edge_weight = jax.random.uniform(ks[2], (B, E), dtype=jnp.float32) + 0.01
    s = 0.05
    W_diff = s * jax.random.normal(ks[3], (4 * F_IN, H), dtype=jnp.float32)
    b_diff = jnp.zeros((H,), dtype=jnp.float32)
    IN_L = F_IN + H
    W_ih = s * jax.random.normal(ks[4], (4 * H, IN_L), dtype=jnp.float32)
    W_hh = s * jax.random.normal(ks[5], (4 * H, H), dtype=jnp.float32)
    b_ih = jnp.zeros((4 * H,), dtype=jnp.float32)
    b_hh = jnp.zeros((4 * H,), dtype=jnp.float32)
    W_mu = s * jax.random.normal(ks[6], (H, M * D), dtype=jnp.float32)
    b_mu = jnp.zeros((M * D,), dtype=jnp.float32)
    W_sigma = s * jax.random.normal(ks[7], (H, M * D), dtype=jnp.float32)
    b_sigma = jnp.zeros((M * D,), dtype=jnp.float32)
    W_pi = s * jax.random.normal(ks[8], (H, M), dtype=jnp.float32)
    b_pi = jnp.zeros((M,), dtype=jnp.float32)
    return {"x": x, "edge_index": edge_index, "edge_weight": edge_weight, "W_diff": W_diff, "b_diff": b_diff, "W_ih": W_ih, "W_hh": W_hh, "b_ih": b_ih, "b_hh": b_hh, "W_mu": W_mu, "b_mu": b_mu, "W_sigma": W_sigma, "b_sigma": b_sigma, "W_pi": W_pi, "b_pi": b_pi}

def _diff_conv_single(x, ei, ew, W_diff, b_diff):
    # DiffConv(in, hidden, k=2, root_weight=False): bidirectional diffusion, 2 hops
    src = ei[0]
    dst = ei[1]
    deg_out = jax.ops.segment_sum(ew, src, num_segments=T)
    deg_in = jax.ops.segment_sum(ew, dst, num_segments=T)
    wf = ew / jnp.where(deg_out[src] == 0, 1.0, deg_out[src])
    wb = ew / jnp.where(deg_in[dst] == 0, 1.0, deg_in[dst])
    def prop_fwd(h):
        return jax.ops.segment_sum(wf[:, None] * h[src], dst, num_segments=T)
    def prop_bwd(h):
        return jax.ops.segment_sum(wb[:, None] * h[dst], src, num_segments=T)
    f1 = prop_fwd(x)
    f2 = prop_fwd(f1)
    b1 = prop_bwd(x)
    b2 = prop_bwd(b1)
    z = jnp.concatenate([f1, f2, b1, b2], axis=-1)
    return z @ W_diff + b_diff

def _lstm(xs, W_ih, W_hh, b_ih, b_hh):
    Bn = xs.shape[0]
    h0 = jnp.zeros((Bn, H), dtype=xs.dtype)
    c0 = jnp.zeros((Bn, H), dtype=xs.dtype)
    def step(carry, xt):
        h, c = carry
        g = xt @ W_ih.T + h @ W_hh.T + b_ih + b_hh
        i, f, gg, o = jnp.split(g, 4, axis=-1)
        i = jax.nn.sigmoid(i)
        f = jax.nn.sigmoid(f)
        gg = jnp.tanh(gg)
        o = jax.nn.sigmoid(o)
        c = f * c + i * gg
        h = o * jnp.tanh(c)
        return (h, c), h
    _, hs = jax.lax.scan(step, (h0, c0), jnp.swapaxes(xs, 0, 1))
    return jnp.swapaxes(hs, 0, 1)

def reference(x, edge_index, edge_weight, W_diff, b_diff, W_ih, W_hh, b_ih, b_hh, W_mu, b_mu, W_sigma, b_sigma, W_pi, b_pi):
    diff = jax.vmap(_diff_conv_single, in_axes=(0, 0, 0, None, None))(x, edge_index, edge_weight, W_diff, b_diff)
    x_in = jnp.concatenate([diff, x], axis=-1)
    out = _lstm(x_in, W_ih, W_hh, b_ih, b_hh)
    mu = (out @ W_mu + b_mu).reshape(out.shape[0], out.shape[1], M, D)
    sigma = jnp.exp(out @ W_sigma + b_sigma).reshape(out.shape[0], out.shape[1], M, D)
    pi = jax.nn.softmax(out @ W_pi + b_pi, axis=-1)
    return (mu, sigma, pi)

if __name__ == "__main__":
    import jax
    _d = setup_inputs()
    print(jax.jit(kernel)(*tuple(_d.values())))

</pallas_src>

<mosaic_0001>
#map = affine_map<(d0, d1) -> (0, 0, 0)>
#map1 = affine_map<(d0, d1) -> (0, 0)>
#map2 = affine_map<(d0, d1) -> (0, 0, 0, 0)>
module attributes {stable_mosaic.version = 14 : i64} {
  func.func @sc_kernel(%arg0: i32, %arg1: i32, %arg2: memref<16x2048x16xf32, #tpu.memory_space<hbm>>, %arg3: memref<16x2x32768xi32, #tpu.memory_space<hbm>>, %arg4: memref<16x32768xf32, #tpu.memory_space<hbm>>, %arg5: memref<16x4x2048x16xf32, #tpu.memory_space<hbm>>, %arg6: memref<2048x16xf32, #tpu.memory_space<vmem>>, %arg7: memref<2048x16xf32, #tpu.memory_space<vmem>>, %arg8: memref<2048x16xf32, #tpu.memory_space<vmem>>, %arg9: memref<2048xf32, #tpu.memory_space<vmem>>, %arg10: memref<2x4096xi32, #tpu.memory_space<vmem>>, %arg11: memref<2x4096xi32, #tpu.memory_space<vmem>>, %arg12: memref<2x4096xf32, #tpu.memory_space<vmem>>, %arg13: memref<4096xf32, #tpu.memory_space<vmem>>, %arg14: memref<!tpu.dma_semaphore, #tpu.memory_space<semaphore_mem>>, %arg15: memref<!tpu.dma_semaphore, #tpu.memory_space<semaphore_mem>>) attributes {dimension_semantics = [#tpu.dimension_semantics<core_parallel>, #tpu.dimension_semantics<subcore_parallel>], iteration_bounds = array<i64: 2, 16>, scalar_prefetch = 0 : i64, scratch_operands = 10 : i64, tpu.core_type = #tpu.core_type<sc_vector_subcore>, window_params = [{transform_indices = #map}, {transform_indices = #map}, {transform_indices = #map1}, {transform_indices = #map2}]} {
    %sub3A = arith.constant 1 : i32
    %sub3A_0 = arith.subi %sub3A, %arg0 : i32
    %dma_start3A = arith.constant 0 : i32
    %dma_start3A_1 = arith.constant 0 : i32
    %dma_start3A_2 = tpu.memref_slice %arg2[%arg1, %dma_start3A, %dma_start3A_1] : memref<16x2048x16xf32, #tpu.memory_space<hbm>> -> memref<1x2048x16xf32, #tpu.memory_space<hbm>>
    %dma_start3A_3 = tpu.memref_squeeze %dma_start3A_2 : memref<1x2048x16xf32, #tpu.memory_space<hbm>> -> memref<2048x16xf32, #tpu.memory_space<hbm>>
    %dma_start3A_4 = arith.constant 0 : i32
    %dma_start3A_5 = arith.constant 0 : i32
    %dma_start3A_6 = tpu.memref_slice %arg2[%arg1, %dma_start3A_4, %dma_start3A_5] : memref<16x2048x16xf32, #tpu.memory_space<hbm>> -> memref<1x2048x16xf32, #tpu.memory_space<hbm>>
    %dma_start3A_7 = tpu.memref_squeeze %dma_start3A_6 : memref<1x2048x16xf32, #tpu.memory_space<hbm>> -> memref<2048x16xf32, #tpu.memory_space<hbm>>
    tpu.enqueue_dma source(%dma_start3A_7 : memref<2048x16xf32, #tpu.memory_space<hbm>>) target(%arg6 : memref<2048x16xf32, #tpu.memory_space<vmem>>) target_semaphore(%arg15 : memref<!tpu.dma_semaphore, #tpu.memory_space<semaphore_mem>>)
    %broadcast_in_dim3A = arith.constant 0.000000e+00 : f32
    %broadcast_in_dim3A_8 = vector.broadcast %broadcast_in_dim3A : f32 to vector<16xf32>
    %scan3A = arith.constant 0 : i32
    %scan3A_9 = arith.constant 0 : i32
    %scan3A_10 = arith.constant 2048 : i32
    %scan3A_11 = arith.addi %scan3A_9, %scan3A_10 : i32
    %scan3A_12 = arith.constant 1 : i32
    %scan3A_13 = scf.for %scan3A_158 = %scan3A_9 to %scan3A_11 step %scan3A_12 iter_args(%scan3A_159 = %scan3A) -> (i32)  : i32 {
      %swap3A = arith.index_cast %scan3A_158 : i32 to index
      %swap3A_160 = arith.constant 0 : index
      %swap3A_161 = tpu.vector_load %arg7[%swap3A, %swap3A_160] {strides = array<i32>} : memref<2048x16xf32, #tpu.memory_space<vmem>>, vector<16xf32>,
      tpu.vector_store %arg7[%swap3A, %swap3A_160], %broadcast_in_dim3A_8 {strides = array<i32>} : memref<2048x16xf32, #tpu.memory_space<vmem>>, vector<16xf32>,
      %swap3A_162 = arith.index_cast %scan3A_158 : i32 to index
      %swap3A_163 = arith.constant 0 : index
      %swap3A_164 = tpu.vector_load %arg8[%swap3A_162, %swap3A_163] {strides = array<i32>} : memref<2048x16xf32, #tpu.memory_space<vmem>>, vector<16xf32>,
      tpu.vector_store %arg8[%swap3A_162, %swap3A_163], %broadcast_in_dim3A_8 {strides = array<i32>} : memref<2048x16xf32, #tpu.memory_space<vmem>>, vector<16xf32>,
      %scan3A_165 = arith.constant 0 : i32
      scf.yield %scan3A_165 : i32
    }
    %scan3A_14 = arith.constant 2048 : i32
    %scan3A_15 = arith.constant 0 : i32
    %scan3A_16 = arith.constant 0 : i32
    %scan3A_17 = arith.constant 128 : i32
    %scan3A_18 = arith.addi %scan3A_16, %scan3A_17 : i32
    %scan3A_19 = arith.constant 1 : i32
    %scan3A_20 = scf.for %scan3A_158 = %scan3A_16 to %scan3A_18 step %scan3A_19 iter_args(%scan3A_159 = %scan3A_15) -> (i32)  : i32 {
      %mul3A_160 = arith.constant 16 : i32
      %mul3A_161 = arith.muli %scan3A_158, %mul3A_160 : i32
      %swap3A = arith.index_cast %mul3A_161 : i32 to index
      %swap3A_162 = tpu.vector_load %arg9[%swap3A] {strides = array<i32>} : memref<2048xf32, #tpu.memory_space<vmem>>, vector<16xf32>,
      tpu.vector_store %arg9[%swap3A], %broadcast_in_dim3A_8 {strides = array<i32>} : memref<2048xf32, #tpu.memory_space<vmem>>, vector<16xf32>,
      %scan3A_163 = arith.constant 0 : i32
      scf.yield %scan3A_163 : i32
    }
    %scan3A_21 = arith.constant 128 : i32
    %dma_start3A_22 = arith.constant 0 : i32
    %dma_start3A_23 = arith.constant 0 : i32
    %dma_start3A_24 = tpu.memref_slice %arg10[%dma_start3A_22, %dma_start3A_23] : memref<2x4096xi32, #tpu.memory_space<vmem>> -> memref<1x4096xi32, #tpu.memory_space<vmem>>
    %dma_start3A_25 = tpu.memref_squeeze %dma_start3A_24 : memref<1x4096xi32, #tpu.memory_space<vmem>> -> memref<4096xi32, #tpu.memory_space<vmem>>
    %dma_start3A_26 = arith.constant 0 : i32
    %dma_start3A_27 = tpu.memref_slice %arg3[%arg1, %arg0, %dma_start3A_26] : memref<16x2x32768xi32, #tpu.memory_space<hbm>> -> memref<1x1x4096xi32, #tpu.memory_space<hbm>>
    %dma_start3A_28 = tpu.memref_squeeze %dma_start3A_27 : memref<1x1x4096xi32, #tpu.memory_space<hbm>> -> memref<4096xi32, #tpu.memory_space<hbm>>
    %dma_start3A_29 = arith.constant 0 : i32
    %dma_start3A_30 = tpu.memref_slice %arg10[%dma_start3A_22, %dma_start3A_29] : memref<2x4096xi32, #tpu.memory_space<vmem>> -> memref<1x4096xi32, #tpu.memory_space<vmem>>
    %dma_start3A_31 = tpu.memref_squeeze %dma_start3A_30 : memref<1x4096xi32, #tpu.memory_space<vmem>> -> memref<4096xi32, #tpu.memory_space<vmem>>
    %dma_start3A_32 = arith.constant 0 : i32
    %dma_start3A_33 = tpu.memref_slice %arg3[%arg1, %arg0, %dma_start3A_32] : memref<16x2x32768xi32, #tpu.memory_space<hbm>> -> memref<1x1x4096xi32, #tpu.memory_space<hbm>>
    %dma_start3A_34 = tpu.memref_squeeze %dma_start3A_33 : memref<1x1x4096xi32, #tpu.memory_space<hbm>> -> memref<4096xi32, #tpu.memory_space<hbm>>
    tpu.enqueue_dma source(%dma_start3A_34 : memref<4096xi32, #tpu.memory_space<hbm>>) target(%dma_start3A_31 : memref<4096xi32, #tpu.memory_space<vmem>>) target_semaphore(%arg14 : memref<!tpu.dma_semaphore, #tpu.memory_space<semaphore_mem>>)
    %dma_start3A_35 = arith.constant 0 : i32
    %dma_start3A_36 = arith.constant 0 : i32
    %dma_start3A_37 = tpu.memref_slice %arg12[%dma_start3A_35, %dma_start3A_36] : memref<2x4096xf32, #tpu.memory_space<vmem>> -> memref<1x4096xf32, #tpu.memory_space<vmem>>
    %dma_start3A_38 = tpu.memref_squeeze %dma_start3A_37 : memref<1x4096xf32, #tpu.memory_space<vmem>> -> memref<4096xf32, #tpu.memory_space<vmem>>
    %dma_start3A_39 = arith.constant 0 : i32
    %dma_start3A_40 = tpu.memref_slice %arg4[%arg1, %dma_start3A_39] : memref<16x32768xf32, #tpu.memory_space<hbm>> -> memref<1x4096xf32, #tpu.memory_space<hbm>>
    %dma_start3A_41 = tpu.memref_squeeze %dma_start3A_40 : memref<1x4096xf32, #tpu.memory_space<hbm>> -> memref<4096xf32, #tpu.memory_space<hbm>>
    %dma_start3A_42 = arith.constant 0 : i32
    %dma_start3A_43 = tpu.memref_slice %arg12[%dma_start3A_35, %dma_start3A_42] : memref<2x4096xf32, #tpu.memory_space<vmem>> -> memref<1x4096xf32, #tpu.memory_space<vmem>>
    %dma_start3A_44 = tpu.memref_squeeze %dma_start3A_43 : memref<1x4096xf32, #tpu.memory_space<vmem>> -> memref<4096xf32, #tpu.memory_space<vmem>>
    %dma_start3A_45 = arith.constant 0 : i32
    %dma_start3A_46 = tpu.memref_slice %arg4[%arg1, %dma_start3A_45] : memref<16x32768xf32, #tpu.memory_space<hbm>> -> memref<1x4096xf32, #tpu.memory_space<hbm>>
    %dma_start3A_47 = tpu.memref_squeeze %dma_start3A_46 : memref<1x4096xf32, #tpu.memory_space<hbm>> -> memref<4096xf32, #tpu.memory_space<hbm>>
    tpu.enqueue_dma source(%dma_start3A_47 : memref<4096xf32, #tpu.memory_space<hbm>>) target(%dma_start3A_44 : memref<4096xf32, #tpu.memory_space<vmem>>) target_semaphore(%arg14 : memref<!tpu.dma_semaphore, #tpu.memory_space<semaphore_mem>>)
    %scan3A_48 = arith.constant 0 : i32
    %scan3A_49 = arith.constant 0 : i32
    %scan3A_50 = arith.constant 8 : i32
    %scan3A_51 = arith.addi %scan3A_49, %scan3A_50 : i32
    %scan3A_52 = arith.constant 1 : i32
    %scan3A_53 = scf.for %scan3A_158 = %scan3A_49 to %scan3A_51 step %scan3A_52 iter_args(%scan3A_159 = %scan3A_48) -> (i32)  : i32 {
      %rem3A = arith.constant 2 : i32
      %rem3A_160 = arith.remsi %scan3A_158, %rem3A : i32
      %mul3A_161 = arith.constant 4096 : i32
      %mul3A_162 = arith.muli %scan3A_158, %mul3A_161 : i32
      %dma_wait3A_163 = arith.constant 0 : i32
      %dma_wait3A_164 = tpu.memref_slice %arg10[%rem3A_160, %dma_wait3A_163] : memref<2x4096xi32, #tpu.memory_space<vmem>> -> memref<1x4096xi32, #tpu.memory_space<vmem>>
      %dma_wait3A_165 = tpu.memref_squeeze %dma_wait3A_164 : memref<1x4096xi32, #tpu.memory_space<vmem>> -> memref<4096xi32, #tpu.memory_space<vmem>>
      %dma_wait3A_166 = tpu.memref_slice %arg3[%arg1, %arg0, %mul3A_162] : memref<16x2x32768xi32, #tpu.memory_space<hbm>> -> memref<1x1x4096xi32, #tpu.memory_space<hbm>>
      %dma_wait3A_167 = tpu.memref_squeeze %dma_wait3A_166 : memref<1x1x4096xi32, #tpu.memory_space<hbm>> -> memref<4096xi32, #tpu.memory_space<hbm>>
      %dma_wait3A_168 = arith.constant 0 : i32
      %dma_wait3A_169 = tpu.memref_slice %arg10[%rem3A_160, %dma_wait3A_168] : memref<2x4096xi32, #tpu.memory_space<vmem>> -> memref<1x4096xi32, #tpu.memory_space<vmem>>
      %dma_wait3A_170 = tpu.memref_squeeze %dma_wait3A_169 : memref<1x4096xi32, #tpu.memory_space<vmem>> -> memref<4096xi32, #tpu.memory_space<vmem>>
      %dma_wait3A_171 = tpu.memref_slice %arg3[%arg1, %arg0, %mul3A_162] : memref<16x2x32768xi32, #tpu.memory_space<hbm>> -> memref<1x1x4096xi32, #tpu.memory_space<hbm>>
      %dma_wait3A_172 = tpu.memref_squeeze %dma_wait3A_171 : memref<1x1x4096xi32, #tpu.memory_space<hbm>> -> memref<4096xi32, #tpu.memory_space<hbm>>
      tpu.wait_dma2 semaphore(%arg14 : memref<!tpu.dma_semaphore, #tpu.memory_space<semaphore_mem>>) src(%dma_wait3A_172 : memref<4096xi32, #tpu.memory_space<hbm>>) dst(%dma_wait3A_170 : memref<4096xi32, #tpu.memory_space<vmem>>)
      %mul3A_173 = arith.constant 4096 : i32
      %mul3A_174 = arith.muli %scan3A_158, %mul3A_173 : i32
      %dma_wait3A_175 = arith.constant 0 : i32
      %dma_wait3A_176 = tpu.memref_slice %arg12[%rem3A_160, %dma_wait3A_175] : memref<2x4096xf32, #tpu.memory_space<vmem>> -> memref<1x4096xf32, #tpu.memory_space<vmem>>
      %dma_wait3A_177 = tpu.memref_squeeze %dma_wait3A_176 : memref<1x4096xf32, #tpu.memory_space<vmem>> -> memref<4096xf32, #tpu.memory_space<vmem>>
      %dma_wait3A_178 = tpu.memref_slice %arg4[%arg1, %mul3A_174] : memref<16x32768xf32, #tpu.memory_space<hbm>> -> memref<1x4096xf32, #tpu.memory_space<hbm>>
      %dma_wait3A_179 = tpu.memref_squeeze %dma_wait3A_178 : memref<1x4096xf32, #tpu.memory_space<hbm>> -> memref<4096xf32, #tpu.memory_space<hbm>>
      %dma_wait3A_180 = arith.constant 0 : i32
      %dma_wait3A_181 = tpu.memref_slice %arg12[%rem3A_160, %dma_wait3A_180] : memref<2x4096xf32, #tpu.memory_space<vmem>> -> memref<1x4096xf32, #tpu.memory_space<vmem>>
      %dma_wait3A_182 = tpu.memref_squeeze %dma_wait3A_181 : memref<1x4096xf32, #tpu.memory_space<vmem>> -> memref<4096xf32, #tpu.memory_space<vmem>>
      %dma_wait3A_183 = tpu.memref_slice %arg4[%arg1, %mul3A_174] : memref<16x32768xf32, #tpu.memory_space<hbm>> -> memref<1x4096xf32, #tpu.memory_space<hbm>>
      %dma_wait3A_184 = tpu.memref_squeeze %dma_wait3A_183 : memref<1x4096xf32, #tpu.memory_space<hbm>> -> memref<4096xf32, #tpu.memory_space<hbm>>
      tpu.wait_dma2 semaphore(%arg14 : memref<!tpu.dma_semaphore, #tpu.memory_space<semaphore_mem>>) src(%dma_wait3A_184 : memref<4096xf32, #tpu.memory_space<hbm>>) dst(%dma_wait3A_182 : memref<4096xf32, #tpu.memory_space<vmem>>)
      %add3A_185 = arith.constant 1 : i32
      %add3A_186 = arith.addi %scan3A_158, %add3A_185 : i32
      %lt3A = arith.constant 8 : i32
      %lt3A_187 = arith.cmpi slt, %add3A_186, %lt3A : i32
      %convert_element_type3A = arith.extui %lt3A_187 : i1 to i32
      %cond3A = arith.constant 0 : i32
      %cond3A_188 = arith.cmpi ne, %convert_element_type3A, %cond3A : i32
      scf.if %cond3A_188 {
        %add3A_192 = arith.constant 1 : i32
        %add3A_193 = arith.addi %scan3A_158, %add3A_192 : i32
        %sub3A_194 = arith.constant 1 : i32
        %sub3A_195 = arith.subi %sub3A_194, %rem3A_160 : i32
        %mul3A_196 = arith.constant 4096 : i32
        %mul3A_197 = arith.muli %add3A_193, %mul3A_196 : i32
        %dma_start3A_198 = arith.constant 0 : i32
        %dma_start3A_199 = tpu.memref_slice %arg10[%sub3A_195, %dma_start3A_198] : memref<2x4096xi32, #tpu.memory_space<vmem>> -> memref<1x4096xi32, #tpu.memory_space<vmem>>
        %dma_start3A_200 = tpu.memref_squeeze %dma_start3A_199 : memref<1x4096xi32, #tpu.memory_space<vmem>> -> memref<4096xi32, #tpu.memory_space<vmem>>
        %dma_start3A_201 = tpu.memref_slice %arg3[%arg1, %arg0, %mul3A_197] : memref<16x2x32768xi32, #tpu.memory_space<hbm>> -> memref<1x1x4096xi32, #tpu.memory_space<hbm>>
        %dma_start3A_202 = tpu.memref_squeeze %dma_start3A_201 : memref<1x1x4096xi32, #tpu.memory_space<hbm>> -> memref<4096xi32, #tpu.memory_space<hbm>>
        %dma_start3A_203 = arith.constant 0 : i32
        %dma_start3A_204 = tpu.memref_slice %arg10[%sub3A_195, %dma_start3A_203] : memref<2x4096xi32, #tpu.memory_space<vmem>> -> memref<1x4096xi32, #tpu.memory_space<vmem>>
        %dma_start3A_205 = tpu.memref_squeeze %dma_start3A_204 : memref<1x4096xi32, #tpu.memory_space<vmem>> -> memref<4096xi32, #tpu.memory_space<vmem>>
        %dma_start3A_206 = tpu.memref_slice %arg3[%arg1, %arg0, %mul3A_197] : memref<16x2x32768xi32, #tpu.memory_space<hbm>> -> memref<1x1x4096xi32, #tpu.memory_space<hbm>>
        %dma_start3A_207 = tpu.memref_squeeze %dma_start3A_206 : memref<1x1x4096xi32, #tpu.memory_space<hbm>> -> memref<4096xi32, #tpu.memory_space<hbm>>
        tpu.enqueue_dma source(%dma_start3A_207 : memref<4096xi32, #tpu.memory_space<hbm>>) target(%dma_start3A_205 : memref<4096xi32, #tpu.memory_space<vmem>>) target_semaphore(%arg14 : memref<!tpu.dma_semaphore, #tpu.memory_space<semaphore_mem>>)
        %mul3A_208 = arith.constant 4096 : i32
        %mul3A_209 = arith.muli %add3A_193, %mul3A_208 : i32
        %dma_start3A_210 = arith.constant 0 : i32
        %dma_start3A_211 = tpu.memref_slice %arg12[%sub3A_195, %dma_start3A_210] : memref<2x4096xf32, #tpu.memory_space<vmem>> -> memref<1x4096xf32, #tpu.memory_space<vmem>>
        %dma_start3A_212 = tpu.memref_squeeze %dma_start3A_211 : memref<1x4096xf32, #tpu.memory_space<vmem>> -> memref<4096xf32, #tpu.memory_space<vmem>>
        %dma_start3A_213 = tpu.memref_slice %arg4[%arg1, %mul3A_209] : memref<16x32768xf32, #tpu.memory_space<hbm>> -> memref<1x4096xf32, #tpu.memory_space<hbm>>
        %dma_start3A_214 = tpu.memref_squeeze %dma_start3A_213 : memref<1x4096xf32, #tpu.memory_space<hbm>> -> memref<4096xf32, #tpu.memory_space<hbm>>
        %dma_start3A_215 = arith.constant 0 : i32
        %dma_start3A_216 = tpu.memref_slice %arg12[%sub3A_195, %dma_start3A_215] : memref<2x4096xf32, #tpu.memory_space<vmem>> -> memref<1x4096xf32, #tpu.memory_space<vmem>>
        %dma_start3A_217 = tpu.memref_squeeze %dma_start3A_216 : memref<1x4096xf32, #tpu.memory_space<vmem>> -> memref<4096xf32, #tpu.memory_space<vmem>>
        %dma_start3A_218 = tpu.memref_slice %arg4[%arg1, %mul3A_209] : memref<16x32768xf32, #tpu.memory_space<hbm>> -> memref<1x4096xf32, #tpu.memory_space<hbm>>
        %dma_start3A_219 = tpu.memref_squeeze %dma_start3A_218 : memref<1x4096xf32, #tpu.memory_space<hbm>> -> memref<4096xf32, #tpu.memory_space<hbm>>
        tpu.enqueue_dma source(%dma_start3A_219 : memref<4096xf32, #tpu.memory_space<hbm>>) target(%dma_start3A_217 : memref<4096xf32, #tpu.memory_space<vmem>>) target_semaphore(%arg14 : memref<!tpu.dma_semaphore, #tpu.memory_space<semaphore_mem>>)
      } else {
      }
      %parallel_loop3A = arith.constant 0 : i32
      %parallel_loop3A_189 = arith.constant 256 : i32
      %parallel_loop3A_190 = arith.constant 1 : i32
      scf.for %parallel_loop3A_192 = %parallel_loop3A to %parallel_loop3A_189 step %parallel_loop3A_190  : i32 {
        %parallel_loop3A_193 = arith.constant 16 : i32
        %parallel_loop3A_194 = arith.muli %parallel_loop3A_192, %parallel_loop3A_193 : i32
        %parallel_loop3A_195 = arith.index_cast %rem3A_160 : i32 to index
        %parallel_loop3A_196 = arith.index_cast %parallel_loop3A_194 : i32 to index
        %parallel_loop3A_197 = tpu.vector_load %arg10[%parallel_loop3A_195, %parallel_loop3A_196] {strides = array<i32>} : memref<2x4096xi32, #tpu.memory_space<vmem>>, vector<16xi32>,
        %parallel_loop3A_198 = arith.constant 16 : i32
        %parallel_loop3A_199 = arith.muli %parallel_loop3A_192, %parallel_loop3A_198 : i32
        %parallel_loop3A_200 = arith.index_cast %rem3A_160 : i32 to index
        %parallel_loop3A_201 = arith.index_cast %parallel_loop3A_199 : i32 to index
        %parallel_loop3A_202 = tpu.vector_load %arg12[%parallel_loop3A_200, %parallel_loop3A_201] {strides = array<i32>} : memref<2x4096xf32, #tpu.memory_space<vmem>>, vector<16xf32>,
        tpu.vector_store_idx %arg9[%parallel_loop3A_197], %parallel_loop3A_202 {add = true} : memref<2048xf32, #tpu.memory_space<vmem>>[vector<16xi32>], vector<16xf32>,
      } {sc.loop_unroll_factor = 4 : i64, sc.parallel_access}
      %scan3A_191 = arith.constant 0 : i32
      scf.yield %scan3A_191 : i32
    }
    %scan3A_54 = arith.constant 8 : i32
    %dma_wait3A = arith.constant 0 : i32
    %dma_wait3A_55 = arith.constant 0 : i32
    %dma_wait3A_56 = tpu.memref_slice %arg2[%arg1, %dma_wait3A, %dma_wait3A_55] : memref<16x2048x16xf32, #tpu.memory_space<hbm>> -> memref<1x2048x16xf32, #tpu.memory_space<hbm>>
    %dma_wait3A_57 = tpu.memref_squeeze %dma_wait3A_56 : memref<1x2048x16xf32, #tpu.memory_space<hbm>> -> memref<2048x16xf32, #tpu.memory_space<hbm>>
    %dma_wait3A_58 = arith.constant 0 : i32
    %dma_wait3A_59 = arith.constant 0 : i32
    %dma_wait3A_60 = tpu.memref_slice %arg2[%arg1, %dma_wait3A_58, %dma_wait3A_59] : memref<16x2048x16xf32, #tpu.memory_space<hbm>> -> memref<1x2048x16xf32, #tpu.memory_space<hbm>>
    %dma_wait3A_61 = tpu.memref_squeeze %dma_wait3A_60 : memref<1x2048x16xf32, #tpu.memory_space<hbm>> -> memref<2048x16xf32, #tpu.memory_space<hbm>>
    tpu.wait_dma2 semaphore(%arg15 : memref<!tpu.dma_semaphore, #tpu.memory_space<semaphore_mem>>) src(%dma_wait3A_61 : memref<2048x16xf32, #tpu.memory_space<hbm>>) dst(%arg6 : memref<2048x16xf32, #tpu.memory_space<vmem>>)
    %dma_start3A_62 = arith.constant 0 : i32
    %dma_start3A_63 = arith.constant 0 : i32
    %dma_start3A_64 = tpu.memref_slice %arg10[%dma_start3A_62, %dma_start3A_63] : memref<2x4096xi32, #tpu.memory_space<vmem>> -> memref<1x4096xi32, #tpu.memory_space<vmem>>
    %dma_start3A_65 = tpu.memref_squeeze %dma_start3A_64 : memref<1x4096xi32, #tpu.memory_space<vmem>> -> memref<4096xi32, #tpu.memory_space<vmem>>
    %dma_start3A_66 = arith.constant 0 : i32
    %dma_start3A_67 = tpu.memref_slice %arg3[%arg1, %arg0, %dma_start3A_66] : memref<16x2x32768xi32, #tpu.memory_space<hbm>> -> memref<1x1x4096xi32, #tpu.memory_space<hbm>>
    %dma_start3A_68 = tpu.memref_squeeze %dma_start3A_67 : memref<1x1x4096xi32, #tpu.memory_space<hbm>> -> memref<4096xi32, #tpu.memory_space<hbm>>
    %dma_start3A_69 = arith.constant 0 : i32
    %dma_start3A_70 = tpu.memref_slice %arg10[%dma_start3A_62, %dma_start3A_69] : memref<2x4096xi32, #tpu.memory_space<vmem>> -> memref<1x4096xi32, #tpu.memory_space<vmem>>
    %dma_start3A_71 = tpu.memref_squeeze %dma_start3A_70 : memref<1x4096xi32, #tpu.memory_space<vmem>> -> memref<4096xi32, #tpu.memory_space<vmem>>
    %dma_start3A_72 = arith.constant 0 : i32
    %dma_start3A_73 = tpu.memref_slice %arg3[%arg1, %arg0, %dma_start3A_72] : memref<16x2x32768xi32, #tpu.memory_space<hbm>> -> memref<1x1x4096xi32, #tpu.memory_space<hbm>>
    %dma_start3A_74 = tpu.memref_squeeze %dma_start3A_73 : memref<1x1x4096xi32, #tpu.memory_space<hbm>> -> memref<4096xi32, #tpu.memory_space<hbm>>
    tpu.enqueue_dma source(%dma_start3A_74 : memref<4096xi32, #tpu.memory_space<hbm>>) target(%dma_start3A_71 : memref<4096xi32, #tpu.memory_space<vmem>>) target_semaphore(%arg14 : memref<!tpu.dma_semaphore, #tpu.memory_space<semaphore_mem>>)
    %dma_start3A_75 = arith.constant 0 : i32
    %dma_start3A_76 = arith.constant 0 : i32
    %dma_start3A_77 = tpu.memref_slice %arg11[%dma_start3A_75, %dma_start3A_76] : memref<2x4096xi32, #tpu.memory_space<vmem>> -> memref<1x4096xi32, #tpu.memory_space<vmem>>
    %dma_start3A_78 = tpu.memref_squeeze %dma_start3A_77 : memref<1x4096xi32, #tpu.memory_space<vmem>> -> memref<4096xi32, #tpu.memory_space<vmem>>
    %dma_start3A_79 = arith.constant 0 : i32
    %dma_start3A_80 = tpu.memref_slice %arg3[%arg1, %sub3A_0, %dma_start3A_79] : memref<16x2x32768xi32, #tpu.memory_space<hbm>> -> memref<1x1x4096xi32, #tpu.memory_space<hbm>>
    %dma_start3A_81 = tpu.memref_squeeze %dma_start3A_80 : memref<1x1x4096xi32, #tpu.memory_space<hbm>> -> memref<4096xi32, #tpu.memory_space<hbm>>
    %dma_start3A_82 = arith.constant 0 : i32
    %dma_start3A_83 = tpu.memref_slice %arg11[%dma_start3A_75, %dma_start3A_82] : memref<2x4096xi32, #tpu.memory_space<vmem>> -> memref<1x4096xi32, #tpu.memory_space<vmem>>
    %dma_start3A_84 = tpu.memref_squeeze %dma_start3A_83 : memref<1x4096xi32, #tpu.memory_space<vmem>> -> memref<4096xi32, #tpu.memory_space<vmem>>
    %dma_start3A_85 = arith.constant 0 : i32
    %dma_start3A_86 = tpu.memref_slice %arg3[%arg1, %sub3A_0, %dma_start3A_85] : memref<16x2x32768xi32, #tpu.memory_space<hbm>> -> memref<1x1x4096xi32, #tpu.memory_space<hbm>>
    %dma_start3A_87 = tpu.memref_squeeze %dma_start3A_86 : memref<1x1x4096xi32, #tpu.memory_space<hbm>> -> memref<4096xi32, #tpu.memory_space<hbm>>
    tpu.enqueue_dma source(%dma_start3A_87 : memref<4096xi32, #tpu.memory_space<hbm>>) target(%dma_start3A_84 : memref<4096xi32, #tpu.memory_space<vmem>>) target_semaphore(%arg14 : memref<!tpu.dma_semaphore, #tpu.memory_space<semaphore_mem>>)
    %dma_start3A_88 = arith.constant 0 : i32
    %dma_start3A_89 = arith.constant 0 : i32
    %dma_start3A_90 = tpu.memref_slice %arg12[%dma_start3A_88, %dma_start3A_89] : memref<2x4096xf32, #tpu.memory_space<vmem>> -> memref<1x4096xf32, #tpu.memory_space<vmem>>
    %dma_start3A_91 = tpu.memref_squeeze %dma_start3A_90 : memref<1x4096xf32, #tpu.memory_space<vmem>> -> memref<4096xf32, #tpu.memory_space<vmem>>
    %dma_start3A_92 = arith.constant 0 : i32
    %dma_start3A_93 = tpu.memref_slice %arg4[%arg1, %dma_start3A_92] : memref<16x32768xf32, #tpu.memory_space<hbm>> -> memref<1x4096xf32, #tpu.memory_space<hbm>>
    %dma_start3A_94 = tpu.memref_squeeze %dma_start3A_93 : memref<1x4096xf32, #tpu.memory_space<hbm>> -> memref<4096xf32, #tpu.memory_space<hbm>>
    %dma_start3A_95 = arith.constant 0 : i32
    %dma_start3A_96 = tpu.memref_slice %arg12[%dma_start3A_88, %dma_start3A_95] : memref<2x4096xf32, #tpu.memory_space<vmem>> -> memref<1x4096xf32, #tpu.memory_space<vmem>>
    %dma_start3A_97 = tpu.memref_squeeze %dma_start3A_96 : memref<1x4096xf32, #tpu.memory_space<vmem>> -> memref<4096xf32, #tpu.memory_space<vmem>>
    %dma_start3A_98 = arith.constant 0 : i32
    %dma_start3A_99 = tpu.memref_slice %arg4[%arg1, %dma_start3A_98] : memref<16x32768xf32, #tpu.memory_space<hbm>> -> memref<1x4096xf32, #tpu.memory_space<hbm>>
    %dma_start3A_100 = tpu.memref_squeeze %dma_start3A_99 : memref<1x4096xf32, #tpu.memory_space<hbm>> -> memref<4096xf32, #tpu.memory_space<hbm>>
    tpu.enqueue_dma source(%dma_start3A_100 : memref<4096xf32, #tpu.memory_space<hbm>>) target(%dma_start3A_97 : memref<4096xf32, #tpu.memory_space<vmem>>) target_semaphore(%arg14 : memref<!tpu.dma_semaphore, #tpu.memory_space<semaphore_mem>>)
    %scan3A_101 = arith.constant 0 : i32
    %scan3A_102 = arith.constant 0 : i32
    %scan3A_103 = arith.constant 8 : i32
    %scan3A_104 = arith.addi %scan3A_102, %scan3A_103 : i32
    %scan3A_105 = arith.constant 1 : i32
    %scan3A_106 = scf.for %scan3A_158 = %scan3A_102 to %scan3A_104 step %scan3A_105 iter_args(%scan3A_159 = %scan3A_101) -> (i32)  : i32 {
      %rem3A = arith.constant 2 : i32
      %rem3A_160 = arith.remsi %scan3A_158, %rem3A : i32
      %mul3A_161 = arith.constant 4096 : i32
      %mul3A_162 = arith.muli %scan3A_158, %mul3A_161 : i32
      %dma_wait3A_163 = arith.constant 0 : i32
      %dma_wait3A_164 = tpu.memref_slice %arg10[%rem3A_160, %dma_wait3A_163] : memref<2x4096xi32, #tpu.memory_space<vmem>> -> memref<1x4096xi32, #tpu.memory_space<vmem>>
      %dma_wait3A_165 = tpu.memref_squeeze %dma_wait3A_164 : memref<1x4096xi32, #tpu.memory_space<vmem>> -> memref<4096xi32, #tpu.memory_space<vmem>>
      %dma_wait3A_166 = tpu.memref_slice %arg3[%arg1, %arg0, %mul3A_162] : memref<16x2x32768xi32, #tpu.memory_space<hbm>> -> memref<1x1x4096xi32, #tpu.memory_space<hbm>>
      %dma_wait3A_167 = tpu.memref_squeeze %dma_wait3A_166 : memref<1x1x4096xi32, #tpu.memory_space<hbm>> -> memref<4096xi32, #tpu.memory_space<hbm>>
      %dma_wait3A_168 = arith.constant 0 : i32
      %dma_wait3A_169 = tpu.memref_slice %arg10[%rem3A_160, %dma_wait3A_168] : memref<2x4096xi32, #tpu.memory_space<vmem>> -> memref<1x4096xi32, #tpu.memory_space<vmem>>
      %dma_wait3A_170 = tpu.memref_squeeze %dma_wait3A_169 : memref<1x4096xi32, #tpu.memory_space<vmem>> -> memref<4096xi32, #tpu.memory_space<vmem>>
      %dma_wait3A_171 = tpu.memref_slice %arg3[%arg1, %arg0, %mul3A_162] : memref<16x2x32768xi32, #tpu.memory_space<hbm>> -> memref<1x1x4096xi32, #tpu.memory_space<hbm>>
      %dma_wait3A_172 = tpu.memref_squeeze %dma_wait3A_171 : memref<1x1x4096xi32, #tpu.memory_space<hbm>> -> memref<4096xi32, #tpu.memory_space<hbm>>
      tpu.wait_dma2 semaphore(%arg14 : memref<!tpu.dma_semaphore, #tpu.memory_space<semaphore_mem>>) src(%dma_wait3A_172 : memref<4096xi32, #tpu.memory_space<hbm>>) dst(%dma_wait3A_170 : memref<4096xi32, #tpu.memory_space<vmem>>)
      %mul3A_173 = arith.constant 4096 : i32
      %mul3A_174 = arith.muli %scan3A_158, %mul3A_173 : i32
      %dma_wait3A_175 = arith.constant 0 : i32
      %dma_wait3A_176 = tpu.memref_slice %arg11[%rem3A_160, %dma_wait3A_175] : memref<2x4096xi32, #tpu.memory_space<vmem>> -> memref<1x4096xi32, #tpu.memory_space<vmem>>
      %dma_wait3A_177 = tpu.memref_squeeze %dma_wait3A_176 : memref<1x4096xi32, #tpu.memory_space<vmem>> -> memref<4096xi32, #tpu.memory_space<vmem>>
      %dma_wait3A_178 = tpu.memref_slice %arg3[%arg1, %sub3A_0, %mul3A_174] : memref<16x2x32768xi32, #tpu.memory_space<hbm>> -> memref<1x1x4096xi32, #tpu.memory_space<hbm>>
      %dma_wait3A_179 = tpu.memref_squeeze %dma_wait3A_178 : memref<1x1x4096xi32, #tpu.memory_space<hbm>> -> memref<4096xi32, #tpu.memory_space<hbm>>
      %dma_wait3A_180 = arith.constant 0 : i32
      %dma_wait3A_181 = tpu.memref_slice %arg11[%rem3A_160, %dma_wait3A_180] : memref<2x4096xi32, #tpu.memory_space<vmem>> -> memref<1x4096xi32, #tpu.memory_space<vmem>>
      %dma_wait3A_182 = tpu.memref_squeeze %dma_wait3A_181 : memref<1x4096xi32, #tpu.memory_space<vmem>> -> memref<4096xi32, #tpu.memory_space<vmem>>
      %dma_wait3A_183 = tpu.memref_slice %arg3[%arg1, %sub3A_0, %mul3A_174] : memref<16x2x32768xi32, #tpu.memory_space<hbm>> -> memref<1x1x4096xi32, #tpu.memory_space<hbm>>
      %dma_wait3A_184 = tpu.memref_squeeze %dma_wait3A_183 : memref<1x1x4096xi32, #tpu.memory_space<hbm>> -> memref<4096xi32, #tpu.memory_space<hbm>>
      tpu.wait_dma2 semaphore(%arg14 : memref<!tpu.dma_semaphore, #tpu.memory_space<semaphore_mem>>) src(%dma_wait3A_184 : memref<4096xi32, #tpu.memory_space<hbm>>) dst(%dma_wait3A_182 : memref<4096xi32, #tpu.memory_space<vmem>>)
      %mul3A_185 = arith.constant 4096 : i32
      %mul3A_186 = arith.muli %scan3A_158, %mul3A_185 : i32
      %dma_wait3A_187 = arith.constant 0 : i32
      %dma_wait3A_188 = tpu.memref_slice %arg12[%rem3A_160, %dma_wait3A_187] : memref<2x4096xf32, #tpu.memory_space<vmem>> -> memref<1x4096xf32, #tpu.memory_space<vmem>>
      %dma_wait3A_189 = tpu.memref_squeeze %dma_wait3A_188 : memref<1x4096xf32, #tpu.memory_space<vmem>> -> memref<4096xf32, #tpu.memory_space<vmem>>
      %dma_wait3A_190 = tpu.memref_slice %arg4[%arg1, %mul3A_186] : memref<16x32768xf32, #tpu.memory_space<hbm>> -> memref<1x4096xf32, #tpu.memory_space<hbm>>
      %dma_wait3A_191 = tpu.memref_squeeze %dma_wait3A_190 : memref<1x4096xf32, #tpu.memory_space<hbm>> -> memref<4096xf32, #tpu.memory_space<hbm>>
      %dma_wait3A_192 = arith.constant 0 : i32
      %dma_wait3A_193 = tpu.memref_slice %arg12[%rem3A_160, %dma_wait3A_192] : memref<2x4096xf32, #tpu.memory_space<vmem>> -> memref<1x4096xf32, #tpu.memory_space<vmem>>
      %dma_wait3A_194 = tpu.memref_squeeze %dma_wait3A_193 : memref<1x4096xf32, #tpu.memory_space<vmem>> -> memref<4096xf32, #tpu.memory_space<vmem>>
      %dma_wait3A_195 = tpu.memref_slice %arg4[%arg1, %mul3A_186] : memref<16x32768xf32, #tpu.memory_space<hbm>> -> memref<1x4096xf32, #tpu.memory_space<hbm>>
      %dma_wait3A_196 = tpu.memref_squeeze %dma_wait3A_195 : memref<1x4096xf32, #tpu.memory_space<hbm>> -> memref<4096xf32, #tpu.memory_space<hbm>>
      tpu.wait_dma2 semaphore(%arg14 : memref<!tpu.dma_semaphore, #tpu.memory_space<semaphore_mem>>) src(%dma_wait3A_196 : memref<4096xf32, #tpu.memory_space<hbm>>) dst(%dma_wait3A_194 : memref<4096xf32, #tpu.memory_space<vmem>>)
      %add3A_197 = arith.constant 1 : i32
      %add3A_198 = arith.addi %scan3A_158, %add3A_197 : i32
      %lt3A = arith.constant 8 : i32
      %lt3A_199 = arith.cmpi slt, %add3A_198, %lt3A : i32
      %convert_element_type3A = arith.extui %lt3A_199 : i1 to i32
      %cond3A = arith.constant 0 : i32
      %cond3A_200 = arith.cmpi ne, %convert_element_type3A, %cond3A : i32
      scf.if %cond3A_200 {
        %add3A_207 = arith.constant 1 : i32
        %add3A_208 = arith.addi %scan3A_158, %add3A_207 : i32
        %sub3A_209 = arith.constant 1 : i32
        %sub3A_210 = arith.subi %sub3A_209, %rem3A_160 : i32
        %mul3A_211 = arith.constant 4096 : i32
        %mul3A_212 = arith.muli %add3A_208, %mul3A_211 : i32
        %dma_start3A_213 = arith.constant 0 : i32
        %dma_start3A_214 = tpu.memref_slice %arg10[%sub3A_210, %dma_start3A_213] : memref<2x4096xi32, #tpu.memory_space<vmem>> -> memref<1x4096xi32, #tpu.memory_space<vmem>>
        %dma_start3A_215 = tpu.memref_squeeze %dma_start3A_214 : memref<1x4096xi32, #tpu.memory_space<vmem>> -> memref<4096xi32, #tpu.memory_space<vmem>>
        %dma_start3A_216 = tpu.memref_slice %arg3[%arg1, %arg0, %mul3A_212] : memref<16x2x32768xi32, #tpu.memory_space<hbm>> -> memref<1x1x4096xi32, #tpu.memory_space<hbm>>
        %dma_start3A_217 = tpu.memref_squeeze %dma_start3A_216 : memref<1x1x4096xi32, #tpu.memory_space<hbm>> -> memref<4096xi32, #tpu.memory_space<hbm>>
        %dma_start3A_218 = arith.constant 0 : i32
        %dma_start3A_219 = tpu.memref_slice %arg10[%sub3A_210, %dma_start3A_218] : memref<2x4096xi32, #tpu.memory_space<vmem>> -> memref<1x4096xi32, #tpu.memory_space<vmem>>
        %dma_start3A_220 = tpu.memref_squeeze %dma_start3A_219 : memref<1x4096xi32, #tpu.memory_space<vmem>> -> memref<4096xi32, #tpu.memory_space<vmem>>
        %dma_start3A_221 = tpu.memref_slice %arg3[%arg1, %arg0, %mul3A_212] : memref<16x2x32768xi32, #tpu.memory_space<hbm>> -> memref<1x1x4096xi32, #tpu.memory_space<hbm>>
        %dma_start3A_222 = tpu.memref_squeeze %dma_start3A_221 : memref<1x1x4096xi32, #tpu.memory_space<hbm>> -> memref<4096xi32, #tpu.memory_space<hbm>>
        tpu.enqueue_dma source(%dma_start3A_222 : memref<4096xi32, #tpu.memory_space<hbm>>) target(%dma_start3A_220 : memref<4096xi32, #tpu.memory_space<vmem>>) target_semaphore(%arg14 : memref<!tpu.dma_semaphore, #tpu.memory_space<semaphore_mem>>)
        %mul3A_223 = arith.constant 4096 : i32
        %mul3A_224 = arith.muli %add3A_208, %mul3A_223 : i32
        %dma_start3A_225 = arith.constant 0 : i32
        %dma_start3A_226 = tpu.memref_slice %arg11[%sub3A_210, %dma_start3A_225] : memref<2x4096xi32, #tpu.memory_space<vmem>> -> memref<1x4096xi32, #tpu.memory_space<vmem>>
        %dma_start3A_227 = tpu.memref_squeeze %dma_start3A_226 : memref<1x4096xi32, #tpu.memory_space<vmem>> -> memref<4096xi32, #tpu.memory_space<vmem>>
        %dma_start3A_228 = tpu.memref_slice %arg3[%arg1, %sub3A_0, %mul3A_224] : memref<16x2x32768xi32, #tpu.memory_space<hbm>> -> memref<1x1x4096xi32, #tpu.memory_space<hbm>>
        %dma_start3A_229 = tpu.memref_squeeze %dma_start3A_228 : memref<1x1x4096xi32, #tpu.memory_space<hbm>> -> memref<4096xi32, #tpu.memory_space<hbm>>
        %dma_start3A_230 = arith.constant 0 : i32
        %dma_start3A_231 = tpu.memref_slice %arg11[%sub3A_210, %dma_start3A_230] : memref<2x4096xi32, #tpu.memory_space<vmem>> -> memref<1x4096xi32, #tpu.memory_space<vmem>>
        %dma_start3A_232 = tpu.memref_squeeze %dma_start3A_231 : memref<1x4096xi32, #tpu.memory_space<vmem>> -> memref<4096xi32, #tpu.memory_space<vmem>>
        %dma_start3A_233 = tpu.memref_slice %arg3[%arg1, %sub3A_0, %mul3A_224] : memref<16x2x32768xi32, #tpu.memory_space<hbm>> -> memref<1x1x4096xi32, #tpu.memory_space<hbm>>
        %dma_start3A_234 = tpu.memref_squeeze %dma_start3A_233 : memref<1x1x4096xi32, #tpu.memory_space<hbm>> -> memref<4096xi32, #tpu.memory_space<hbm>>
        tpu.enqueue_dma source(%dma_start3A_234 : memref<4096xi32, #tpu.memory_space<hbm>>) target(%dma_start3A_232 : memref<4096xi32, #tpu.memory_space<vmem>>) target_semaphore(%arg14 : memref<!tpu.dma_semaphore, #tpu.memory_space<semaphore_mem>>)
        %mul3A_235 = arith.constant 4096 : i32
        %mul3A_236 = arith.muli %add3A_208, %mul3A_235 : i32
        %dma_start3A_237 = arith.constant 0 : i32
        %dma_start3A_238 = tpu.memref_slice %arg12[%sub3A_210, %dma_start3A_237] : memref<2x4096xf32, #tpu.memory_space<vmem>> -> memref<1x4096xf32, #tpu.memory_space<vmem>>
        %dma_start3A_239 = tpu.memref_squeeze %dma_start3A_238 : memref<1x4096xf32, #tpu.memory_space<vmem>> -> memref<4096xf32, #tpu.memory_space<vmem>>
        %dma_start3A_240 = tpu.memref_slice %arg4[%arg1, %mul3A_236] : memref<16x32768xf32, #tpu.memory_space<hbm>> -> memref<1x4096xf32, #tpu.memory_space<hbm>>
        %dma_start3A_241 = tpu.memref_squeeze %dma_start3A_240 : memref<1x4096xf32, #tpu.memory_space<hbm>> -> memref<4096xf32, #tpu.memory_space<hbm>>
        %dma_start3A_242 = arith.constant 0 : i32
        %dma_start3A_243 = tpu.memref_slice %arg12[%sub3A_210, %dma_start3A_242] : memref<2x4096xf32, #tpu.memory_space<vmem>> -> memref<1x4096xf32, #tpu.memory_space<vmem>>
        %dma_start3A_244 = tpu.memref_squeeze %dma_start3A_243 : memref<1x4096xf32, #tpu.memory_space<vmem>> -> memref<4096xf32, #tpu.memory_space<vmem>>
        %dma_start3A_245 = tpu.memref_slice %arg4[%arg1, %mul3A_236] : memref<16x32768xf32, #tpu.memory_space<hbm>> -> memref<1x4096xf32, #tpu.memory_space<hbm>>
        %dma_start3A_246 = tpu.memref_squeeze %dma_start3A_245 : memref<1x4096xf32, #tpu.memory_space<hbm>> -> memref<4096xf32, #tpu.memory_space<hbm>>
        tpu.enqueue_dma source(%dma_start3A_246 : memref<4096xf32, #tpu.memory_space<hbm>>) target(%dma_start3A_244 : memref<4096xf32, #tpu.memory_space<vmem>>) target_semaphore(%arg14 : memref<!tpu.dma_semaphore, #tpu.memory_space<semaphore_mem>>)
      } else {
      }
      %parallel_loop3A = arith.constant 0 : i32
      %parallel_loop3A_201 = arith.constant 256 : i32
      %parallel_loop3A_202 = arith.constant 1 : i32
      scf.for %parallel_loop3A_207 = %parallel_loop3A to %parallel_loop3A_201 step %parallel_loop3A_202  : i32 {
        %parallel_loop3A_208 = arith.constant 16 : i32
        %parallel_loop3A_209 = arith.muli %parallel_loop3A_207, %parallel_loop3A_208 : i32
        %parallel_loop3A_210 = arith.index_cast %rem3A_160 : i32 to index
        %parallel_loop3A_211 = arith.index_cast %parallel_loop3A_209 : i32 to index
        %parallel_loop3A_212 = tpu.vector_load %arg10[%parallel_loop3A_210, %parallel_loop3A_211] {strides = array<i32>} : memref<2x4096xi32, #tpu.memory_space<vmem>>, vector<16xi32>,
        %parallel_loop3A_213 = arith.constant 16 : i32
        %parallel_loop3A_214 = arith.muli %parallel_loop3A_207, %parallel_loop3A_213 : i32
        %parallel_loop3A_215 = arith.index_cast %rem3A_160 : i32 to index
        %parallel_loop3A_216 = arith.index_cast %parallel_loop3A_214 : i32 to index
        %parallel_loop3A_217 = tpu.vector_load %arg12[%parallel_loop3A_215, %parallel_loop3A_216] {strides = array<i32>} : memref<2x4096xf32, #tpu.memory_space<vmem>>, vector<16xf32>,
        %parallel_loop3A_218 = tpu.vector_load_idx %arg9[%parallel_loop3A_212] : memref<2048xf32, #tpu.memory_space<vmem>>[vector<16xi32>], vector<16xf32>,
        %parallel_loop3A_219 = arith.divf %parallel_loop3A_217, %parallel_loop3A_218 : vector<16xf32>
        %parallel_loop3A_220 = arith.constant 16 : i32
        %parallel_loop3A_221 = arith.muli %parallel_loop3A_207, %parallel_loop3A_220 : i32
        %parallel_loop3A_222 = arith.index_cast %parallel_loop3A_221 : i32 to index
        %parallel_loop3A_223 = tpu.vector_load %arg13[%parallel_loop3A_222] {strides = array<i32>} : memref<4096xf32, #tpu.memory_space<vmem>>, vector<16xf32>,
        tpu.vector_store %arg13[%parallel_loop3A_222], %parallel_loop3A_219 {strides = array<i32>} : memref<4096xf32, #tpu.memory_space<vmem>>, vector<16xf32>,
      } {sc.loop_unroll_factor = 4 : i64, sc.parallel_access}
      %parallel_loop3A_203 = arith.constant 0 : i32
      %parallel_loop3A_204 = arith.constant 256 : i32
      %parallel_loop3A_205 = arith.constant 1 : i32
      scf.for %parallel_loop3A_207 = %parallel_loop3A_203 to %parallel_loop3A_204 step %parallel_loop3A_205  : i32 {
        %parallel_loop3A_208 = arith.constant 16 : i32
        %parallel_loop3A_209 = arith.muli %parallel_loop3A_207, %parallel_loop3A_208 : i32
        %parallel_loop3A_210 = arith.index_cast %rem3A_160 : i32 to index
        %parallel_loop3A_211 = arith.index_cast %parallel_loop3A_209 : i32 to index
        %parallel_loop3A_212 = tpu.vector_load %arg10[%parallel_loop3A_210, %parallel_loop3A_211] {strides = array<i32>} : memref<2x4096xi32, #tpu.memory_space<vmem>>, vector<16xi32>,
        %parallel_loop3A_213 = arith.constant 16 : i32
        %parallel_loop3A_214 = arith.muli %parallel_loop3A_207, %parallel_loop3A_213 : i32
        %parallel_loop3A_215 = arith.index_cast %rem3A_160 : i32 to index
        %parallel_loop3A_216 = arith.index_cast %parallel_loop3A_214 : i32 to index
        %parallel_loop3A_217 = tpu.vector_load %arg11[%parallel_loop3A_215, %parallel_loop3A_216] {strides = array<i32>} : memref<2x4096xi32, #tpu.memory_space<vmem>>, vector<16xi32>,
        %parallel_loop3A_218 = arith.constant 16 : i32
        %parallel_loop3A_219 = arith.muli %parallel_loop3A_207, %parallel_loop3A_218 : i32
        %parallel_loop3A_220 = arith.index_cast %parallel_loop3A_219 : i32 to index
        %parallel_loop3A_221 = tpu.vector_load %arg13[%parallel_loop3A_220] {strides = array<i32>} : memref<4096xf32, #tpu.memory_space<vmem>>, vector<16xf32>,
        %parallel_loop3A_222 = vector.extract_strided_slice %parallel_loop3A_217 {offsets = [0], sizes = [1], strides = [1]} : vector<16xi32> to vector<1xi32>
        %parallel_loop3A_223 = vector.extract %parallel_loop3A_222[0] : i32 from vector<1xi32>
        %parallel_loop3A_224 = vector.extract_strided_slice %parallel_loop3A_212 {offsets = [0], sizes = [1], strides = [1]} : vector<16xi32> to vector<1xi32>
        %parallel_loop3A_225 = vector.extract %parallel_loop3A_224[0] : i32 from vector<1xi32>
        %parallel_loop3A_226 = arith.index_cast %parallel_loop3A_225 : i32 to index
        %parallel_loop3A_227 = arith.constant 0 : index
        %parallel_loop3A_228 = tpu.vector_load %arg6[%parallel_loop3A_226, %parallel_loop3A_227] {strides = array<i32>} : memref<2048x16xf32, #tpu.memory_space<vmem>>, vector<16xf32>,
        %parallel_loop3A_229 = vector.extract_strided_slice %parallel_loop3A_221 {offsets = [0], sizes = [1], strides = [1]} : vector<16xf32> to vector<1xf32>
        %parallel_loop3A_230 = vector.extract %parallel_loop3A_229[0] : f32 from vector<1xf32>
        %parallel_loop3A_231 = vector.broadcast %parallel_loop3A_230 : f32 to vector<16xf32>
        %parallel_loop3A_232 = arith.mulf %parallel_loop3A_228, %parallel_loop3A_231 : vector<16xf32>
        %parallel_loop3A_233 = arith.index_cast %parallel_loop3A_223 : i32 to index
        %parallel_loop3A_234 = arith.constant 0 : index
        %parallel_loop3A_235 = tpu.vector_load %arg7[%parallel_loop3A_233, %parallel_loop3A_234] {strides = array<i32>} : memref<2048x16xf32, #tpu.memory_space<vmem>>, vector<16xf32>,
        tpu.vector_store %arg7[%parallel_loop3A_233, %parallel_loop3A_234], %parallel_loop3A_232 {add = true, strides = array<i32>} : memref<2048x16xf32, #tpu.memory_space<vmem>>, vector<16xf32>,
        %parallel_loop3A_236 = vector.extract_strided_slice %parallel_loop3A_217 {offsets = [1], sizes = [1], strides = [1]} : vector<16xi32> to vector<1xi32>
        %parallel_loop3A_237 = vector.extract %parallel_loop3A_236[0] : i32 from vector<1xi32>
        %parallel_loop3A_238 = vector.extract_strided_slice %parallel_loop3A_212 {offsets = [1], sizes = [1], strides = [1]} : vector<16xi32> to vector<1xi32>
        %parallel_loop3A_239 = vector.extract %parallel_loop3A_238[0] : i32 from vector<1xi32>
        %parallel_loop3A_240 = arith.index_cast %parallel_loop3A_239 : i32 to index
        %parallel_loop3A_241 = arith.constant 0 : index
        %parallel_loop3A_242 = tpu.vector_load %arg6[%parallel_loop3A_240, %parallel_loop3A_241] {strides = array<i32>} : memref<2048x16xf32, #tpu.memory_space<vmem>>, vector<16xf32>,
        %parallel_loop3A_243 = vector.extract_strided_slice %parallel_loop3A_221 {offsets = [1], sizes = [1], strides = [1]} : vector<16xf32> to vector<1xf32>
        %parallel_loop3A_244 = vector.extract %parallel_loop3A_243[0] : f32 from vector<1xf32>
        %parallel_loop3A_245 = vector.broadcast %parallel_loop3A_244 : f32 to vector<16xf32>
        %parallel_loop3A_246 = arith.mulf %parallel_loop3A_242, %parallel_loop3A_245 : vector<16xf32>
        %parallel_loop3A_247 = arith.index_cast %parallel_loop3A_237 : i32 to index
        %parallel_loop3A_248 = arith.constant 0 : index
        %parallel_loop3A_249 = tpu.vector_load %arg7[%parallel_loop3A_247, %parallel_loop3A_248] {strides = array<i32>} : memref<2048x16xf32, #tpu.memory_space<vmem>>, vector<16xf32>,
        tpu.vector_store %arg7[%parallel_loop3A_247, %parallel_loop3A_248], %parallel_loop3A_246 {add = true, strides = array<i32>} : memref<2048x16xf32, #tpu.memory_space<vmem>>, vector<16xf32>,
        %parallel_loop3A_250 = vector.extract_strided_slice %parallel_loop3A_217 {offsets = [2], sizes = [1], strides = [1]} : vector<16xi32> to vector<1xi32>
        %parallel_loop3A_251 = vector.extract %parallel_loop3A_250[0] : i32 from vector<1xi32>
        %parallel_loop3A_252 = vector.extract_strided_slice %parallel_loop3A_212 {offsets = [2], sizes = [1], strides = [1]} : vector<16xi32> to vector<1xi32>
        %parallel_loop3A_253 = vector.extract %parallel_loop3A_252[0] : i32 from vector<1xi32>
        %parallel_loop3A_254 = arith.index_cast %parallel_loop3A_253 : i32 to index
        %parallel_loop3A_255 = arith.constant 0 : index
        %parallel_loop3A_256 = tpu.vector_load %arg6[%parallel_loop3A_254, %parallel_loop3A_255] {strides = array<i32>} : memref<2048x16xf32, #tpu.memory_space<vmem>>, vector<16xf32>,
        %parallel_loop3A_257 = vector.extract_strided_slice %parallel_loop3A_221 {offsets = [2], sizes = [1], strides = [1]} : vector<16xf32> to vector<1xf32>
        %parallel_loop3A_258 = vector.extract %parallel_loop3A_257[0] : f32 from vector<1xf32>
        %parallel_loop3A_259 = vector.broadcast %parallel_loop3A_258 : f32 to vector<16xf32>
        %parallel_loop3A_260 = arith.mulf %parallel_loop3A_256, %parallel_loop3A_259 : vector<16xf32>
        %parallel_loop3A_261 = arith.index_cast %parallel_loop3A_251 : i32 to index
        %parallel_loop3A_262 = arith.constant 0 : index
        %parallel_loop3A_263 = tpu.vector_load %arg7[%parallel_loop3A_261, %parallel_loop3A_262] {strides = array<i32>} : memref<2048x16xf32, #tpu.memory_space<vmem>>, vector<16xf32>,
        tpu.vector_store %arg7[%parallel_loop3A_261, %parallel_loop3A_262], %parallel_loop3A_260 {add = true, strides = array<i32>} : memref<2048x16xf32, #tpu.memory_space<vmem>>, vector<16xf32>,
        %parallel_loop3A_264 = vector.extract_strided_slice %parallel_loop3A_217 {offsets = [3], sizes = [1], strides = [1]} : vector<16xi32> to vector<1xi32>
        %parallel_loop3A_265 = vector.extract %parallel_loop3A_264[0] : i32 from vector<1xi32>
        %parallel_loop3A_266 = vector.extract_strided_slice %parallel_loop3A_212 {offsets = [3], sizes = [1], strides = [1]} : vector<16xi32> to vector<1xi32>
        %parallel_loop3A_267 = vector.extract %parallel_loop3A_266[0] : i32 from vector<1xi32>
        %parallel_loop3A_268 = arith.index_cast %parallel_loop3A_267 : i32 to index
        %parallel_loop3A_269 = arith.constant 0 : index
        %parallel_loop3A_270 = tpu.vector_load %arg6[%parallel_loop3A_268, %parallel_loop3A_269] {strides = array<i32>} : memref<2048x16xf32, #tpu.memory_space<vmem>>, vector<16xf32>,
        %parallel_loop3A_271 = vector.extract_strided_slice %parallel_loop3A_221 {offsets = [3], sizes = [1], strides = [1]} : vector<16xf32> to vector<1xf32>
        %parallel_loop3A_272 = vector.extract %parallel_loop3A_271[0] : f32 from vector<1xf32>
        %parallel_loop3A_273 = vector.broadcast %parallel_loop3A_272 : f32 to vector<16xf32>
        %parallel_loop3A_274 = arith.mulf %parallel_loop3A_270, %parallel_loop3A_273 : vector<16xf32>
        %parallel_loop3A_275 = arith.index_cast %parallel_loop3A_265 : i32 to index
        %parallel_loop3A_276 = arith.constant 0 : index
        %parallel_loop3A_277 = tpu.vector_load %arg7[%parallel_loop3A_275, %parallel_loop3A_276] {strides = array<i32>} : memref<2048x16xf32, #tpu.memory_space<vmem>>, vector<16xf32>,
        tpu.vector_store %arg7[%parallel_loop3A_275, %parallel_loop3A_276], %parallel_loop3A_274 {add = true, strides = array<i32>} : memref<2048x16xf32, #tpu.memory_space<vmem>>, vector<16xf32>,
        %parallel_loop3A_278 = vector.extract_strided_slice %parallel_loop3A_217 {offsets = [4], sizes = [1], strides = [1]} : vector<16xi32> to vector<1xi32>
        %parallel_loop3A_279 = vector.extract %parallel_loop3A_278[0] : i32 from vector<1xi32>
        %parallel_loop3A_280 = vector.extract_strided_slice %parallel_loop3A_212 {offsets = [4], sizes = [1], strides = [1]} : vector<16xi32> to vector<1xi32>
        %parallel_loop3A_281 = vector.extract %parallel_loop3A_280[0] : i32 from vector<1xi32>
        %parallel_loop3A_282 = arith.index_cast %parallel_loop3A_281 : i32 to index
        %parallel_loop3A_283 = arith.constant 0 : index
        %parallel_loop3A_284 = tpu.vector_load %arg6[%parallel_loop3A_282, %parallel_loop3A_283] {strides = array<i32>} : memref<2048x16xf32, #tpu.memory_space<vmem>>, vector<16xf32>,
        %parallel_loop3A_285 = vector.extract_strided_slice %parallel_loop3A_221 {offsets = [4], sizes = [1], strides = [1]} : vector<16xf32> to vector<1xf32>
        %parallel_loop3A_286 = vector.extract %parallel_loop3A_285[0] : f32 from vector<1xf32>
        %parallel_loop3A_287 = vector.broadcast %parallel_loop3A_286 : f32 to vector<16xf32>
        %parallel_loop3A_288 = arith.mulf %parallel_loop3A_284, %parallel_loop3A_287 : vector<16xf32>
        %parallel_loop3A_289 = arith.index_cast %parallel_loop3A_279 : i32 to index
        %parallel_loop3A_290 = arith.constant 0 : index
        %parallel_loop3A_291 = tpu.vector_load %arg7[%parallel_loop3A_289, %parallel_loop3A_290] {strides = array<i32>} : memref<2048x16xf32, #tpu.memory_space<vmem>>, vector<16xf32>,
        tpu.vector_store %arg7[%parallel_loop3A_289, %parallel_loop3A_290], %parallel_loop3A_288 {add = true, strides = array<i32>} : memref<2048x16xf32, #tpu.memory_space<vmem>>, vector<16xf32>,
        %parallel_loop3A_292 = vector.extract_strided_slice %parallel_loop3A_217 {offsets = [5], sizes = [1], strides = [1]} : vector<16xi32> to vector<1xi32>
        %parallel_loop3A_293 = vector.extract %parallel_loop3A_292[0] : i32 from vector<1xi32>
        %parallel_loop3A_294 = vector.extract_strided_slice %parallel_loop3A_212 {offsets = [5], sizes = [1], strides = [1]} : vector<16xi32> to vector<1xi32>
        %parallel_loop3A_295 = vector.extract %parallel_loop3A_294[0] : i32 from vector<1xi32>
        %parallel_loop3A_296 = arith.index_cast %parallel_loop3A_295 : i32 to index
        %parallel_loop3A_297 = arith.constant 0 : index
        %parallel_loop3A_298 = tpu.vector_load %arg6[%parallel_loop3A_296, %parallel_loop3A_297] {strides = array<i32>} : memref<2048x16xf32, #tpu.memory_space<vmem>>, vector<16xf32>,
        %parallel_loop3A_299 = vector.extract_strided_slice %parallel_loop3A_221 {offsets = [5], sizes = [1], strides = [1]} : vector<16xf32> to vector<1xf32>
        %parallel_loop3A_300 = vector.extract %parallel_loop3A_299[0] : f32 from vector<1xf32>
        %parallel_loop3A_301 = vector.broadcast %parallel_loop3A_300 : f32 to vector<16xf32>
        %parallel_loop3A_302 = arith.mulf %parallel_loop3A_298, %parallel_loop3A_301 : vector<16xf32>
        %parallel_loop3A_303 = arith.index_cast %parallel_loop3A_293 : i32 to index
        %parallel_loop3A_304 = arith.constant 0 : index
        %parallel_loop3A_305 = tpu.vector_load %arg7[%parallel_loop3A_303, %parallel_loop3A_304] {strides = array<i32>} : memref<2048x16xf32, #tpu.memory_space<vmem>>, vector<16xf32>,
        tpu.vector_store %arg7[%parallel_loop3A_303, %parallel_loop3A_304], %parallel_loop3A_302 {add = true, strides = array<i32>} : memref<2048x16xf32, #tpu.memory_space<vmem>>, vector<16xf32>,
        %parallel_loop3A_306 = vector.extract_strided_slice %parallel_loop3A_217 {offsets = [6], sizes = [1], strides = [1]} : vector<16xi32> to vector<1xi32>
        %parallel_loop3A_307 = vector.extract %parallel_loop3A_306[0] : i32 from vector<1xi32>
        %parallel_loop3A_308 = vector.extract_strided_slice %parallel_loop3A_212 {offsets = [6], sizes = [1], strides = [1]} : vector<16xi32> to vector<1xi32>
        %parallel_loop3A_309 = vector.extract %parallel_loop3A_308[0] : i32 from vector<1xi32>
        %parallel_loop3A_310 = arith.index_cast %parallel_loop3A_309 : i32 to index
        %parallel_loop3A_311 = arith.constant 0 : index
        %parallel_loop3A_312 = tpu.vector_load %arg6[%parallel_loop3A_310, %parallel_loop3A_311] {strides = array<i32>} : memref<2048x16xf32, #tpu.memory_space<vmem>>, vector<16xf32>,
        %parallel_loop3A_313 = vector.extract_strided_slice %parallel_loop3A_221 {offsets = [6], sizes = [1], strides = [1]} : vector<16xf32> to vector<1xf32>
        %parallel_loop3A_314 = vector.extract %parallel_loop3A_313[0] : f32 from vector<1xf32>
        %parallel_loop3A_315 = vector.broadcast %parallel_loop3A_314 : f32 to vector<16xf32>
        %parallel_loop3A_316 = arith.mulf %parallel_loop3A_312, %parallel_loop3A_315 : vector<16xf32>
        %parallel_loop3A_317 = arith.index_cast %parallel_loop3A_307 : i32 to index
        %parallel_loop3A_318 = arith.constant 0 : index
        %parallel_loop3A_319 = tpu.vector_load %arg7[%parallel_loop3A_317, %parallel_loop3A_318] {strides = array<i32>} : memref<2048x16xf32, #tpu.memory_space<vmem>>, vector<16xf32>,
        tpu.vector_store %arg7[%parallel_loop3A_317, %parallel_loop3A_318], %parallel_loop3A_316 {add = true, strides = array<i32>} : memref<2048x16xf32, #tpu.memory_space<vmem>>, vector<16xf32>,
        %parallel_loop3A_320 = vector.extract_strided_slice %parallel_loop3A_217 {offsets = [7], sizes = [1], strides = [1]} : vector<16xi32> to vector<1xi32>
        %parallel_loop3A_321 = vector.extract %parallel_loop3A_320[0] : i32 from vector<1xi32>
        %parallel_loop3A_322 = vector.extract_strided_slice %parallel_loop3A_212 {offsets = [7], sizes = [1], strides = [1]} : vector<16xi32> to vector<1xi32>
        %parallel_loop3A_323 = vector.extract %parallel_loop3A_322[0] : i32 from vector<1xi32>
        %parallel_loop3A_324 = arith.index_cast %parallel_loop3A_323 : i32 to index
        %parallel_loop3A_325 = arith.constant 0 : index
        %parallel_loop3A_326 = tpu.vector_load %arg6[%parallel_loop3A_324, %parallel_loop3A_325] {strides = array<i32>} : memref<2048x16xf32, #tpu.memory_space<vmem>>, vector<16xf32>,
        %parallel_loop3A_327 = vector.extract_strided_slice %parallel_loop3A_221 {offsets = [7], sizes = [1], strides = [1]} : vector<16xf32> to vector<1xf32>
        %parallel_loop3A_328 = vector.extract %parallel_loop3A_327[0] : f32 from vector<1xf32>
        %parallel_loop3A_329 = vector.broadcast %parallel_loop3A_328 : f32 to vector<16xf32>
        %parallel_loop3A_330 = arith.mulf %parallel_loop3A_326, %parallel_loop3A_329 : vector<16xf32>
        %parallel_loop3A_331 = arith.index_cast %parallel_loop3A_321 : i32 to index
        %parallel_loop3A_332 = arith.constant 0 : index
        %parallel_loop3A_333 = tpu.vector_load %arg7[%parallel_loop3A_331, %parallel_loop3A_332] {strides = array<i32>} : memref<2048x16xf32, #tpu.memory_space<vmem>>, vector<16xf32>,
        tpu.vector_store %arg7[%parallel_loop3A_331, %parallel_loop3A_332], %parallel_loop3A_330 {add = true, strides = array<i32>} : memref<2048x16xf32, #tpu.memory_space<vmem>>, vector<16xf32>,
        %parallel_loop3A_334 = vector.extract_strided_slice %parallel_loop3A_217 {offsets = [8], sizes = [1], strides = [1]} : vector<16xi32> to vector<1xi32>
        %parallel_loop3A_335 = vector.extract %parallel_loop3A_334[0] : i32 from vector<1xi32>
        %parallel_loop3A_336 = vector.extract_strided_slice %parallel_loop3A_212 {offsets = [8], sizes = [1], strides = [1]} : vector<16xi32> to vector<1xi32>
        %parallel_loop3A_337 = vector.extract %parallel_loop3A_336[0] : i32 from vector<1xi32>
        %parallel_loop3A_338 = arith.index_cast %parallel_loop3A_337 : i32 to index
        %parallel_loop3A_339 = arith.constant 0 : index
        %parallel_loop3A_340 = tpu.vector_load %arg6[%parallel_loop3A_338, %parallel_loop3A_339] {strides = array<i32>} : memref<2048x16xf32, #tpu.memory_space<vmem>>, vector<16xf32>,
        %parallel_loop3A_341 = vector.extract_strided_slice %parallel_loop3A_221 {offsets = [8], sizes = [1], strides = [1]} : vector<16xf32> to vector<1xf32>
        %parallel_loop3A_342 = vector.extract %parallel_loop3A_341[0] : f32 from vector<1xf32>
        %parallel_loop3A_343 = vector.broadcast %parallel_loop3A_342 : f32 to vector<16xf32>
        %parallel_loop3A_344 = arith.mulf %parallel_loop3A_340, %parallel_loop3A_343 : vector<16xf32>
        %parallel_loop3A_345 = arith.index_cast %parallel_loop3A_335 : i32 to index
        %parallel_loop3A_346 = arith.constant 0 : index
        %parallel_loop3A_347 = tpu.vector_load %arg7[%parallel_loop3A_345, %parallel_loop3A_346] {strides = array<i32>} : memref<2048x16xf32, #tpu.memory_space<vmem>>, vector<16xf32>,
        tpu.vector_store %arg7[%parallel_loop3A_345, %parallel_loop3A_346], %parallel_loop3A_344 {add = true, strides = array<i32>} : memref<2048x16xf32, #tpu.memory_space<vmem>>, vector<16xf32>,
        %parallel_loop3A_348 = vector.extract_strided_slice %parallel_loop3A_217 {offsets = [9], sizes = [1], strides = [1]} : vector<16xi32> to vector<1xi32>
        %parallel_loop3A_349 = vector.extract %parallel_loop3A_348[0] : i32 from vector<1xi32>
        %parallel_loop3A_350 = vector.extract_strided_slice %parallel_loop3A_212 {offsets = [9], sizes = [1], strides = [1]} : vector<16xi32> to vector<1xi32>
        %parallel_loop3A_351 = vector.extract %parallel_loop3A_350[0] : i32 from vector<1xi32>
        %parallel_loop3A_352 = arith.index_cast %parallel_loop3A_351 : i32 to index
        %parallel_loop3A_353 = arith.constant 0 : index
        %parallel_loop3A_354 = tpu.vector_load %arg6[%parallel_loop3A_352, %parallel_loop3A_353] {strides = array<i32>} : memref<2048x16xf32, #tpu.memory_space<vmem>>, vector<16xf32>,
        %parallel_loop3A_355 = vector.extract_strided_slice %parallel_loop3A_221 {offsets = [9], sizes = [1], strides = [1]} : vector<16xf32> to vector<1xf32>
        %parallel_loop3A_356 = vector.extract %parallel_loop3A_355[0] : f32 from vector<1xf32>
        %parallel_loop3A_357 = vector.broadcast %parallel_loop3A_356 : f32 to vector<16xf32>
        %parallel_loop3A_358 = arith.mulf %parallel_loop3A_354, %parallel_loop3A_357 : vector<16xf32>
        %parallel_loop3A_359 = arith.index_cast %parallel_loop3A_349 : i32 to index
        %parallel_loop3A_360 = arith.constant 0 : index
        %parallel_loop3A_361 = tpu.vector_load %arg7[%parallel_loop3A_359, %parallel_loop3A_360] {strides = array<i32>} : memref<2048x16xf32, #tpu.memory_space<vmem>>, vector<16xf32>,
        tpu.vector_store %arg7[%parallel_loop3A_359, %parallel_loop3A_360], %parallel_loop3A_358 {add = true, strides = array<i32>} : memref<2048x16xf32, #tpu.memory_space<vmem>>, vector<16xf32>,
        %parallel_loop3A_362 = vector.extract_strided_slice %parallel_loop3A_217 {offsets = [10], sizes = [1], strides = [1]} : vector<16xi32> to vector<1xi32>
        %parallel_loop3A_363 = vector.extract %parallel_loop3A_362[0] : i32 from vector<1xi32>
        %parallel_loop3A_364 = vector.extract_strided_slice %parallel_loop3A_212 {offsets = [10], sizes = [1], strides = [1]} : vector<16xi32> to vector<1xi32>
        %parallel_loop3A_365 = vector.extract %parallel_loop3A_364[0] : i32 from vector<1xi32>
        %parallel_loop3A_366 = arith.index_cast %parallel_loop3A_365 : i32 to index
        %parallel_loop3A_367 = arith.constant 0 : index
        %parallel_loop3A_368 = tpu.vector_load %arg6[%parallel_loop3A_366, %parallel_loop3A_367] {strides = array<i32>} : memref<2048x16xf32, #tpu.memory_space<vmem>>, vector<16xf32>,
        %parallel_loop3A_369 = vector.extract_strided_slice %parallel_loop3A_221 {offsets = [10], sizes = [1], strides = [1]} : vector<16xf32> to vector<1xf32>
        %parallel_loop3A_370 = vector.extract %parallel_loop3A_369[0] : f32 from vector<1xf32>
        %parallel_loop3A_371 = vector.broadcast %parallel_loop3A_370 : f32 to vector<16xf32>
        %parallel_loop3A_372 = arith.mulf %parallel_loop3A_368, %parallel_loop3A_371 : vector<16xf32>
        %parallel_loop3A_373 = arith.index_cast %parallel_loop3A_363 : i32 to index
        %parallel_loop3A_374 = arith.constant 0 : index
        %parallel_loop3A_375 = tpu.vector_load %arg7[%parallel_loop3A_373, %parallel_loop3A_374] {strides = array<i32>} : memref<2048x16xf32, #tpu.memory_space<vmem>>, vector<16xf32>,
        tpu.vector_store %arg7[%parallel_loop3A_373, %parallel_loop3A_374], %parallel_loop3A_372 {add = true, strides = array<i32>} : memref<2048x16xf32, #tpu.memory_space<vmem>>, vector<16xf32>,
        %parallel_loop3A_376 = vector.extract_strided_slice %parallel_loop3A_217 {offsets = [11], sizes = [1], strides = [1]} : vector<16xi32> to vector<1xi32>
        %parallel_loop3A_377 = vector.extract %parallel_loop3A_376[0] : i32 from vector<1xi32>
        %parallel_loop3A_378 = vector.extract_strided_slice %parallel_loop3A_212 {offsets = [11], sizes = [1], strides = [1]} : vector<16xi32> to vector<1xi32>
        %parallel_loop3A_379 = vector.extract %parallel_loop3A_378[0] : i32 from vector<1xi32>
        %parallel_loop3A_380 = arith.index_cast %parallel_loop3A_379 : i32 to index
        %parallel_loop3A_381 = arith.constant 0 : index
        %parallel_loop3A_382 = tpu.vector_load %arg6[%parallel_loop3A_380, %parallel_loop3A_381] {strides = array<i32>} : memref<2048x16xf32, #tpu.memory_space<vmem>>, vector<16xf32>,
        %parallel_loop3A_383 = vector.extract_strided_slice %parallel_loop3A_221 {offsets = [11], sizes = [1], strides = [1]} : vector<16xf32> to vector<1xf32>
        %parallel_loop3A_384 = vector.extract %parallel_loop3A_383[0] : f32 from vector<1xf32>
        %parallel_loop3A_385 = vector.broadcast %parallel_loop3A_384 : f32 to vector<16xf32>
        %parallel_loop3A_386 = arith.mulf %parallel_loop3A_382, %parallel_loop3A_385 : vector<16xf32>
        %parallel_loop3A_387 = arith.index_cast %parallel_loop3A_377 : i32 to index
        %parallel_loop3A_388 = arith.constant 0 : index
        %parallel_loop3A_389 = tpu.vector_load %arg7[%parallel_loop3A_387, %parallel_loop3A_388] {strides = array<i32>} : memref<2048x16xf32, #tpu.memory_space<vmem>>, vector<16xf32>,
        tpu.vector_store %arg7[%parallel_loop3A_387, %parallel_loop3A_388], %parallel_loop3A_386 {add = true, strides = array<i32>} : memref<2048x16xf32, #tpu.memory_space<vmem>>, vector<16xf32>,
        %parallel_loop3A_390 = vector.extract_strided_slice %parallel_loop3A_217 {offsets = [12], sizes = [1], strides = [1]} : vector<16xi32> to vector<1xi32>
        %parallel_loop3A_391 = vector.extract %parallel_loop3A_390[0] : i32 from vector<1xi32>
        %parallel_loop3A_392 = vector.extract_strided_slice %parallel_loop3A_212 {offsets = [12], sizes = [1], strides = [1]} : vector<16xi32> to vector<1xi32>
        %parallel_loop3A_393 = vector.extract %parallel_loop3A_392[0] : i32 from vector<1xi32>
        %parallel_loop3A_394 = arith.index_cast %parallel_loop3A_393 : i32 to index
        %parallel_loop3A_395 = arith.constant 0 : index
        %parallel_loop3A_396 = tpu.vector_load %arg6[%parallel_loop3A_394, %parallel_loop3A_395] {strides = array<i32>} : memref<2048x16xf32, #tpu.memory_space<vmem>>, vector<16xf32>,
        %parallel_loop3A_397 = vector.extract_strided_slice %parallel_loop3A_221 {offsets = [12], sizes = [1], strides = [1]} : vector<16xf32> to vector<1xf32>
        %parallel_loop3A_398 = vector.extract %parallel_loop3A_397[0] : f32 from vector<1xf32>
        %parallel_loop3A_399 = vector.broadcast %parallel_loop3A_398 : f32 to vector<16xf32>
        %parallel_loop3A_400 = arith.mulf %parallel_loop3A_396, %parallel_loop3A_399 : vector<16xf32>
        %parallel_loop3A_401 = arith.index_cast %parallel_loop3A_391 : i32 to index
        %parallel_loop3A_402 = arith.constant 0 : index
        %parallel_loop3A_403 = tpu.vector_load %arg7[%parallel_loop3A_401, %parallel_loop3A_402] {strides = array<i32>} : memref<2048x16xf32, #tpu.memory_space<vmem>>, vector<16xf32>,
        tpu.vector_store %arg7[%parallel_loop3A_401, %parallel_loop3A_402], %parallel_loop3A_400 {add = true, strides = array<i32>} : memref<2048x16xf32, #tpu.memory_space<vmem>>, vector<16xf32>,
        %parallel_loop3A_404 = vector.extract_strided_slice %parallel_loop3A_217 {offsets = [13], sizes = [1], strides = [1]} : vector<16xi32> to vector<1xi32>
        %parallel_loop3A_405 = vector.extract %parallel_loop3A_404[0] : i32 from vector<1xi32>
        %parallel_loop3A_406 = vector.extract_strided_slice %parallel_loop3A_212 {offsets = [13], sizes = [1], strides = [1]} : vector<16xi32> to vector<1xi32>
        %parallel_loop3A_407 = vector.extract %parallel_loop3A_406[0] : i32 from vector<1xi32>
        %parallel_loop3A_408 = arith.index_cast %parallel_loop3A_407 : i32 to index
        %parallel_loop3A_409 = arith.constant 0 : index
        %parallel_loop3A_410 = tpu.vector_load %arg6[%parallel_loop3A_408, %parallel_loop3A_409] {strides = array<i32>} : memref<2048x16xf32, #tpu.memory_space<vmem>>, vector<16xf32>,
        %parallel_loop3A_411 = vector.extract_strided_slice %parallel_loop3A_221 {offsets = [13], sizes = [1], strides = [1]} : vector<16xf32> to vector<1xf32>
        %parallel_loop3A_412 = vector.extract %parallel_loop3A_411[0] : f32 from vector<1xf32>
        %parallel_loop3A_413 = vector.broadcast %parallel_loop3A_412 : f32 to vector<16xf32>
        %parallel_loop3A_414 = arith.mulf %parallel_loop3A_410, %parallel_loop3A_413 : vector<16xf32>
        %parallel_loop3A_415 = arith.index_cast %parallel_loop3A_405 : i32 to index
        %parallel_loop3A_416 = arith.constant 0 : index
        %parallel_loop3A_417 = tpu.vector_load %arg7[%parallel_loop3A_415, %parallel_loop3A_416] {strides = array<i32>} : memref<2048x16xf32, #tpu.memory_space<vmem>>, vector<16xf32>,
        tpu.vector_store %arg7[%parallel_loop3A_415, %parallel_loop3A_416], %parallel_loop3A_414 {add = true, strides = array<i32>} : memref<2048x16xf32, #tpu.memory_space<vmem>>, vector<16xf32>,
        %parallel_loop3A_418 = vector.extract_strided_slice %parallel_loop3A_217 {offsets = [14], sizes = [1], strides = [1]} : vector<16xi32> to vector<1xi32>
        %parallel_loop3A_419 = vector.extract %parallel_loop3A_418[0] : i32 from vector<1xi32>
        %parallel_loop3A_420 = vector.extract_strided_slice %parallel_loop3A_212 {offsets = [14], sizes = [1], strides = [1]} : vector<16xi32> to vector<1xi32>
        %parallel_loop3A_421 = vector.extract %parallel_loop3A_420[0] : i32 from vector<1xi32>
        %parallel_loop3A_422 = arith.index_cast %parallel_loop3A_421 : i32 to index
        %parallel_loop3A_423 = arith.constant 0 : index
        %parallel_loop3A_424 = tpu.vector_load %arg6[%parallel_loop3A_422, %parallel_loop3A_423] {strides = array<i32>} : memref<2048x16xf32, #tpu.memory_space<vmem>>, vector<16xf32>,
        %parallel_loop3A_425 = vector.extract_strided_slice %parallel_loop3A_221 {offsets = [14], sizes = [1], strides = [1]} : vector<16xf32> to vector<1xf32>
        %parallel_loop3A_426 = vector.extract %parallel_loop3A_425[0] : f32 from vector<1xf32>
        %parallel_loop3A_427 = vector.broadcast %parallel_loop3A_426 : f32 to vector<16xf32>
        %parallel_loop3A_428 = arith.mulf %parallel_loop3A_424, %parallel_loop3A_427 : vector<16xf32>
        %parallel_loop3A_429 = arith.index_cast %parallel_loop3A_419 : i32 to index
        %parallel_loop3A_430 = arith.constant 0 : index
        %parallel_loop3A_431 = tpu.vector_load %arg7[%parallel_loop3A_429, %parallel_loop3A_430] {strides = array<i32>} : memref<2048x16xf32, #tpu.memory_space<vmem>>, vector<16xf32>,
        tpu.vector_store %arg7[%parallel_loop3A_429, %parallel_loop3A_430], %parallel_loop3A_428 {add = true, strides = array<i32>} : memref<2048x16xf32, #tpu.memory_space<vmem>>, vector<16xf32>,
        %parallel_loop3A_432 = vector.extract_strided_slice %parallel_loop3A_217 {offsets = [15], sizes = [1], strides = [1]} : vector<16xi32> to vector<1xi32>
        %parallel_loop3A_433 = vector.extract %parallel_loop3A_432[0] : i32 from vector<1xi32>
        %parallel_loop3A_434 = vector.extract_strided_slice %parallel_loop3A_212 {offsets = [15], sizes = [1], strides = [1]} : vector<16xi32> to vector<1xi32>
        %parallel_loop3A_435 = vector.extract %parallel_loop3A_434[0] : i32 from vector<1xi32>
        %parallel_loop3A_436 = arith.index_cast %parallel_loop3A_435 : i32 to index
        %parallel_loop3A_437 = arith.constant 0 : index
        %parallel_loop3A_438 = tpu.vector_load %arg6[%parallel_loop3A_436, %parallel_loop3A_437] {strides = array<i32>} : memref<2048x16xf32, #tpu.memory_space<vmem>>, vector<16xf32>,
        %parallel_loop3A_439 = vector.extract_strided_slice %parallel_loop3A_221 {offsets = [15], sizes = [1], strides = [1]} : vector<16xf32> to vector<1xf32>
        %parallel_loop3A_440 = vector.extract %parallel_loop3A_439[0] : f32 from vector<1xf32>
        %parallel_loop3A_441 = vector.broadcast %parallel_loop3A_440 : f32 to vector<16xf32>
        %parallel_loop3A_442 = arith.mulf %parallel_loop3A_438, %parallel_loop3A_441 : vector<16xf32>
        %parallel_loop3A_443 = arith.index_cast %parallel_loop3A_433 : i32 to index
        %parallel_loop3A_444 = arith.constant 0 : index
        %parallel_loop3A_445 = tpu.vector_load %arg7[%parallel_loop3A_443, %parallel_loop3A_444] {strides = array<i32>} : memref<2048x16xf32, #tpu.memory_space<vmem>>, vector<16xf32>,
        tpu.vector_store %arg7[%parallel_loop3A_443, %parallel_loop3A_444], %parallel_loop3A_442 {add = true, strides = array<i32>} : memref<2048x16xf32, #tpu.memory_space<vmem>>, vector<16xf32>,
      } {sc.loop_unroll_factor = 1 : i64, sc.parallel_access}
      %scan3A_206 = arith.constant 0 : i32
      scf.yield %scan3A_206 : i32
    }
    %scan3A_107 = arith.constant 8 : i32
    %dma_start3A_108 = arith.constant 0 : i32
    %dma_start3A_109 = arith.constant 0 : i32
    %dma_start3A_110 = tpu.memref_slice %arg10[%dma_start3A_108, %dma_start3A_109] : memref<2x4096xi32, #tpu.memory_space<vmem>> -> memref<1x4096xi32, #tpu.memory_space<vmem>>
    %dma_start3A_111 = tpu.memref_squeeze %dma_start3A_110 : memref<1x4096xi32, #tpu.memory_space<vmem>> -> memref<4096xi32, #tpu.memory_space<vmem>>
    %dma_start3A_112 = arith.constant 0 : i32
    %dma_start3A_113 = tpu.memref_slice %arg3[%arg1, %arg0, %dma_start3A_112] : memref<16x2x32768xi32, #tpu.memory_space<hbm>> -> memref<1x1x4096xi32, #tpu.memory_space<hbm>>
    %dma_start3A_114 = tpu.memref_squeeze %dma_start3A_113 : memref<1x1x4096xi32, #tpu.memory_space<hbm>> -> memref<4096xi32, #tpu.memory_space<hbm>>
    %dma_start3A_115 = arith.constant 0 : i32
    %dma_start3A_116 = tpu.memref_slice %arg10[%dma_start3A_108, %dma_start3A_115] : memref<2x4096xi32, #tpu.memory_space<vmem>> -> memref<1x4096xi32, #tpu.memory_space<vmem>>
    %dma_start3A_117 = tpu.memref_squeeze %dma_start3A_116 : memref<1x4096xi32, #tpu.memory_space<vmem>> -> memref<4096xi32, #tpu.memory_space<vmem>>
    %dma_start3A_118 = arith.constant 0 : i32
    %dma_start3A_119 = tpu.memref_slice %arg3[%arg1, %arg0, %dma_start3A_118] : memref<16x2x32768xi32, #tpu.memory_space<hbm>> -> memref<1x1x4096xi32, #tpu.memory_space<hbm>>
    %dma_start3A_120 = tpu.memref_squeeze %dma_start3A_119 : memref<1x1x4096xi32, #tpu.memory_space<hbm>> -> memref<4096xi32, #tpu.memory_space<hbm>>
    tpu.enqueue_dma source(%dma_start3A_120 : memref<4096xi32, #tpu.memory_space<hbm>>) target(%dma_start3A_117 : memref<4096xi32, #tpu.memory_space<vmem>>) target_semaphore(%arg14 : memref<!tpu.dma_semaphore, #tpu.memory_space<semaphore_mem>>)
    %dma_start3A_121 = arith.constant 0 : i32
    %dma_start3A_122 = arith.constant 0 : i32
    %dma_start3A_123 = tpu.memref_slice %arg11[%dma_start3A_121, %dma_start3A_122] : memref<2x4096xi32, #tpu.memory_space<vmem>> -> memref<1x4096xi32, #tpu.memory_space<vmem>>
    %dma_start3A_124 = tpu.memref_squeeze %dma_start3A_123 : memref<1x4096xi32, #tpu.memory_space<vmem>> -> memref<4096xi32, #tpu.memory_space<vmem>>
    %dma_start3A_125 = arith.constant 0 : i32
    %dma_start3A_126 = tpu.memref_slice %arg3[%arg1, %sub3A_0, %dma_start3A_125] : memref<16x2x32768xi32, #tpu.memory_space<hbm>> -> memref<1x1x4096xi32, #tpu.memory_space<hbm>>
    %dma_start3A_127 = tpu.memref_squeeze %dma_start3A_126 : memref<1x1x4096xi32, #tpu.memory_space<hbm>> -> memref<4096xi32, #tpu.memory_space<hbm>>
    %dma_start3A_128 = arith.constant 0 : i32
    %dma_start3A_129 = tpu.memref_slice %arg11[%dma_start3A_121, %dma_start3A_128] : memref<2x4096xi32, #tpu.memory_space<vmem>> -> memref<1x4096xi32, #tpu.memory_space<vmem>>
    %dma_start3A_130 = tpu.memref_squeeze %dma_start3A_129 : memref<1x4096xi32, #tpu.memory_space<vmem>> -> memref<4096xi32, #tpu.memory_space<vmem>>
    %dma_start3A_131 = arith.constant 0 : i32
    %dma_start3A_132 = tpu.memref_slice %arg3[%arg1, %sub3A_0, %dma_start3A_131] : memref<16x2x32768xi32, #tpu.memory_space<hbm>> -> memref<1x1x4096xi32, #tpu.memory_space<hbm>>
    %dma_start3A_133 = tpu.memref_squeeze %dma_start3A_132 : memref<1x1x4096xi32, #tpu.memory_space<hbm>> -> memref<4096xi32, #tpu.memory_space<hbm>>
    tpu.enqueue_dma source(%dma_start3A_133 : memref<4096xi32, #tpu.memory_space<hbm>>) target(%dma_start3A_130 : memref<4096xi32, #tpu.memory_space<vmem>>) target_semaphore(%arg14 : memref<!tpu.dma_semaphore, #tpu.memory_space<semaphore_mem>>)
    %dma_start3A_134 = arith.constant 0 : i32
    %dma_start3A_135 = arith.constant 0 : i32
    %dma_start3A_136 = tpu.memref_slice %arg12[%dma_start3A_134, %dma_start3A_135] : memref<2x4096xf32, #tpu.memory_space<vmem>> -> memref<1x4096xf32, #tpu.memory_space<vmem>>
    %dma_start3A_137 = tpu.memref_squeeze %dma_start3A_136 : memref<1x4096xf32, #tpu.memory_space<vmem>> -> memref<4096xf32, #tpu.memory_space<vmem>>
    %dma_start3A_138 = arith.constant 0 : i32
    %dma_start3A_139 = tpu.memref_slice %arg4[%arg1, %dma_start3A_138] : memref<16x32768xf32, #tpu.memory_space<hbm>> -> memref<1x4096xf32, #tpu.memory_space<hbm>>
    %dma_start3A_140 = tpu.memref_squeeze %dma_start3A_139 : memref<1x4096xf32, #tpu.memory_space<hbm>> -> memref<4096xf32, #tpu.memory_space<hbm>>
    %dma_start3A_141 = arith.constant 0 : i32
    %dma_start3A_142 = tpu.memref_slice %arg12[%dma_start3A_134, %dma_start3A_141] : memref<2x4096xf32, #tpu.memory_space<vmem>> -> memref<1x4096xf32, #tpu.memory_space<vmem>>
    %dma_start3A_143 = tpu.memref_squeeze %dma_start3A_142 : memref<1x4096xf32, #tpu.memory_space<vmem>> -> memref<4096xf32, #tpu.memory_space<vmem>>
    %dma_start3A_144 = arith.constant 0 : i32
    %dma_start3A_145 = tpu.memref_slice %arg4[%arg1, %dma_start3A_144] : memref<16x32768xf32, #tpu.memory_space<hbm>> -> memref<1x4096xf32, #tpu.memory_space<hbm>>
    %dma_start3A_146 = tpu.memref_squeeze %dma_start3A_145 : memref<1x4096xf32, #tpu.memory_space<hbm>> -> memref<4096xf32, #tpu.memory_space<hbm>>
    tpu.enqueue_dma source(%dma_start3A_146 : memref<4096xf32, #tpu.memory_space<hbm>>) target(%dma_start3A_143 : memref<4096xf32, #tpu.memory_space<vmem>>) target_semaphore(%arg14 : memref<!tpu.dma_semaphore, #tpu.memory_space<semaphore_mem>>)
    %scan3A_147 = arith.constant 0 : i32
    %scan3A_148 = arith.constant 0 : i32
    %scan3A_149 = arith.constant 8 : i32
    %scan3A_150 = arith.addi %scan3A_148, %scan3A_149 : i32
    %scan3A_151 = arith.constant 1 : i32
    %scan3A_152 = scf.for %scan3A_158 = %scan3A_148 to %scan3A_150 step %scan3A_151 iter_args(%scan3A_159 = %scan3A_147) -> (i32)  : i32 {
      %rem3A = arith.constant 2 : i32
      %rem3A_160 = arith.remsi %scan3A_158, %rem3A : i32
      %mul3A_161 = arith.constant 4096 : i32
      %mul3A_162 = arith.muli %scan3A_158, %mul3A_161 : i32
      %dma_wait3A_163 = arith.constant 0 : i32
      %dma_wait3A_164 = tpu.memref_slice %arg10[%rem3A_160, %dma_wait3A_163] : memref<2x4096xi32, #tpu.memory_space<vmem>> -> memref<1x4096xi32, #tpu.memory_space<vmem>>
      %dma_wait3A_165 = tpu.memref_squeeze %dma_wait3A_164 : memref<1x4096xi32, #tpu.memory_space<vmem>> -> memref<4096xi32, #tpu.memory_space<vmem>>
      %dma_wait3A_166 = tpu.memref_slice %arg3[%arg1, %arg0, %mul3A_162] : memref<16x2x32768xi32, #tpu.memory_space<hbm>> -> memref<1x1x4096xi32, #tpu.memory_space<hbm>>
      %dma_wait3A_167 = tpu.memref_squeeze %dma_wait3A_166 : memref<1x1x4096xi32, #tpu.memory_space<hbm>> -> memref<4096xi32, #tpu.memory_space<hbm>>
      %dma_wait3A_168 = arith.constant 0 : i32
      %dma_wait3A_169 = tpu.memref_slice %arg10[%rem3A_160, %dma_wait3A_168] : memref<2x4096xi32, #tpu.memory_space<vmem>> -> memref<1x4096xi32, #tpu.memory_space<vmem>>
      %dma_wait3A_170 = tpu.memref_squeeze %dma_wait3A_169 : memref<1x4096xi32, #tpu.memory_space<vmem>> -> memref<4096xi32, #tpu.memory_space<vmem>>
      %dma_wait3A_171 = tpu.memref_slice %arg3[%arg1, %arg0, %mul3A_162] : memref<16x2x32768xi32, #tpu.memory_space<hbm>> -> memref<1x1x4096xi32, #tpu.memory_space<hbm>>
      %dma_wait3A_172 = tpu.memref_squeeze %dma_wait3A_171 : memref<1x1x4096xi32, #tpu.memory_space<hbm>> -> memref<4096xi32, #tpu.memory_space<hbm>>
      tpu.wait_dma2 semaphore(%arg14 : memref<!tpu.dma_semaphore, #tpu.memory_space<semaphore_mem>>) src(%dma_wait3A_172 : memref<4096xi32, #tpu.memory_space<hbm>>) dst(%dma_wait3A_170 : memref<4096xi32, #tpu.memory_space<vmem>>)
      %mul3A_173 = arith.constant 4096 : i32
      %mul3A_174 = arith.muli %scan3A_158, %mul3A_173 : i32
      %dma_wait3A_175 = arith.constant 0 : i32
      %dma_wait3A_176 = tpu.memref_slice %arg11[%rem3A_160, %dma_wait3A_175] : memref<2x4096xi32, #tpu.memory_space<vmem>> -> memref<1x4096xi32, #tpu.memory_space<vmem>>
      %dma_wait3A_177 = tpu.memref_squeeze %dma_wait3A_176 : memref<1x4096xi32, #tpu.memory_space<vmem>> -> memref<4096xi32, #tpu.memory_space<vmem>>
      %dma_wait3A_178 = tpu.memref_slice %arg3[%arg1, %sub3A_0, %mul3A_174] : memref<16x2x32768xi32, #tpu.memory_space<hbm>> -> memref<1x1x4096xi32, #tpu.memory_space<hbm>>
      %dma_wait3A_179 = tpu.memref_squeeze %dma_wait3A_178 : memref<1x1x4096xi32, #tpu.memory_space<hbm>> -> memref<4096xi32, #tpu.memory_space<hbm>>
      %dma_wait3A_180 = arith.constant 0 : i32
      %dma_wait3A_181 = tpu.memref_slice %arg11[%rem3A_160, %dma_wait3A_180] : memref<2x4096xi32, #tpu.memory_space<vmem>> -> memref<1x4096xi32, #tpu.memory_space<vmem>>
      %dma_wait3A_182 = tpu.memref_squeeze %dma_wait3A_181 : memref<1x4096xi32, #tpu.memory_space<vmem>> -> memref<4096xi32, #tpu.memory_space<vmem>>
      %dma_wait3A_183 = tpu.memref_slice %arg3[%arg1, %sub3A_0, %mul3A_174] : memref<16x2x32768xi32, #tpu.memory_space<hbm>> -> memref<1x1x4096xi32, #tpu.memory_space<hbm>>
      %dma_wait3A_184 = tpu.memref_squeeze %dma_wait3A_183 : memref<1x1x4096xi32, #tpu.memory_space<hbm>> -> memref<4096xi32, #tpu.memory_space<hbm>>
      tpu.wait_dma2 semaphore(%arg14 : memref<!tpu.dma_semaphore, #tpu.memory_space<semaphore_mem>>) src(%dma_wait3A_184 : memref<4096xi32, #tpu.memory_space<hbm>>) dst(%dma_wait3A_182 : memref<4096xi32, #tpu.memory_space<vmem>>)
      %mul3A_185 = arith.constant 4096 : i32
      %mul3A_186 = arith.muli %scan3A_158, %mul3A_185 : i32
      %dma_wait3A_187 = arith.constant 0 : i32
      %dma_wait3A_188 = tpu.memref_slice %arg12[%rem3A_160, %dma_wait3A_187] : memref<2x4096xf32, #tpu.memory_space<vmem>> -> memref<1x4096xf32, #tpu.memory_space<vmem>>
      %dma_wait3A_189 = tpu.memref_squeeze %dma_wait3A_188 : memref<1x4096xf32, #tpu.memory_space<vmem>> -> memref<4096xf32, #tpu.memory_space<vmem>>
      %dma_wait3A_190 = tpu.memref_slice %arg4[%arg1, %mul3A_186] : memref<16x32768xf32, #tpu.memory_space<hbm>> -> memref<1x4096xf32, #tpu.memory_space<hbm>>
      %dma_wait3A_191 = tpu.memref_squeeze %dma_wait3A_190 : memref<1x4096xf32, #tpu.memory_space<hbm>> -> memref<4096xf32, #tpu.memory_space<hbm>>
      %dma_wait3A_192 = arith.constant 0 : i32
      %dma_wait3A_193 = tpu.memref_slice %arg12[%rem3A_160, %dma_wait3A_192] : memref<2x4096xf32, #tpu.memory_space<vmem>> -> memref<1x4096xf32, #tpu.memory_space<vmem>>
      %dma_wait3A_194 = tpu.memref_squeeze %dma_wait3A_193 : memref<1x4096xf32, #tpu.memory_space<vmem>> -> memref<4096xf32, #tpu.memory_space<vmem>>
      %dma_wait3A_195 = tpu.memref_slice %arg4[%arg1, %mul3A_186] : memref<16x32768xf32, #tpu.memory_space<hbm>> -> memref<1x4096xf32, #tpu.memory_space<hbm>>
      %dma_wait3A_196 = tpu.memref_squeeze %dma_wait3A_195 : memref<1x4096xf32, #tpu.memory_space<hbm>> -> memref<4096xf32, #tpu.memory_space<hbm>>
      tpu.wait_dma2 semaphore(%arg14 : memref<!tpu.dma_semaphore, #tpu.memory_space<semaphore_mem>>) src(%dma_wait3A_196 : memref<4096xf32, #tpu.memory_space<hbm>>) dst(%dma_wait3A_194 : memref<4096xf32, #tpu.memory_space<vmem>>)
      %add3A_197 = arith.constant 1 : i32
      %add3A_198 = arith.addi %scan3A_158, %add3A_197 : i32
      %lt3A = arith.constant 8 : i32
      %lt3A_199 = arith.cmpi slt, %add3A_198, %lt3A : i32
      %convert_element_type3A = arith.extui %lt3A_199 : i1 to i32
      %cond3A = arith.constant 0 : i32
      %cond3A_200 = arith.cmpi ne, %convert_element_type3A, %cond3A : i32
      scf.if %cond3A_200 {
        %add3A_207 = arith.constant 1 : i32
        %add3A_208 = arith.addi %scan3A_158, %add3A_207 : i32
        %sub3A_209 = arith.constant 1 : i32
        %sub3A_210 = arith.subi %sub3A_209, %rem3A_160 : i32
        %mul3A_211 = arith.constant 4096 : i32
        %mul3A_212 = arith.muli %add3A_208, %mul3A_211 : i32
        %dma_start3A_213 = arith.constant 0 : i32
        %dma_start3A_214 = tpu.memref_slice %arg10[%sub3A_210, %dma_start3A_213] : memref<2x4096xi32, #tpu.memory_space<vmem>> -> memref<1x4096xi32, #tpu.memory_space<vmem>>
        %dma_start3A_215 = tpu.memref_squeeze %dma_start3A_214 : memref<1x4096xi32, #tpu.memory_space<vmem>> -> memref<4096xi32, #tpu.memory_space<vmem>>
        %dma_start3A_216 = tpu.memref_slice %arg3[%arg1, %arg0, %mul3A_212] : memref<16x2x32768xi32, #tpu.memory_space<hbm>> -> memref<1x1x4096xi32, #tpu.memory_space<hbm>>
        %dma_start3A_217 = tpu.memref_squeeze %dma_start3A_216 : memref<1x1x4096xi32, #tpu.memory_space<hbm>> -> memref<4096xi32, #tpu.memory_space<hbm>>
        %dma_start3A_218 = arith.constant 0 : i32
        %dma_start3A_219 = tpu.memref_slice %arg10[%sub3A_210, %dma_start3A_218] : memref<2x4096xi32, #tpu.memory_space<vmem>> -> memref<1x4096xi32, #tpu.memory_space<vmem>>
        %dma_start3A_220 = tpu.memref_squeeze %dma_start3A_219 : memref<1x4096xi32, #tpu.memory_space<vmem>> -> memref<4096xi32, #tpu.memory_space<vmem>>
        %dma_start3A_221 = tpu.memref_slice %arg3[%arg1, %arg0, %mul3A_212] : memref<16x2x32768xi32, #tpu.memory_space<hbm>> -> memref<1x1x4096xi32, #tpu.memory_space<hbm>>
        %dma_start3A_222 = tpu.memref_squeeze %dma_start3A_221 : memref<1x1x4096xi32, #tpu.memory_space<hbm>> -> memref<4096xi32, #tpu.memory_space<hbm>>
        tpu.enqueue_dma source(%dma_start3A_222 : memref<4096xi32, #tpu.memory_space<hbm>>) target(%dma_start3A_220 : memref<4096xi32, #tpu.memory_space<vmem>>) target_semaphore(%arg14 : memref<!tpu.dma_semaphore, #tpu.memory_space<semaphore_mem>>)
        %mul3A_223 = arith.constant 4096 : i32
        %mul3A_224 = arith.muli %add3A_208, %mul3A_223 : i32
        %dma_start3A_225 = arith.constant 0 : i32
        %dma_start3A_226 = tpu.memref_slice %arg11[%sub3A_210, %dma_start3A_225] : memref<2x4096xi32, #tpu.memory_space<vmem>> -> memref<1x4096xi32, #tpu.memory_space<vmem>>
        %dma_start3A_227 = tpu.memref_squeeze %dma_start3A_226 : memref<1x4096xi32, #tpu.memory_space<vmem>> -> memref<4096xi32, #tpu.memory_space<vmem>>
        %dma_start3A_228 = tpu.memref_slice %arg3[%arg1, %sub3A_0, %mul3A_224] : memref<16x2x32768xi32, #tpu.memory_space<hbm>> -> memref<1x1x4096xi32, #tpu.memory_space<hbm>>
        %dma_start3A_229 = tpu.memref_squeeze %dma_start3A_228 : memref<1x1x4096xi32, #tpu.memory_space<hbm>> -> memref<4096xi32, #tpu.memory_space<hbm>>
        %dma_start3A_230 = arith.constant 0 : i32
        %dma_start3A_231 = tpu.memref_slice %arg11[%sub3A_210, %dma_start3A_230] : memref<2x4096xi32, #tpu.memory_space<vmem>> -> memref<1x4096xi32, #tpu.memory_space<vmem>>
        %dma_start3A_232 = tpu.memref_squeeze %dma_start3A_231 : memref<1x4096xi32, #tpu.memory_space<vmem>> -> memref<4096xi32, #tpu.memory_space<vmem>>
        %dma_start3A_233 = tpu.memref_slice %arg3[%arg1, %sub3A_0, %mul3A_224] : memref<16x2x32768xi32, #tpu.memory_space<hbm>> -> memref<1x1x4096xi32, #tpu.memory_space<hbm>>
        %dma_start3A_234 = tpu.memref_squeeze %dma_start3A_233 : memref<1x1x4096xi32, #tpu.memory_space<hbm>> -> memref<4096xi32, #tpu.memory_space<hbm>>
        tpu.enqueue_dma source(%dma_start3A_234 : memref<4096xi32, #tpu.memory_space<hbm>>) target(%dma_start3A_232 : memref<4096xi32, #tpu.memory_space<vmem>>) target_semaphore(%arg14 : memref<!tpu.dma_semaphore, #tpu.memory_space<semaphore_mem>>)
        %mul3A_235 = arith.constant 4096 : i32
        %mul3A_236 = arith.muli %add3A_208, %mul3A_235 : i32
        %dma_start3A_237 = arith.constant 0 : i32
        %dma_start3A_238 = tpu.memref_slice %arg12[%sub3A_210, %dma_start3A_237] : memref<2x4096xf32, #tpu.memory_space<vmem>> -> memref<1x4096xf32, #tpu.memory_space<vmem>>
        %dma_start3A_239 = tpu.memref_squeeze %dma_start3A_238 : memref<1x4096xf32, #tpu.memory_space<vmem>> -> memref<4096xf32, #tpu.memory_space<vmem>>
        %dma_start3A_240 = tpu.memref_slice %arg4[%arg1, %mul3A_236] : memref<16x32768xf32, #tpu.memory_space<hbm>> -> memref<1x4096xf32, #tpu.memory_space<hbm>>
        %dma_start3A_241 = tpu.memref_squeeze %dma_start3A_240 : memref<1x4096xf32, #tpu.memory_space<hbm>> -> memref<4096xf32, #tpu.memory_space<hbm>>
        %dma_start3A_242 = arith.constant 0 : i32
        %dma_start3A_243 = tpu.memref_slice %arg12[%sub3A_210, %dma_start3A_242] : memref<2x4096xf32, #tpu.memory_space<vmem>> -> memref<1x4096xf32, #tpu.memory_space<vmem>>
        %dma_start3A_244 = tpu.memref_squeeze %dma_start3A_243 : memref<1x4096xf32, #tpu.memory_space<vmem>> -> memref<4096xf32, #tpu.memory_space<vmem>>
        %dma_start3A_245 = tpu.memref_slice %arg4[%arg1, %mul3A_236] : memref<16x32768xf32, #tpu.memory_space<hbm>> -> memref<1x4096xf32, #tpu.memory_space<hbm>>
        %dma_start3A_246 = tpu.memref_squeeze %dma_start3A_245 : memref<1x4096xf32, #tpu.memory_space<hbm>> -> memref<4096xf32, #tpu.memory_space<hbm>>
        tpu.enqueue_dma source(%dma_start3A_246 : memref<4096xf32, #tpu.memory_space<hbm>>) target(%dma_start3A_244 : memref<4096xf32, #tpu.memory_space<vmem>>) target_semaphore(%arg14 : memref<!tpu.dma_semaphore, #tpu.memory_space<semaphore_mem>>)
      } else {
      }
      %parallel_loop3A = arith.constant 0 : i32
      %parallel_loop3A_201 = arith.constant 256 : i32
      %parallel_loop3A_202 = arith.constant 1 : i32
      scf.for %parallel_loop3A_207 = %parallel_loop3A to %parallel_loop3A_201 step %parallel_loop3A_202  : i32 {
        %parallel_loop3A_208 = arith.constant 16 : i32
        %parallel_loop3A_209 = arith.muli %parallel_loop3A_207, %parallel_loop3A_208 : i32
        %parallel_loop3A_210 = arith.index_cast %rem3A_160 : i32 to index
        %parallel_loop3A_211 = arith.index_cast %parallel_loop3A_209 : i32 to index
        %parallel_loop3A_212 = tpu.vector_load %arg10[%parallel_loop3A_210, %parallel_loop3A_211] {strides = array<i32>} : memref<2x4096xi32, #tpu.memory_space<vmem>>, vector<16xi32>,
        %parallel_loop3A_213 = arith.constant 16 : i32
        %parallel_loop3A_214 = arith.muli %parallel_loop3A_207, %parallel_loop3A_213 : i32
        %parallel_loop3A_215 = arith.index_cast %rem3A_160 : i32 to index
        %parallel_loop3A_216 = arith.index_cast %parallel_loop3A_214 : i32 to index
        %parallel_loop3A_217 = tpu.vector_load %arg12[%parallel_loop3A_215, %parallel_loop3A_216] {strides = array<i32>} : memref<2x4096xf32, #tpu.memory_space<vmem>>, vector<16xf32>,
        %parallel_loop3A_218 = tpu.vector_load_idx %arg9[%parallel_loop3A_212] : memref<2048xf32, #tpu.memory_space<vmem>>[vector<16xi32>], vector<16xf32>,
        %parallel_loop3A_219 = arith.divf %parallel_loop3A_217, %parallel_loop3A_218 : vector<16xf32>
        %parallel_loop3A_220 = arith.constant 16 : i32
        %parallel_loop3A_221 = arith.muli %parallel_loop3A_207, %parallel_loop3A_220 : i32
        %parallel_loop3A_222 = arith.index_cast %parallel_loop3A_221 : i32 to index
        %parallel_loop3A_223 = tpu.vector_load %arg13[%parallel_loop3A_222] {strides = array<i32>} : memref<4096xf32, #tpu.memory_space<vmem>>, vector<16xf32>,
        tpu.vector_store %arg13[%parallel_loop3A_222], %parallel_loop3A_219 {strides = array<i32>} : memref<4096xf32, #tpu.memory_space<vmem>>, vector<16xf32>,
      } {sc.loop_unroll_factor = 4 : i64, sc.parallel_access}
      %parallel_loop3A_203 = arith.constant 0 : i32
      %parallel_loop3A_204 = arith.constant 256 : i32
      %parallel_loop3A_205 = arith.constant 1 : i32
      scf.for %parallel_loop3A_207 = %parallel_loop3A_203 to %parallel_loop3A_204 step %parallel_loop3A_205  : i32 {
        %parallel_loop3A_208 = arith.constant 16 : i32
        %parallel_loop3A_209 = arith.muli %parallel_loop3A_207, %parallel_loop3A_208 : i32
        %parallel_loop3A_210 = arith.index_cast %rem3A_160 : i32 to index
        %parallel_loop3A_211 = arith.index_cast %parallel_loop3A_209 : i32 to index
        %parallel_loop3A_212 = tpu.vector_load %arg10[%parallel_loop3A_210, %parallel_loop3A_211] {strides = array<i32>} : memref<2x4096xi32, #tpu.memory_space<vmem>>, vector<16xi32>,
        %parallel_loop3A_213 = arith.constant 16 : i32
        %parallel_loop3A_214 = arith.muli %parallel_loop3A_207, %parallel_loop3A_213 : i32
        %parallel_loop3A_215 = arith.index_cast %rem3A_160 : i32 to index
        %parallel_loop3A_216 = arith.index_cast %parallel_loop3A_214 : i32 to index
        %parallel_loop3A_217 = tpu.vector_load %arg11[%parallel_loop3A_215, %parallel_loop3A_216] {strides = array<i32>} : memref<2x4096xi32, #tpu.memory_space<vmem>>, vector<16xi32>,
        %parallel_loop3A_218 = arith.constant 16 : i32
        %parallel_loop3A_219 = arith.muli %parallel_loop3A_207, %parallel_loop3A_218 : i32
        %parallel_loop3A_220 = arith.index_cast %parallel_loop3A_219 : i32 to index
        %parallel_loop3A_221 = tpu.vector_load %arg13[%parallel_loop3A_220] {strides = array<i32>} : memref<4096xf32, #tpu.memory_space<vmem>>, vector<16xf32>,
        %parallel_loop3A_222 = vector.extract_strided_slice %parallel_loop3A_217 {offsets = [0], sizes = [1], strides = [1]} : vector<16xi32> to vector<1xi32>
        %parallel_loop3A_223 = vector.extract %parallel_loop3A_222[0] : i32 from vector<1xi32>
        %parallel_loop3A_224 = vector.extract_strided_slice %parallel_loop3A_212 {offsets = [0], sizes = [1], strides = [1]} : vector<16xi32> to vector<1xi32>
        %parallel_loop3A_225 = vector.extract %parallel_loop3A_224[0] : i32 from vector<1xi32>
        %parallel_loop3A_226 = arith.index_cast %parallel_loop3A_225 : i32 to index
        %parallel_loop3A_227 = arith.constant 0 : index
        %parallel_loop3A_228 = tpu.vector_load %arg7[%parallel_loop3A_226, %parallel_loop3A_227] {strides = array<i32>} : memref<2048x16xf32, #tpu.memory_space<vmem>>, vector<16xf32>,
        %parallel_loop3A_229 = vector.extract_strided_slice %parallel_loop3A_221 {offsets = [0], sizes = [1], strides = [1]} : vector<16xf32> to vector<1xf32>
        %parallel_loop3A_230 = vector.extract %parallel_loop3A_229[0] : f32 from vector<1xf32>
        %parallel_loop3A_231 = vector.broadcast %parallel_loop3A_230 : f32 to vector<16xf32>
        %parallel_loop3A_232 = arith.mulf %parallel_loop3A_228, %parallel_loop3A_231 : vector<16xf32>
        %parallel_loop3A_233 = arith.index_cast %parallel_loop3A_223 : i32 to index
        %parallel_loop3A_234 = arith.constant 0 : index
        %parallel_loop3A_235 = tpu.vector_load %arg8[%parallel_loop3A_233, %parallel_loop3A_234] {strides = array<i32>} : memref<2048x16xf32, #tpu.memory_space<vmem>>, vector<16xf32>,
        tpu.vector_store %arg8[%parallel_loop3A_233, %parallel_loop3A_234], %parallel_loop3A_232 {add = true, strides = array<i32>} : memref<2048x16xf32, #tpu.memory_space<vmem>>, vector<16xf32>,
        %parallel_loop3A_236 = vector.extract_strided_slice %parallel_loop3A_217 {offsets = [1], sizes = [1], strides = [1]} : vector<16xi32> to vector<1xi32>
        %parallel_loop3A_237 = vector.extract %parallel_loop3A_236[0] : i32 from vector<1xi32>
        %parallel_loop3A_238 = vector.extract_strided_slice %parallel_loop3A_212 {offsets = [1], sizes = [1], strides = [1]} : vector<16xi32> to vector<1xi32>
        %parallel_loop3A_239 = vector.extract %parallel_loop3A_238[0] : i32 from vector<1xi32>
        %parallel_loop3A_240 = arith.index_cast %parallel_loop3A_239 : i32 to index
        %parallel_loop3A_241 = arith.constant 0 : index
        %parallel_loop3A_242 = tpu.vector_load %arg7[%parallel_loop3A_240, %parallel_loop3A_241] {strides = array<i32>} : memref<2048x16xf32, #tpu.memory_space<vmem>>, vector<16xf32>,
        %parallel_loop3A_243 = vector.extract_strided_slice %parallel_loop3A_221 {offsets = [1], sizes = [1], strides = [1]} : vector<16xf32> to vector<1xf32>
        %parallel_loop3A_244 = vector.extract %parallel_loop3A_243[0] : f32 from vector<1xf32>
        %parallel_loop3A_245 = vector.broadcast %parallel_loop3A_244 : f32 to vector<16xf32>
        %parallel_loop3A_246 = arith.mulf %parallel_loop3A_242, %parallel_loop3A_245 : vector<16xf32>
        %parallel_loop3A_247 = arith.index_cast %parallel_loop3A_237 : i32 to index
        %parallel_loop3A_248 = arith.constant 0 : index
        %parallel_loop3A_249 = tpu.vector_load %arg8[%parallel_loop3A_247, %parallel_loop3A_248] {strides = array<i32>} : memref<2048x16xf32, #tpu.memory_space<vmem>>, vector<16xf32>,
        tpu.vector_store %arg8[%parallel_loop3A_247, %parallel_loop3A_248], %parallel_loop3A_246 {add = true, strides = array<i32>} : memref<2048x16xf32, #tpu.memory_space<vmem>>, vector<16xf32>,
        %parallel_loop3A_250 = vector.extract_strided_slice %parallel_loop3A_217 {offsets = [2], sizes = [1], strides = [1]} : vector<16xi32> to vector<1xi32>
        %parallel_loop3A_251 = vector.extract %parallel_loop3A_250[0] : i32 from vector<1xi32>
        %parallel_loop3A_252 = vector.extract_strided_slice %parallel_loop3A_212 {offsets = [2], sizes = [1], strides = [1]} : vector<16xi32> to vector<1xi32>
        %parallel_loop3A_253 = vector.extract %parallel_loop3A_252[0] : i32 from vector<1xi32>
        %parallel_loop3A_254 = arith.index_cast %parallel_loop3A_253 : i32 to index
        %parallel_loop3A_255 = arith.constant 0 : index
        %parallel_loop3A_256 = tpu.vector_load %arg7[%parallel_loop3A_254, %parallel_loop3A_255] {strides = array<i32>} : memref<2048x16xf32, #tpu.memory_space<vmem>>, vector<16xf32>,
        %parallel_loop3A_257 = vector.extract_strided_slice %parallel_loop3A_221 {offsets = [2], sizes = [1], strides = [1]} : vector<16xf32> to vector<1xf32>
        %parallel_loop3A_258 = vector.extract %parallel_loop3A_257[0] : f32 from vector<1xf32>
        %parallel_loop3A_259 = vector.broadcast %parallel_loop3A_258 : f32 to vector<16xf32>
        %parallel_loop3A_260 = arith.mulf %parallel_loop3A_256, %parallel_loop3A_259 : vector<16xf32>
        %parallel_loop3A_261 = arith.index_cast %parallel_loop3A_251 : i32 to index
        %parallel_loop3A_262 = arith.constant 0 : index
        %parallel_loop3A_263 = tpu.vector_load %arg8[%parallel_loop3A_261, %parallel_loop3A_262] {strides = array<i32>} : memref<2048x16xf32, #tpu.memory_space<vmem>>, vector<16xf32>,
        tpu.vector_store %arg8[%parallel_loop3A_261, %parallel_loop3A_262], %parallel_loop3A_260 {add = true, strides = array<i32>} : memref<2048x16xf32, #tpu.memory_space<vmem>>, vector<16xf32>,
        %parallel_loop3A_264 = vector.extract_strided_slice %parallel_loop3A_217 {offsets = [3], sizes = [1], strides = [1]} : vector<16xi32> to vector<1xi32>
        %parallel_loop3A_265 = vector.extract %parallel_loop3A_264[0] : i32 from vector<1xi32>
        %parallel_loop3A_266 = vector.extract_strided_slice %parallel_loop3A_212 {offsets = [3], sizes = [1], strides = [1]} : vector<16xi32> to vector<1xi32>
        %parallel_loop3A_267 = vector.extract %parallel_loop3A_266[0] : i32 from vector<1xi32>
        %parallel_loop3A_268 = arith.index_cast %parallel_loop3A_267 : i32 to index
        %parallel_loop3A_269 = arith.constant 0 : index
        %parallel_loop3A_270 = tpu.vector_load %arg7[%parallel_loop3A_268, %parallel_loop3A_269] {strides = array<i32>} : memref<2048x16xf32, #tpu.memory_space<vmem>>, vector<16xf32>,
        %parallel_loop3A_271 = vector.extract_strided_slice %parallel_loop3A_221 {offsets = [3], sizes = [1], strides = [1]} : vector<16xf32> to vector<1xf32>
        %parallel_loop3A_272 = vector.extract %parallel_loop3A_271[0] : f32 from vector<1xf32>
        %parallel_loop3A_273 = vector.broadcast %parallel_loop3A_272 : f32 to vector<16xf32>
        %parallel_loop3A_274 = arith.mulf %parallel_loop3A_270, %parallel_loop3A_273 : vector<16xf32>
        %parallel_loop3A_275 = arith.index_cast %parallel_loop3A_265 : i32 to index
        %parallel_loop3A_276 = arith.constant 0 : index
        %parallel_loop3A_277 = tpu.vector_load %arg8[%parallel_loop3A_275, %parallel_loop3A_276] {strides = array<i32>} : memref<2048x16xf32, #tpu.memory_space<vmem>>, vector<16xf32>,
        tpu.vector_store %arg8[%parallel_loop3A_275, %parallel_loop3A_276], %parallel_loop3A_274 {add = true, strides = array<i32>} : memref<2048x16xf32, #tpu.memory_space<vmem>>, vector<16xf32>,
        %parallel_loop3A_278 = vector.extract_strided_slice %parallel_loop3A_217 {offsets = [4], sizes = [1], strides = [1]} : vector<16xi32> to vector<1xi32>
        %parallel_loop3A_279 = vector.extract %parallel_loop3A_278[0] : i32 from vector<1xi32>
        %parallel_loop3A_280 = vector.extract_strided_slice %parallel_loop3A_212 {offsets = [4], sizes = [1], strides = [1]} : vector<16xi32> to vector<1xi32>
        %parallel_loop3A_281 = vector.extract %parallel_loop3A_280[0] : i32 from vector<1xi32>
        %parallel_loop3A_282 = arith.index_cast %parallel_loop3A_281 : i32 to index
        %parallel_loop3A_283 = arith.constant 0 : index
        %parallel_loop3A_284 = tpu.vector_load %arg7[%parallel_loop3A_282, %parallel_loop3A_283] {strides = array<i32>} : memref<2048x16xf32, #tpu.memory_space<vmem>>, vector<16xf32>,
        %parallel_loop3A_285 = vector.extract_strided_slice %parallel_loop3A_221 {offsets = [4], sizes = [1], strides = [1]} : vector<16xf32> to vector<1xf32>
        %parallel_loop3A_286 = vector.extract %parallel_loop3A_285[0] : f32 from vector<1xf32>
        %parallel_loop3A_287 = vector.broadcast %parallel_loop3A_286 : f32 to vector<16xf32>
        %parallel_loop3A_288 = arith.mulf %parallel_loop3A_284, %parallel_loop3A_287 : vector<16xf32>
        %parallel_loop3A_289 = arith.index_cast %parallel_loop3A_279 : i32 to index
        %parallel_loop3A_290 = arith.constant 0 : index
        %parallel_loop3A_291 = tpu.vector_load %arg8[%parallel_loop3A_289, %parallel_loop3A_290] {strides = array<i32>} : memref<2048x16xf32, #tpu.memory_space<vmem>>, vector<16xf32>,
        tpu.vector_store %arg8[%parallel_loop3A_289, %parallel_loop3A_290], %parallel_loop3A_288 {add = true, strides = array<i32>} : memref<2048x16xf32, #tpu.memory_space<vmem>>, vector<16xf32>,
        %parallel_loop3A_292 = vector.extract_strided_slice %parallel_loop3A_217 {offsets = [5], sizes = [1], strides = [1]} : vector<16xi32> to vector<1xi32>
        %parallel_loop3A_293 = vector.extract %parallel_loop3A_292[0] : i32 from vector<1xi32>
        %parallel_loop3A_294 = vector.extract_strided_slice %parallel_loop3A_212 {offsets = [5], sizes = [1], strides = [1]} : vector<16xi32> to vector<1xi32>
        %parallel_loop3A_295 = vector.extract %parallel_loop3A_294[0] : i32 from vector<1xi32>
        %parallel_loop3A_296 = arith.index_cast %parallel_loop3A_295 : i32 to index
        %parallel_loop3A_297 = arith.constant 0 : index
        %parallel_loop3A_298 = tpu.vector_load %arg7[%parallel_loop3A_296, %parallel_loop3A_297] {strides = array<i32>} : memref<2048x16xf32, #tpu.memory_space<vmem>>, vector<16xf32>,
        %parallel_loop3A_299 = vector.extract_strided_slice %parallel_loop3A_221 {offsets = [5], sizes = [1], strides = [1]} : vector<16xf32> to vector<1xf32>
        %parallel_loop3A_300 = vector.extract %parallel_loop3A_299[0] : f32 from vector<1xf32>
        %parallel_loop3A_301 = vector.broadcast %parallel_loop3A_300 : f32 to vector<16xf32>
        %parallel_loop3A_302 = arith.mulf %parallel_loop3A_298, %parallel_loop3A_301 : vector<16xf32>
        %parallel_loop3A_303 = arith.index_cast %parallel_loop3A_293 : i32 to index
        %parallel_loop3A_304 = arith.constant 0 : index
        %parallel_loop3A_305 = tpu.vector_load %arg8[%parallel_loop3A_303, %parallel_loop3A_304] {strides = array<i32>} : memref<2048x16xf32, #tpu.memory_space<vmem>>, vector<16xf32>,
        tpu.vector_store %arg8[%parallel_loop3A_303, %parallel_loop3A_304], %parallel_loop3A_302 {add = true, strides = array<i32>} : memref<2048x16xf32, #tpu.memory_space<vmem>>, vector<16xf32>,
        %parallel_loop3A_306 = vector.extract_strided_slice %parallel_loop3A_217 {offsets = [6], sizes = [1], strides = [1]} : vector<16xi32> to vector<1xi32>
        %parallel_loop3A_307 = vector.extract %parallel_loop3A_306[0] : i32 from vector<1xi32>
        %parallel_loop3A_308 = vector.extract_strided_slice %parallel_loop3A_212 {offsets = [6], sizes = [1], strides = [1]} : vector<16xi32> to vector<1xi32>
        %parallel_loop3A_309 = vector.extract %parallel_loop3A_308[0] : i32 from vector<1xi32>
        %parallel_loop3A_310 = arith.index_cast %parallel_loop3A_309 : i32 to index
        %parallel_loop3A_311 = arith.constant 0 : index
        %parallel_loop3A_312 = tpu.vector_load %arg7[%parallel_loop3A_310, %parallel_loop3A_311] {strides = array<i32>} : memref<2048x16xf32, #tpu.memory_space<vmem>>, vector<16xf32>,
        %parallel_loop3A_313 = vector.extract_strided_slice %parallel_loop3A_221 {offsets = [6], sizes = [1], strides = [1]} : vector<16xf32> to vector<1xf32>
        %parallel_loop3A_314 = vector.extract %parallel_loop3A_313[0] : f32 from vector<1xf32>
        %parallel_loop3A_315 = vector.broadcast %parallel_loop3A_314 : f32 to vector<16xf32>
        %parallel_loop3A_316 = arith.mulf %parallel_loop3A_312, %parallel_loop3A_315 : vector<16xf32>
        %parallel_loop3A_317 = arith.index_cast %parallel_loop3A_307 : i32 to index
        %parallel_loop3A_318 = arith.constant 0 : index
        %parallel_loop3A_319 = tpu.vector_load %arg8[%parallel_loop3A_317, %parallel_loop3A_318] {strides = array<i32>} : memref<2048x16xf32, #tpu.memory_space<vmem>>, vector<16xf32>,
        tpu.vector_store %arg8[%parallel_loop3A_317, %parallel_loop3A_318], %parallel_loop3A_316 {add = true, strides = array<i32>} : memref<2048x16xf32, #tpu.memory_space<vmem>>, vector<16xf32>,
        %parallel_loop3A_320 = vector.extract_strided_slice %parallel_loop3A_217 {offsets = [7], sizes = [1], strides = [1]} : vector<16xi32> to vector<1xi32>
        %parallel_loop3A_321 = vector.extract %parallel_loop3A_320[0] : i32 from vector<1xi32>
        %parallel_loop3A_322 = vector.extract_strided_slice %parallel_loop3A_212 {offsets = [7], sizes = [1], strides = [1]} : vector<16xi32> to vector<1xi32>
        %parallel_loop3A_323 = vector.extract %parallel_loop3A_322[0] : i32 from vector<1xi32>
        %parallel_loop3A_324 = arith.index_cast %parallel_loop3A_323 : i32 to index
        %parallel_loop3A_325 = arith.constant 0 : index
        %parallel_loop3A_326 = tpu.vector_load %arg7[%parallel_loop3A_324, %parallel_loop3A_325] {strides = array<i32>} : memref<2048x16xf32, #tpu.memory_space<vmem>>, vector<16xf32>,
        %parallel_loop3A_327 = vector.extract_strided_slice %parallel_loop3A_221 {offsets = [7], sizes = [1], strides = [1]} : vector<16xf32> to vector<1xf32>
        %parallel_loop3A_328 = vector.extract %parallel_loop3A_327[0] : f32 from vector<1xf32>
        %parallel_loop3A_329 = vector.broadcast %parallel_loop3A_328 : f32 to vector<16xf32>
        %parallel_loop3A_330 = arith.mulf %parallel_loop3A_326, %parallel_loop3A_329 : vector<16xf32>
        %parallel_loop3A_331 = arith.index_cast %parallel_loop3A_321 : i32 to index
        %parallel_loop3A_332 = arith.constant 0 : index
        %parallel_loop3A_333 = tpu.vector_load %arg8[%parallel_loop3A_331, %parallel_loop3A_332] {strides = array<i32>} : memref<2048x16xf32, #tpu.memory_space<vmem>>, vector<16xf32>,
        tpu.vector_store %arg8[%parallel_loop3A_331, %parallel_loop3A_332], %parallel_loop3A_330 {add = true, strides = array<i32>} : memref<2048x16xf32, #tpu.memory_space<vmem>>, vector<16xf32>,
        %parallel_loop3A_334 = vector.extract_strided_slice %parallel_loop3A_217 {offsets = [8], sizes = [1], strides = [1]} : vector<16xi32> to vector<1xi32>
        %parallel_loop3A_335 = vector.extract %parallel_loop3A_334[0] : i32 from vector<1xi32>
        %parallel_loop3A_336 = vector.extract_strided_slice %parallel_loop3A_212 {offsets = [8], sizes = [1], strides = [1]} : vector<16xi32> to vector<1xi32>
        %parallel_loop3A_337 = vector.extract %parallel_loop3A_336[0] : i32 from vector<1xi32>
        %parallel_loop3A_338 = arith.index_cast %parallel_loop3A_337 : i32 to index
        %parallel_loop3A_339 = arith.constant 0 : index
        %parallel_loop3A_340 = tpu.vector_load %arg7[%parallel_loop3A_338, %parallel_loop3A_339] {strides = array<i32>} : memref<2048x16xf32, #tpu.memory_space<vmem>>, vector<16xf32>,
        %parallel_loop3A_341 = vector.extract_strided_slice %parallel_loop3A_221 {offsets = [8], sizes = [1], strides = [1]} : vector<16xf32> to vector<1xf32>
        %parallel_loop3A_342 = vector.extract %parallel_loop3A_341[0] : f32 from vector<1xf32>
        %parallel_loop3A_343 = vector.broadcast %parallel_loop3A_342 : f32 to vector<16xf32>
        %parallel_loop3A_344 = arith.mulf %parallel_loop3A_340, %parallel_loop3A_343 : vector<16xf32>
        %parallel_loop3A_345 = arith.index_cast %parallel_loop3A_335 : i32 to index
        %parallel_loop3A_346 = arith.constant 0 : index
        %parallel_loop3A_347 = tpu.vector_load %arg8[%parallel_loop3A_345, %parallel_loop3A_346] {strides = array<i32>} : memref<2048x16xf32, #tpu.memory_space<vmem>>, vector<16xf32>,
        tpu.vector_store %arg8[%parallel_loop3A_345, %parallel_loop3A_346], %parallel_loop3A_344 {add = true, strides = array<i32>} : memref<2048x16xf32, #tpu.memory_space<vmem>>, vector<16xf32>,
        %parallel_loop3A_348 = vector.extract_strided_slice %parallel_loop3A_217 {offsets = [9], sizes = [1], strides = [1]} : vector<16xi32> to vector<1xi32>
        %parallel_loop3A_349 = vector.extract %parallel_loop3A_348[0] : i32 from vector<1xi32>
        %parallel_loop3A_350 = vector.extract_strided_slice %parallel_loop3A_212 {offsets = [9], sizes = [1], strides = [1]} : vector<16xi32> to vector<1xi32>
        %parallel_loop3A_351 = vector.extract %parallel_loop3A_350[0] : i32 from vector<1xi32>
        %parallel_loop3A_352 = arith.index_cast %parallel_loop3A_351 : i32 to index
        %parallel_loop3A_353 = arith.constant 0 : index
        %parallel_loop3A_354 = tpu.vector_load %arg7[%parallel_loop3A_352, %parallel_loop3A_353] {strides = array<i32>} : memref<2048x16xf32, #tpu.memory_space<vmem>>, vector<16xf32>,
        %parallel_loop3A_355 = vector.extract_strided_slice %parallel_loop3A_221 {offsets = [9], sizes = [1], strides = [1]} : vector<16xf32> to vector<1xf32>
        %parallel_loop3A_356 = vector.extract %parallel_loop3A_355[0] : f32 from vector<1xf32>
        %parallel_loop3A_357 = vector.broadcast %parallel_loop3A_356 : f32 to vector<16xf32>
        %parallel_loop3A_358 = arith.mulf %parallel_loop3A_354, %parallel_loop3A_357 : vector<16xf32>
        %parallel_loop3A_359 = arith.index_cast %parallel_loop3A_349 : i32 to index
        %parallel_loop3A_360 = arith.constant 0 : index
        %parallel_loop3A_361 = tpu.vector_load %arg8[%parallel_loop3A_359, %parallel_loop3A_360] {strides = array<i32>} : memref<2048x16xf32, #tpu.memory_space<vmem>>, vector<16xf32>,
        tpu.vector_store %arg8[%parallel_loop3A_359, %parallel_loop3A_360], %parallel_loop3A_358 {add = true, strides = array<i32>} : memref<2048x16xf32, #tpu.memory_space<vmem>>, vector<16xf32>,
        %parallel_loop3A_362 = vector.extract_strided_slice %parallel_loop3A_217 {offsets = [10], sizes = [1], strides = [1]} : vector<16xi32> to vector<1xi32>
        %parallel_loop3A_363 = vector.extract %parallel_loop3A_362[0] : i32 from vector<1xi32>
        %parallel_loop3A_364 = vector.extract_strided_slice %parallel_loop3A_212 {offsets = [10], sizes = [1], strides = [1]} : vector<16xi32> to vector<1xi32>
        %parallel_loop3A_365 = vector.extract %parallel_loop3A_364[0] : i32 from vector<1xi32>
        %parallel_loop3A_366 = arith.index_cast %parallel_loop3A_365 : i32 to index
        %parallel_loop3A_367 = arith.constant 0 : index
        %parallel_loop3A_368 = tpu.vector_load %arg7[%parallel_loop3A_366, %parallel_loop3A_367] {strides = array<i32>} : memref<2048x16xf32, #tpu.memory_space<vmem>>, vector<16xf32>,
        %parallel_loop3A_369 = vector.extract_strided_slice %parallel_loop3A_221 {offsets = [10], sizes = [1], strides = [1]} : vector<16xf32> to vector<1xf32>
        %parallel_loop3A_370 = vector.extract %parallel_loop3A_369[0] : f32 from vector<1xf32>
        %parallel_loop3A_371 = vector.broadcast %parallel_loop3A_370 : f32 to vector<16xf32>
        %parallel_loop3A_372 = arith.mulf %parallel_loop3A_368, %parallel_loop3A_371 : vector<16xf32>
        %parallel_loop3A_373 = arith.index_cast %parallel_loop3A_363 : i32 to index
        %parallel_loop3A_374 = arith.constant 0 : index
        %parallel_loop3A_375 = tpu.vector_load %arg8[%parallel_loop3A_373, %parallel_loop3A_374] {strides = array<i32>} : memref<2048x16xf32, #tpu.memory_space<vmem>>, vector<16xf32>,
        tpu.vector_store %arg8[%parallel_loop3A_373, %parallel_loop3A_374], %parallel_loop3A_372 {add = true, strides = array<i32>} : memref<2048x16xf32, #tpu.memory_space<vmem>>, vector<16xf32>,
        %parallel_loop3A_376 = vector.extract_strided_slice %parallel_loop3A_217 {offsets = [11], sizes = [1], strides = [1]} : vector<16xi32> to vector<1xi32>
        %parallel_loop3A_377 = vector.extract %parallel_loop3A_376[0] : i32 from vector<1xi32>
        %parallel_loop3A_378 = vector.extract_strided_slice %parallel_loop3A_212 {offsets = [11], sizes = [1], strides = [1]} : vector<16xi32> to vector<1xi32>
        %parallel_loop3A_379 = vector.extract %parallel_loop3A_378[0] : i32 from vector<1xi32>
        %parallel_loop3A_380 = arith.index_cast %parallel_loop3A_379 : i32 to index
        %parallel_loop3A_381 = arith.constant 0 : index
        %parallel_loop3A_382 = tpu.vector_load %arg7[%parallel_loop3A_380, %parallel_loop3A_381] {strides = array<i32>} : memref<2048x16xf32, #tpu.memory_space<vmem>>, vector<16xf32>,
        %parallel_loop3A_383 = vector.extract_strided_slice %parallel_loop3A_221 {offsets = [11], sizes = [1], strides = [1]} : vector<16xf32> to vector<1xf32>
        %parallel_loop3A_384 = vector.extract %parallel_loop3A_383[0] : f32 from vector<1xf32>
        %parallel_loop3A_385 = vector.broadcast %parallel_loop3A_384 : f32 to vector<16xf32>
        %parallel_loop3A_386 = arith.mulf %parallel_loop3A_382, %parallel_loop3A_385 : vector<16xf32>
        %parallel_loop3A_387 = arith.index_cast %parallel_loop3A_377 : i32 to index
        %parallel_loop3A_388 = arith.constant 0 : index
        %parallel_loop3A_389 = tpu.vector_load %arg8[%parallel_loop3A_387, %parallel_loop3A_388] {strides = array<i32>} : memref<2048x16xf32, #tpu.memory_space<vmem>>, vector<16xf32>,
        tpu.vector_store %arg8[%parallel_loop3A_387, %parallel_loop3A_388], %parallel_loop3A_386 {add = true, strides = array<i32>} : memref<2048x16xf32, #tpu.memory_space<vmem>>, vector<16xf32>,
        %parallel_loop3A_390 = vector.extract_strided_slice %parallel_loop3A_217 {offsets = [12], sizes = [1], strides = [1]} : vector<16xi32> to vector<1xi32>
        %parallel_loop3A_391 = vector.extract %parallel_loop3A_390[0] : i32 from vector<1xi32>
        %parallel_loop3A_392 = vector.extract_strided_slice %parallel_loop3A_212 {offsets = [12], sizes = [1], strides = [1]} : vector<16xi32> to vector<1xi32>
        %parallel_loop3A_393 = vector.extract %parallel_loop3A_392[0] : i32 from vector<1xi32>
        %parallel_loop3A_394 = arith.index_cast %parallel_loop3A_393 : i32 to index
        %parallel_loop3A_395 = arith.constant 0 : index
        %parallel_loop3A_396 = tpu.vector_load %arg7[%parallel_loop3A_394, %parallel_loop3A_395] {strides = array<i32>} : memref<2048x16xf32, #tpu.memory_space<vmem>>, vector<16xf32>,
        %parallel_loop3A_397 = vector.extract_strided_slice %parallel_loop3A_221 {offsets = [12], sizes = [1], strides = [1]} : vector<16xf32> to vector<1xf32>
        %parallel_loop3A_398 = vector.extract %parallel_loop3A_397[0] : f32 from vector<1xf32>
        %parallel_loop3A_399 = vector.broadcast %parallel_loop3A_398 : f32 to vector<16xf32>
        %parallel_loop3A_400 = arith.mulf %parallel_loop3A_396, %parallel_loop3A_399 : vector<16xf32>
        %parallel_loop3A_401 = arith.index_cast %parallel_loop3A_391 : i32 to index
        %parallel_loop3A_402 = arith.constant 0 : index
        %parallel_loop3A_403 = tpu.vector_load %arg8[%parallel_loop3A_401, %parallel_loop3A_402] {strides = array<i32>} : memref<2048x16xf32, #tpu.memory_space<vmem>>, vector<16xf32>,
        tpu.vector_store %arg8[%parallel_loop3A_401, %parallel_loop3A_402], %parallel_loop3A_400 {add = true, strides = array<i32>} : memref<2048x16xf32, #tpu.memory_space<vmem>>, vector<16xf32>,
        %parallel_loop3A_404 = vector.extract_strided_slice %parallel_loop3A_217 {offsets = [13], sizes = [1], strides = [1]} : vector<16xi32> to vector<1xi32>
        %parallel_loop3A_405 = vector.extract %parallel_loop3A_404[0] : i32 from vector<1xi32>
        %parallel_loop3A_406 = vector.extract_strided_slice %parallel_loop3A_212 {offsets = [13], sizes = [1], strides = [1]} : vector<16xi32> to vector<1xi32>
        %parallel_loop3A_407 = vector.extract %parallel_loop3A_406[0] : i32 from vector<1xi32>
        %parallel_loop3A_408 = arith.index_cast %parallel_loop3A_407 : i32 to index
        %parallel_loop3A_409 = arith.constant 0 : index
        %parallel_loop3A_410 = tpu.vector_load %arg7[%parallel_loop3A_408, %parallel_loop3A_409] {strides = array<i32>} : memref<2048x16xf32, #tpu.memory_space<vmem>>, vector<16xf32>,
        %parallel_loop3A_411 = vector.extract_strided_slice %parallel_loop3A_221 {offsets = [13], sizes = [1], strides = [1]} : vector<16xf32> to vector<1xf32>
        %parallel_loop3A_412 = vector.extract %parallel_loop3A_411[0] : f32 from vector<1xf32>
        %parallel_loop3A_413 = vector.broadcast %parallel_loop3A_412 : f32 to vector<16xf32>
        %parallel_loop3A_414 = arith.mulf %parallel_loop3A_410, %parallel_loop3A_413 : vector<16xf32>
        %parallel_loop3A_415 = arith.index_cast %parallel_loop3A_405 : i32 to index
        %parallel_loop3A_416 = arith.constant 0 : index
        %parallel_loop3A_417 = tpu.vector_load %arg8[%parallel_loop3A_415, %parallel_loop3A_416] {strides = array<i32>} : memref<2048x16xf32, #tpu.memory_space<vmem>>, vector<16xf32>,
        tpu.vector_store %arg8[%parallel_loop3A_415, %parallel_loop3A_416], %parallel_loop3A_414 {add = true, strides = array<i32>} : memref<2048x16xf32, #tpu.memory_space<vmem>>, vector<16xf32>,
        %parallel_loop3A_418 = vector.extract_strided_slice %parallel_loop3A_217 {offsets = [14], sizes = [1], strides = [1]} : vector<16xi32> to vector<1xi32>
        %parallel_loop3A_419 = vector.extract %parallel_loop3A_418[0] : i32 from vector<1xi32>
        %parallel_loop3A_420 = vector.extract_strided_slice %parallel_loop3A_212 {offsets = [14], sizes = [1], strides = [1]} : vector<16xi32> to vector<1xi32>
        %parallel_loop3A_421 = vector.extract %parallel_loop3A_420[0] : i32 from vector<1xi32>
        %parallel_loop3A_422 = arith.index_cast %parallel_loop3A_421 : i32 to index
        %parallel_loop3A_423 = arith.constant 0 : index
        %parallel_loop3A_424 = tpu.vector_load %arg7[%parallel_loop3A_422, %parallel_loop3A_423] {strides = array<i32>} : memref<2048x16xf32, #tpu.memory_space<vmem>>, vector<16xf32>,
        %parallel_loop3A_425 = vector.extract_strided_slice %parallel_loop3A_221 {offsets = [14], sizes = [1], strides = [1]} : vector<16xf32> to vector<1xf32>
        %parallel_loop3A_426 = vector.extract %parallel_loop3A_425[0] : f32 from vector<1xf32>
        %parallel_loop3A_427 = vector.broadcast %parallel_loop3A_426 : f32 to vector<16xf32>
        %parallel_loop3A_428 = arith.mulf %parallel_loop3A_424, %parallel_loop3A_427 : vector<16xf32>
        %parallel_loop3A_429 = arith.index_cast %parallel_loop3A_419 : i32 to index
        %parallel_loop3A_430 = arith.constant 0 : index
        %parallel_loop3A_431 = tpu.vector_load %arg8[%parallel_loop3A_429, %parallel_loop3A_430] {strides = array<i32>} : memref<2048x16xf32, #tpu.memory_space<vmem>>, vector<16xf32>,
        tpu.vector_store %arg8[%parallel_loop3A_429, %parallel_loop3A_430], %parallel_loop3A_428 {add = true, strides = array<i32>} : memref<2048x16xf32, #tpu.memory_space<vmem>>, vector<16xf32>,
        %parallel_loop3A_432 = vector.extract_strided_slice %parallel_loop3A_217 {offsets = [15], sizes = [1], strides = [1]} : vector<16xi32> to vector<1xi32>
        %parallel_loop3A_433 = vector.extract %parallel_loop3A_432[0] : i32 from vector<1xi32>
        %parallel_loop3A_434 = vector.extract_strided_slice %parallel_loop3A_212 {offsets = [15], sizes = [1], strides = [1]} : vector<16xi32> to vector<1xi32>
        %parallel_loop3A_435 = vector.extract %parallel_loop3A_434[0] : i32 from vector<1xi32>
        %parallel_loop3A_436 = arith.index_cast %parallel_loop3A_435 : i32 to index
        %parallel_loop3A_437 = arith.constant 0 : index
        %parallel_loop3A_438 = tpu.vector_load %arg7[%parallel_loop3A_436, %parallel_loop3A_437] {strides = array<i32>} : memref<2048x16xf32, #tpu.memory_space<vmem>>, vector<16xf32>,
        %parallel_loop3A_439 = vector.extract_strided_slice %parallel_loop3A_221 {offsets = [15], sizes = [1], strides = [1]} : vector<16xf32> to vector<1xf32>
        %parallel_loop3A_440 = vector.extract %parallel_loop3A_439[0] : f32 from vector<1xf32>
        %parallel_loop3A_441 = vector.broadcast %parallel_loop3A_440 : f32 to vector<16xf32>
        %parallel_loop3A_442 = arith.mulf %parallel_loop3A_438, %parallel_loop3A_441 : vector<16xf32>
        %parallel_loop3A_443 = arith.index_cast %parallel_loop3A_433 : i32 to index
        %parallel_loop3A_444 = arith.constant 0 : index
        %parallel_loop3A_445 = tpu.vector_load %arg8[%parallel_loop3A_443, %parallel_loop3A_444] {strides = array<i32>} : memref<2048x16xf32, #tpu.memory_space<vmem>>, vector<16xf32>,
        tpu.vector_store %arg8[%parallel_loop3A_443, %parallel_loop3A_444], %parallel_loop3A_442 {add = true, strides = array<i32>} : memref<2048x16xf32, #tpu.memory_space<vmem>>, vector<16xf32>,
      } {sc.loop_unroll_factor = 1 : i64, sc.parallel_access}
      %scan3A_206 = arith.constant 0 : i32
      scf.yield %scan3A_206 : i32
    }
    %scan3A_153 = arith.constant 8 : i32
    %mul3A = arith.constant 2 : i32
    %mul3A_154 = arith.muli %mul3A, %arg0 : i32
    "tpu.region"() ({
      %run_scoped3A = tpu.sem_alloc : memref<!tpu.dma_semaphore, #tpu.memory_space<semaphore_mem>>
      %dma_start3A_158 = arith.constant 0 : i32
      %dma_start3A_159 = arith.constant 0 : i32
      %dma_start3A_160 = tpu.memref_slice %arg5[%arg1, %mul3A_154, %dma_start3A_158, %dma_start3A_159] : memref<16x4x2048x16xf32, #tpu.memory_space<hbm>> -> memref<1x1x2048x16xf32, #tpu.memory_space<hbm>>
      %dma_start3A_161 = tpu.memref_squeeze %dma_start3A_160 : memref<1x1x2048x16xf32, #tpu.memory_space<hbm>> -> memref<2048x16xf32, #tpu.memory_space<hbm>>
      %dma_start3A_162 = arith.constant 0 : i32
      %dma_start3A_163 = arith.constant 0 : i32
      %dma_start3A_164 = tpu.memref_slice %arg5[%arg1, %mul3A_154, %dma_start3A_162, %dma_start3A_163] : memref<16x4x2048x16xf32, #tpu.memory_space<hbm>> -> memref<1x1x2048x16xf32, #tpu.memory_space<hbm>>
      %dma_start3A_165 = tpu.memref_squeeze %dma_start3A_164 : memref<1x1x2048x16xf32, #tpu.memory_space<hbm>> -> memref<2048x16xf32, #tpu.memory_space<hbm>>
      tpu.enqueue_dma source(%arg7 : memref<2048x16xf32, #tpu.memory_space<vmem>>) target(%dma_start3A_165 : memref<2048x16xf32, #tpu.memory_space<hbm>>) target_semaphore(%run_scoped3A : memref<!tpu.dma_semaphore, #tpu.memory_space<semaphore_mem>>)
      %dma_wait3A_166 = arith.constant 0 : i32
      %dma_wait3A_167 = arith.constant 0 : i32
      %dma_wait3A_168 = tpu.memref_slice %arg5[%arg1, %mul3A_154, %dma_wait3A_166, %dma_wait3A_167] : memref<16x4x2048x16xf32, #tpu.memory_space<hbm>> -> memref<1x1x2048x16xf32, #tpu.memory_space<hbm>>
      %dma_wait3A_169 = tpu.memref_squeeze %dma_wait3A_168 : memref<1x1x2048x16xf32, #tpu.memory_space<hbm>> -> memref<2048x16xf32, #tpu.memory_space<hbm>>
      %dma_wait3A_170 = arith.constant 0 : i32
      %dma_wait3A_171 = arith.constant 0 : i32
      %dma_wait3A_172 = tpu.memref_slice %arg5[%arg1, %mul3A_154, %dma_wait3A_170, %dma_wait3A_171] : memref<16x4x2048x16xf32, #tpu.memory_space<hbm>> -> memref<1x1x2048x16xf32, #tpu.memory_space<hbm>>
      %dma_wait3A_173 = tpu.memref_squeeze %dma_wait3A_172 : memref<1x1x2048x16xf32, #tpu.memory_space<hbm>> -> memref<2048x16xf32, #tpu.memory_space<hbm>>
      tpu.wait_dma2 semaphore(%run_scoped3A : memref<!tpu.dma_semaphore, #tpu.memory_space<semaphore_mem>>) src(%arg7 : memref<2048x16xf32, #tpu.memory_space<vmem>>) dst(%dma_wait3A_173 : memref<2048x16xf32, #tpu.memory_space<hbm>>)
      tpu.yield
    }) : () -> ()
    %mul3A_155 = arith.constant 2 : i32
    %mul3A_156 = arith.muli %mul3A_155, %arg0 : i32
    %add3A = arith.constant 1 : i32
    %add3A_157 = arith.addi %mul3A_156, %add3A : i32
    "tpu.region"() ({
      %run_scoped3A = tpu.sem_alloc : memref<!tpu.dma_semaphore, #tpu.memory_space<semaphore_mem>>
      %dma_start3A_158 = arith.constant 0 : i32
      %dma_start3A_159 = arith.constant 0 : i32
      %dma_start3A_160 = tpu.memref_slice %arg5[%arg1, %add3A_157, %dma_start3A_158, %dma_start3A_159] : memref<16x4x2048x16xf32, #tpu.memory_space<hbm>> -> memref<1x1x2048x16xf32, #tpu.memory_space<hbm>>
      %dma_start3A_161 = tpu.memref_squeeze %dma_start3A_160 : memref<1x1x2048x16xf32, #tpu.memory_space<hbm>> -> memref<2048x16xf32, #tpu.memory_space<hbm>>
      %dma_start3A_162 = arith.constant 0 : i32
      %dma_start3A_163 = arith.constant 0 : i32
      %dma_start3A_164 = tpu.memref_slice %arg5[%arg1, %add3A_157, %dma_start3A_162, %dma_start3A_163] : memref<16x4x2048x16xf32, #tpu.memory_space<hbm>> -> memref<1x1x2048x16xf32, #tpu.memory_space<hbm>>
      %dma_start3A_165 = tpu.memref_squeeze %dma_start3A_164 : memref<1x1x2048x16xf32, #tpu.memory_space<hbm>> -> memref<2048x16xf32, #tpu.memory_space<hbm>>
      tpu.enqueue_dma source(%arg8 : memref<2048x16xf32, #tpu.memory_space<vmem>>) target(%dma_start3A_165 : memref<2048x16xf32, #tpu.memory_space<hbm>>) target_semaphore(%run_scoped3A : memref<!tpu.dma_semaphore, #tpu.memory_space<semaphore_mem>>)
      %dma_wait3A_166 = arith.constant 0 : i32
      %dma_wait3A_167 = arith.constant 0 : i32
      %dma_wait3A_168 = tpu.memref_slice %arg5[%arg1, %add3A_157, %dma_wait3A_166, %dma_wait3A_167] : memref<16x4x2048x16xf32, #tpu.memory_space<hbm>> -> memref<1x1x2048x16xf32, #tpu.memory_space<hbm>>
      %dma_wait3A_169 = tpu.memref_squeeze %dma_wait3A_168 : memref<1x1x2048x16xf32, #tpu.memory_space<hbm>> -> memref<2048x16xf32, #tpu.memory_space<hbm>>
      %dma_wait3A_170 = arith.constant 0 : i32
      %dma_wait3A_171 = arith.constant 0 : i32
      %dma_wait3A_172 = tpu.memref_slice %arg5[%arg1, %add3A_157, %dma_wait3A_170, %dma_wait3A_171] : memref<16x4x2048x16xf32, #tpu.memory_space<hbm>> -> memref<1x1x2048x16xf32, #tpu.memory_space<hbm>>
      %dma_wait3A_173 = tpu.memref_squeeze %dma_wait3A_172 : memref<1x1x2048x16xf32, #tpu.memory_space<hbm>> -> memref<2048x16xf32, #tpu.memory_space<hbm>>
      tpu.wait_dma2 semaphore(%run_scoped3A : memref<!tpu.dma_semaphore, #tpu.memory_space<semaphore_mem>>) src(%arg8 : memref<2048x16xf32, #tpu.memory_space<vmem>>) dst(%dma_wait3A_173 : memref<2048x16xf32, #tpu.memory_space<hbm>>)
      tpu.yield
    }) : () -> ()
    return
  }
}

module attributes {stable_mosaic.version = 14 : i64} {
  func.func @_tc_body(%arg0: i32, %arg1: memref<128x16x64xf32, #tpu.memory_space<vmem>>, %arg2: memref<128x16x16xf32, #tpu.memory_space<vmem>>, %arg3: memref<64x128xf32, #tpu.memory_space<vmem>>, %arg4: memref<1x128xf32, #tpu.memory_space<vmem>>, %arg5: memref<144x512xf32, #tpu.memory_space<vmem>>, %arg6: memref<128x512xbf16, #tpu.memory_space<vmem>>, %arg7: memref<1x512xf32, #tpu.memory_space<vmem>>, %arg8: memref<128x128xf32, #tpu.memory_space<vmem>>, %arg9: memref<1x128xf32, #tpu.memory_space<vmem>>, %arg10: memref<128x128xf32, #tpu.memory_space<vmem>>, %arg11: memref<1x128xf32, #tpu.memory_space<vmem>>, %arg12: memref<128x8xf32, #tpu.memory_space<vmem>>, %arg13: memref<1x8xf32, #tpu.memory_space<vmem>>, %arg14: memref<128x16x128xf32, #tpu.memory_space<vmem>>, %arg15: memref<128x16x128xf32, #tpu.memory_space<vmem>>, %arg16: memref<128x16x8xf32, #tpu.memory_space<vmem>>, %arg17: memref<16x128xf32, #tpu.memory_space<vmem>>, %arg18: memref<16x128xf32, #tpu.memory_space<vmem>>, %arg19: memref<128x16x512xf32, #tpu.memory_space<vmem>>, %arg20: memref<128x16x128xf32, #tpu.memory_space<vmem>>) attributes {dimension_semantics = [#tpu.dimension_semantics<arbitrary>], iteration_bounds = array<i64: 16>, scalar_prefetch = 0 : i64, scratch_operands = 4 : i64, tpu.core_type = #tpu.core_type<tc>, window_params = [{transform_indices = @transform_0, window_bounds = array<i64: 128, 16, 64>}, {transform_indices = @transform_1, window_bounds = array<i64: 128, 16, 16>}, {pipeline_mode = #tpu.pipeline_mode<synchronous>, transform_indices = @transform_2, window_bounds = array<i64: 64, 128>}, {pipeline_mode = #tpu.pipeline_mode<synchronous>, transform_indices = @transform_3, window_bounds = array<i64: 1, 128>}, {pipeline_mode = #tpu.pipeline_mode<synchronous>, transform_indices = @transform_4, window_bounds = array<i64: 144, 512>}, {pipeline_mode = #tpu.pipeline_mode<synchronous>, transform_indices = @transform_5, window_bounds = array<i64: 128, 512>}, {pipeline_mode = #tpu.pipeline_mode<synchronous>, transform_indices = @transform_6, window_bounds = array<i64: 1, 512>}, {pipeline_mode = #tpu.pipeline_mode<synchronous>, transform_indices = @transform_7, window_bounds = array<i64: 128, 128>}, {pipeline_mode = #tpu.pipeline_mode<synchronous>, transform_indices = @transform_8, window_bounds = array<i64: 1, 128>}, {pipeline_mode = #tpu.pipeline_mode<synchronous>, transform_indices = @transform_9, window_bounds = array<i64: 128, 128>}, {pipeline_mode = #tpu.pipeline_mode<synchronous>, transform_indices = @transform_10, window_bounds = array<i64: 1, 128>}, {pipeline_mode = #tpu.pipeline_mode<synchronous>, transform_indices = @transform_11, window_bounds = array<i64: 128, 8>}, {pipeline_mode = #tpu.pipeline_mode<synchronous>, transform_indices = @transform_12, window_bounds = array<i64: 1, 8>}, {transform_indices = @transform_13, window_bounds = array<i64: 128, 16, 128>}, {transform_indices = @transform_14, window_bounds = array<i64: 128, 16, 128>}, {transform_indices = @transform_15, window_bounds = array<i64: 128, 16, 8>}]} {
    %eq3A = arith.constant 0 : i32
    %eq3A_0 = arith.cmpi eq, %arg0, %eq3A : i32
    %convert_element_type3A = arith.extui %eq3A_0 : i1 to i32
    %cond3A = arith.constant 0 : i32
    %cond3A_1 = arith.cmpi ne, %convert_element_type3A, %cond3A : i32
    scf.if %cond3A_1 {
      %broadcast_in_dim3A_111 = arith.constant 0.000000e+00 : f32
      %broadcast_in_dim3A_112 = vector.broadcast %broadcast_in_dim3A_111 : f32 to vector<16x128xf32>
      %swap3A_113 = arith.constant 0 : index
      %swap3A_114 = arith.constant 0 : index
      %swap3A_115 = vector.load %arg17[%swap3A_113, %swap3A_114] : memref<16x128xf32, #tpu.memory_space<vmem>>, vector<16x128xf32>
      tpu.vector_store %arg17[%swap3A_113, %swap3A_114], %broadcast_in_dim3A_112 {strides = array<i32>} : memref<16x128xf32, #tpu.memory_space<vmem>>, vector<16x128xf32>,
      %broadcast_in_dim3A_116 = arith.constant 0.000000e+00 : f32
      %broadcast_in_dim3A_117 = vector.broadcast %broadcast_in_dim3A_116 : f32 to vector<16x128xf32>
      %swap3A_118 = arith.constant 0 : index
      %swap3A_119 = arith.constant 0 : index
      %swap3A_120 = vector.load %arg18[%swap3A_118, %swap3A_119] : memref<16x128xf32, #tpu.memory_space<vmem>>, vector<16x128xf32>
      tpu.vector_store %arg18[%swap3A_118, %swap3A_119], %broadcast_in_dim3A_117 {strides = array<i32>} : memref<16x128xf32, #tpu.memory_space<vmem>>, vector<16x128xf32>,
    } else {
    }
    %get3A = arith.constant 0 : index
    %get3A_2 = arith.constant 0 : index
    %get3A_3 = vector.load %arg5[%get3A, %get3A_2] : memref<144x512xf32, #tpu.memory_space<vmem>>, vector<144x512xf32>
    %get3A_4 = arith.constant 0 : index
    %get3A_5 = arith.constant 0 : index
    %get3A_6 = vector.load %arg3[%get3A_4, %get3A_5] : memref<64x128xf32, #tpu.memory_space<vmem>>, vector<64x128xf32>
    %slice3A = vector.extract_strided_slice %get3A_3 {offsets = [0, 0], sizes = [128, 512], strides = [1, 1]} : vector<144x512xf32> to vector<128x512xf32>
    %dot_general3A = arith.constant dense<0.000000e+00> : vector<64x512xf32>
    %dot_general3A_7 = tpu.matmul %get3A_6, %slice3A, %dot_general3A {dimension_numbers = #tpu.dot_dimension_numbers<[1], [0], [0], [1], [0, 0, 1, 1], [], []>, transpose_lhs_hint = false} : vector<64x128xf32>, vector<128x512xf32>, vector<64x512xf32> -> vector<64x512xf32>
    %get3A_8 = arith.constant 0 : index
    %get3A_9 = arith.constant 0 : index
    %get3A_10 = vector.load %arg4[%get3A_8, %get3A_9] : memref<1x128xf32, #tpu.memory_space<vmem>>, vector<1x128xf32>
    %slice3A_11 = vector.extract_strided_slice %get3A_3 {offsets = [0, 0], sizes = [128, 512], strides = [1, 1]} : vector<144x512xf32> to vector<128x512xf32>
    %dot_general3A_12 = arith.constant dense<0.000000e+00> : vector<1x512xf32>
    %dot_general3A_13 = tpu.matmul %get3A_10, %slice3A_11, %dot_general3A_12 {dimension_numbers = #tpu.dot_dimension_numbers<[1], [0], [0], [1], [0, 0, 1, 1], [], []>, transpose_lhs_hint = false} : vector<1x128xf32>, vector<128x512xf32>, vector<1x512xf32> -> vector<1x512xf32>
    %get3A_14 = arith.constant 0 : index
    %get3A_15 = arith.constant 0 : index
    %get3A_16 = vector.load %arg7[%get3A_14, %get3A_15] : memref<1x512xf32, #tpu.memory_space<vmem>>, vector<1x512xf32>
    %add3A = arith.addf %dot_general3A_13, %get3A_16 : vector<1x512xf32>
    %get3A_17 = arith.constant 0 : index
    %get3A_18 = arith.constant 0 : index
    %get3A_19 = arith.constant 0 : index
    %get3A_20 = vector.load %arg1[%get3A_17, %get3A_18, %get3A_19] : memref<128x16x64xf32, #tpu.memory_space<vmem>>, vector<128x16x64xf32>
    %reshape3A = vector.shape_cast %get3A_20 : vector<128x16x64xf32> to vector<2048x64xf32>
    %get3A_21 = arith.constant 0 : index
    %get3A_22 = arith.constant 0 : index
    %get3A_23 = arith.constant 0 : index
    %get3A_24 = vector.load %arg2[%get3A_21, %get3A_22, %get3A_23] : memref<128x16x16xf32, #tpu.memory_space<vmem>>, vector<128x16x16xf32>
    %reshape3A_25 = vector.shape_cast %get3A_24 : vector<128x16x16xf32> to vector<2048x16xf32>
    %dot_general3A_26 = arith.constant dense<0.000000e+00> : vector<2048x512xf32>
    %dot_general3A_27 = tpu.matmul %reshape3A, %dot_general3A_7, %dot_general3A_26 {dimension_numbers = #tpu.dot_dimension_numbers<[1], [0], [0], [1], [0, 0, 1, 1], [], []>, transpose_lhs_hint = false} : vector<2048x64xf32>, vector<64x512xf32>, vector<2048x512xf32> -> vector<2048x512xf32>
    %slice3A_28 = vector.extract_strided_slice %get3A_3 {offsets = [128, 0], sizes = [16, 512], strides = [1, 1]} : vector<144x512xf32> to vector<16x512xf32>
    %dot_general3A_29 = arith.constant dense<0.000000e+00> : vector<2048x512xf32>
    %dot_general3A_30 = tpu.matmul %reshape3A_25, %slice3A_28, %dot_general3A_29 {dimension_numbers = #tpu.dot_dimension_numbers<[1], [0], [0], [1], [0, 0, 1, 1], [], []>, transpose_lhs_hint = false} : vector<2048x16xf32>, vector<16x512xf32>, vector<2048x512xf32> -> vector<2048x512xf32>
    %add3A_31 = arith.addf %dot_general3A_27, %dot_general3A_30 : vector<2048x512xf32>
    %add3A_32 = vector.broadcast %add3A : vector<1x512xf32> to vector<2048x512xf32>
    %add3A_33 = arith.addf %add3A_31, %add3A_32 : vector<2048x512xf32>
    %reshape3A_34 = vector.shape_cast %add3A_33 : vector<2048x512xf32> to vector<128x16x512xf32>
    %swap3A = arith.constant 0 : index
    %swap3A_35 = arith.constant 0 : index
    %swap3A_36 = arith.constant 0 : index
    %swap3A_37 = vector.load %arg19[%swap3A, %swap3A_35, %swap3A_36] : memref<128x16x512xf32, #tpu.memory_space<vmem>>, vector<128x16x512xf32>
    tpu.vector_store %arg19[%swap3A, %swap3A_35, %swap3A_36], %reshape3A_34 {strides = array<i32>} : memref<128x16x512xf32, #tpu.memory_space<vmem>>, vector<128x16x512xf32>,
    %get3A_38 = arith.constant 0 : index
    %get3A_39 = arith.constant 0 : index
    %get3A_40 = vector.load %arg17[%get3A_38, %get3A_39] : memref<16x128xf32, #tpu.memory_space<vmem>>, vector<16x128xf32>
    %get3A_41 = arith.constant 0 : index
    %get3A_42 = arith.constant 0 : index
    %get3A_43 = vector.load %arg18[%get3A_41, %get3A_42] : memref<16x128xf32, #tpu.memory_space<vmem>>, vector<16x128xf32>
    %scan3A = arith.constant 0 : i32
    %scan3A_44 = arith.constant 128 : i32
    %scan3A_45 = arith.addi %scan3A, %scan3A_44 : i32
    %scan3A_46 = arith.constant 1 : i32
    %scan3A_47:2 = scf.for %scan3A_111 = %scan3A to %scan3A_45 step %scan3A_46 iter_args(%scan3A_112 = %get3A_40, %scan3A_113 = %get3A_43) -> (vector<16x128xf32>, vector<16x128xf32>)  : i32 {
      %get3A_114 = arith.index_cast %scan3A_111 : i32 to index
      %get3A_115 = arith.constant 0 : index
      %get3A_116 = arith.constant 0 : index
      %get3A_117 = vector.load %arg19[%get3A_114, %get3A_115, %get3A_116] : memref<128x16x512xf32, #tpu.memory_space<vmem>>, vector<1x16x512xf32>
      %get3A_118 = vector.shape_cast %get3A_117 : vector<1x16x512xf32> to vector<16x512xf32>
      %convert_element_type3A_119 = arith.truncf %scan3A_112 : vector<16x128xf32> to vector<16x128xbf16>
      %get3A_120 = arith.constant 0 : index
      %get3A_121 = arith.constant 0 : index
      %get3A_122 = vector.load %arg6[%get3A_120, %get3A_121] : memref<128x512xbf16, #tpu.memory_space<vmem>>, vector<128x512xbf16>
      %dot_general3A_123 = arith.constant dense<0.000000e+00> : vector<16x512xf32>
      %dot_general3A_124 = tpu.matmul %convert_element_type3A_119, %get3A_122, %dot_general3A_123 {dimension_numbers = #tpu.dot_dimension_numbers<[1], [0], [0], [1], [0, 0, 1, 1], [], []>, transpose_lhs_hint = false} : vector<16x128xbf16>, vector<128x512xbf16>, vector<16x512xf32> -> vector<16x512xf32>
      %add3A_125 = arith.addf %get3A_118, %dot_general3A_124 : vector<16x512xf32>
      %slice3A_126 = vector.extract_strided_slice %add3A_125 {offsets = [0, 0], sizes = [16, 128], strides = [1, 1]} : vector<16x512xf32> to vector<16x128xf32>
      %mul3A = arith.constant 5.000000e-01 : f32
      %mul3A_127 = vector.broadcast %mul3A : f32 to vector<16x128xf32>
      %mul3A_128 = arith.mulf %mul3A_127, %slice3A_126 : vector<16x128xf32>
      %tanh3A = math.tanh %mul3A_128 : vector<16x128xf32>
      %mul3A_129 = arith.constant 5.000000e-01 : f32
      %mul3A_130 = vector.broadcast %mul3A_129 : f32 to vector<16x128xf32>
      %mul3A_131 = arith.mulf %mul3A_130, %tanh3A : vector<16x128xf32>
      %add3A_132 = arith.constant 5.000000e-01 : f32
      %add3A_133 = vector.broadcast %add3A_132 : f32 to vector<16x128xf32>
      %add3A_134 = arith.addf %mul3A_131, %add3A_133 : vector<16x128xf32>
      %slice3A_135 = vector.extract_strided_slice %add3A_125 {offsets = [0, 128], sizes = [16, 128], strides = [1, 1]} : vector<16x512xf32> to vector<16x128xf32>
      %mul3A_136 = arith.constant 5.000000e-01 : f32
      %mul3A_137 = vector.broadcast %mul3A_136 : f32 to vector<16x128xf32>
      %mul3A_138 = arith.mulf %mul3A_137, %slice3A_135 : vector<16x128xf32>
      %tanh3A_139 = math.tanh %mul3A_138 : vector<16x128xf32>
      %mul3A_140 = arith.constant 5.000000e-01 : f32
      %mul3A_141 = vector.broadcast %mul3A_140 : f32 to vector<16x128xf32>
      %mul3A_142 = arith.mulf %mul3A_141, %tanh3A_139 : vector<16x128xf32>
      %add3A_143 = arith.constant 5.000000e-01 : f32
      %add3A_144 = vector.broadcast %add3A_143 : f32 to vector<16x128xf32>
      %add3A_145 = arith.addf %mul3A_142, %add3A_144 : vector<16x128xf32>
      %slice3A_146 = vector.extract_strided_slice %add3A_125 {offsets = [0, 256], sizes = [16, 128], strides = [1, 1]} : vector<16x512xf32> to vector<16x128xf32>
      %tanh3A_147 = math.tanh %slice3A_146 : vector<16x128xf32>
      %slice3A_148 = vector.extract_strided_slice %add3A_125 {offsets = [0, 384], sizes = [16, 128], strides = [1, 1]} : vector<16x512xf32> to vector<16x128xf32>
      %mul3A_149 = arith.constant 5.000000e-01 : f32
      %mul3A_150 = vector.broadcast %mul3A_149 : f32 to vector<16x128xf32>
      %mul3A_151 = arith.mulf %mul3A_150, %slice3A_148 : vector<16x128xf32>
      %tanh3A_152 = math.tanh %mul3A_151 : vector<16x128xf32>
      %mul3A_153 = arith.constant 5.000000e-01 : f32
      %mul3A_154 = vector.broadcast %mul3A_153 : f32 to vector<16x128xf32>
      %mul3A_155 = arith.mulf %mul3A_154, %tanh3A_152 : vector<16x128xf32>
      %add3A_156 = arith.constant 5.000000e-01 : f32
      %add3A_157 = vector.broadcast %add3A_156 : f32 to vector<16x128xf32>
      %add3A_158 = arith.addf %mul3A_155, %add3A_157 : vector<16x128xf32>
      %mul3A_159 = arith.mulf %add3A_145, %scan3A_113 : vector<16x128xf32>
      %mul3A_160 = arith.mulf %add3A_134, %tanh3A_147 : vector<16x128xf32>
      %add3A_161 = arith.addf %mul3A_159, %mul3A_160 : vector<16x128xf32>
      %tanh3A_162 = math.tanh %add3A_161 : vector<16x128xf32>
      %mul3A_163 = arith.mulf %add3A_158, %tanh3A_162 : vector<16x128xf32>
      %swap3A_164 = arith.index_cast %scan3A_111 : i32 to index
      %swap3A_165 = arith.constant 0 : index
      %swap3A_166 = arith.constant 0 : index
      %swap3A_167 = vector.load %arg20[%swap3A_164, %swap3A_165, %swap3A_166] : memref<128x16x128xf32, #tpu.memory_space<vmem>>, vector<1x16x128xf32>
      %swap3A_168 = vector.shape_cast %swap3A_167 : vector<1x16x128xf32> to vector<16x128xf32>
      %swap3A_169 = vector.shape_cast %mul3A_163 : vector<16x128xf32> to vector<1x16x128xf32>
      tpu.vector_store %arg20[%swap3A_164, %swap3A_165, %swap3A_166], %swap3A_169 {strides = array<i32>} : memref<128x16x128xf32, #tpu.memory_space<vmem>>, vector<1x16x128xf32>,
      scf.yield %mul3A_163, %add3A_161 : vector<16x128xf32>, vector<16x128xf32>
    }
    %scan3A_48 = arith.constant 128 : i32
    %swap3A_49 = arith.constant 0 : index
    %swap3A_50 = arith.constant 0 : index
    %swap3A_51 = vector.load %arg17[%swap3A_49, %swap3A_50] : memref<16x128xf32, #tpu.memory_space<vmem>>, vector<16x128xf32>
    tpu.vector_store %arg17[%swap3A_49, %swap3A_50], %scan3A_47#0 {strides = array<i32>} : memref<16x128xf32, #tpu.memory_space<vmem>>, vector<16x128xf32>,
    %swap3A_52 = arith.constant 0 : index
    %swap3A_53 = arith.constant 0 : index
    %swap3A_54 = vector.load %arg18[%swap3A_52, %swap3A_53] : memref<16x128xf32, #tpu.memory_space<vmem>>, vector<16x128xf32>
    tpu.vector_store %arg18[%swap3A_52, %swap3A_53], %scan3A_47#1 {strides = array<i32>} : memref<16x128xf32, #tpu.memory_space<vmem>>, vector<16x128xf32>,
    %get3A_55 = arith.constant 0 : index
    %get3A_56 = arith.constant 0 : index
    %get3A_57 = arith.constant 0 : index
    %get3A_58 = vector.load %arg20[%get3A_55, %get3A_56, %get3A_57] : memref<128x16x128xf32, #tpu.memory_space<vmem>>, vector<128x16x128xf32>
    %reshape3A_59 = vector.shape_cast %get3A_58 : vector<128x16x128xf32> to vector<2048x128xf32>
    %get3A_60 = arith.constant 0 : index
    %get3A_61 = arith.constant 0 : index
    %get3A_62 = vector.load %arg8[%get3A_60, %get3A_61] : memref<128x128xf32, #tpu.memory_space<vmem>>, vector<128x128xf32>
    %dot_general3A_63 = arith.constant dense<0.000000e+00> : vector<2048x128xf32>
    %dot_general3A_64 = tpu.matmul %reshape3A_59, %get3A_62, %dot_general3A_63 {dimension_numbers = #tpu.dot_dimension_numbers<[1], [0], [0], [1], [0, 0, 1, 1], [], []>, transpose_lhs_hint = false} : vector<2048x128xf32>, vector<128x128xf32>, vector<2048x128xf32> -> vector<2048x128xf32>
    %get3A_65 = arith.constant 0 : index
    %get3A_66 = arith.constant 0 : index
    %get3A_67 = vector.load %arg9[%get3A_65, %get3A_66] : memref<1x128xf32, #tpu.memory_space<vmem>>, vector<1x128xf32>
    %add3A_68 = vector.broadcast %get3A_67 : vector<1x128xf32> to vector<2048x128xf32>
    %add3A_69 = arith.addf %dot_general3A_64, %add3A_68 : vector<2048x128xf32>
    %reshape3A_70 = vector.shape_cast %add3A_69 : vector<2048x128xf32> to vector<128x16x128xf32>
    %swap3A_71 = arith.constant 0 : index
    %swap3A_72 = arith.constant 0 : index
    %swap3A_73 = arith.constant 0 : index
    %swap3A_74 = vector.load %arg14[%swap3A_71, %swap3A_72, %swap3A_73] : memref<128x16x128xf32, #tpu.memory_space<vmem>>, vector<128x16x128xf32>
    tpu.vector_store %arg14[%swap3A_71, %swap3A_72, %swap3A_73], %reshape3A_70 {strides = array<i32>} : memref<128x16x128xf32, #tpu.memory_space<vmem>>, vector<128x16x128xf32>,
    %get3A_75 = arith.constant 0 : index
    %get3A_76 = arith.constant 0 : index
    %get3A_77 = vector.load %arg10[%get3A_75, %get3A_76] : memref<128x128xf32, #tpu.memory_space<vmem>>, vector<128x128xf32>
    %dot_general3A_78 = arith.constant dense<0.000000e+00> : vector<2048x128xf32>
    %dot_general3A_79 = tpu.matmul %reshape3A_59, %get3A_77, %dot_general3A_78 {dimension_numbers = #tpu.dot_dimension_numbers<[1], [0], [0], [1], [0, 0, 1, 1], [], []>, transpose_lhs_hint = false} : vector<2048x128xf32>, vector<128x128xf32>, vector<2048x128xf32> -> vector<2048x128xf32>
    %get3A_80 = arith.constant 0 : index
    %get3A_81 = arith.constant 0 : index
    %get3A_82 = vector.load %arg11[%get3A_80, %get3A_81] : memref<1x128xf32, #tpu.memory_space<vmem>>, vector<1x128xf32>
    %add3A_83 = vector.broadcast %get3A_82 : vector<1x128xf32> to vector<2048x128xf32>
    %add3A_84 = arith.addf %dot_general3A_79, %add3A_83 : vector<2048x128xf32>
    %exp3A = math.exp %add3A_84 : vector<2048x128xf32>
    %reshape3A_85 = vector.shape_cast %exp3A : vector<2048x128xf32> to vector<128x16x128xf32>
    %swap3A_86 = arith.constant 0 : index
    %swap3A_87 = arith.constant 0 : index
    %swap3A_88 = arith.constant 0 : index
    %swap3A_89 = vector.load %arg15[%swap3A_86, %swap3A_87, %swap3A_88] : memref<128x16x128xf32, #tpu.memory_space<vmem>>, vector<128x16x128xf32>
    tpu.vector_store %arg15[%swap3A_86, %swap3A_87, %swap3A_88], %reshape3A_85 {strides = array<i32>} : memref<128x16x128xf32, #tpu.memory_space<vmem>>, vector<128x16x128xf32>,
    %get3A_90 = arith.constant 0 : index
    %get3A_91 = arith.constant 0 : index
    %get3A_92 = vector.load %arg12[%get3A_90, %get3A_91] : memref<128x8xf32, #tpu.memory_space<vmem>>, vector<128x8xf32>
    %dot_general3A_93 = arith.constant dense<0.000000e+00> : vector<2048x8xf32>
    %dot_general3A_94 = tpu.matmul %reshape3A_59, %get3A_92, %dot_general3A_93 {dimension_numbers = #tpu.dot_dimension_numbers<[1], [0], [0], [1], [0, 0, 1, 1], [], []>, transpose_lhs_hint = false} : vector<2048x128xf32>, vector<128x8xf32>, vector<2048x8xf32> -> vector<2048x8xf32>
    %get3A_95 = arith.constant 0 : index
    %get3A_96 = arith.constant 0 : index
    %get3A_97 = vector.load %arg13[%get3A_95, %get3A_96] : memref<1x8xf32, #tpu.memory_space<vmem>>, vector<1x8xf32>
    %add3A_98 = vector.broadcast %get3A_97 : vector<1x8xf32> to vector<2048x8xf32>
    %add3A_99 = arith.addf %dot_general3A_94, %add3A_98 : vector<2048x8xf32>
    %reduce_max3A = arith.constant dense<0xFF800000> : vector<2048xf32>
    %reduce_max3A_100 = vector.multi_reduction <maximumf>, %add3A_99, %reduce_max3A [1] : vector<2048x8xf32> to vector<2048xf32>
    %broadcast_in_dim3A = vector.shape_cast %reduce_max3A_100 : vector<2048xf32> to vector<2048x1xf32>
    %sub3A = vector.broadcast %broadcast_in_dim3A : vector<2048x1xf32> to vector<2048x8xf32>
    %sub3A_101 = arith.subf %add3A_99, %sub3A : vector<2048x8xf32>
    %exp3A_102 = math.exp %sub3A_101 : vector<2048x8xf32>
    %reduce_sum3A = arith.constant dense<0.000000e+00> : vector<2048xf32>
    %reduce_sum3A_103 = vector.multi_reduction <add>, %exp3A_102, %reduce_sum3A [1] : vector<2048x8xf32> to vector<2048xf32>
    %broadcast_in_dim3A_104 = vector.shape_cast %reduce_sum3A_103 : vector<2048xf32> to vector<2048x1xf32>
    %div3A = vector.broadcast %broadcast_in_dim3A_104 : vector<2048x1xf32> to vector<2048x8xf32>
    %div3A_105 = arith.divf %exp3A_102, %div3A : vector<2048x8xf32>
    %reshape3A_106 = vector.shape_cast %div3A_105 : vector<2048x8xf32> to vector<128x16x8xf32>
    %swap3A_107 = arith.constant 0 : index
    %swap3A_108 = arith.constant 0 : index
    %swap3A_109 = arith.constant 0 : index
    %swap3A_110 = vector.load %arg16[%swap3A_107, %swap3A_108, %swap3A_109] : memref<128x16x8xf32, #tpu.memory_space<vmem>>, vector<128x16x8xf32>
    tpu.vector_store %arg16[%swap3A_107, %swap3A_108, %swap3A_109], %reshape3A_106 {strides = array<i32>} : memref<128x16x8xf32, #tpu.memory_space<vmem>>, vector<128x16x8xf32>,
    return
  }
  func.func @transform_0(%arg0: i32) -> (i32, i32, i32) {
    %c0_i32 = arith.constant 0 : i32
    %c0_i32_0 = arith.constant 0 : i32
    %c0_i32_1 = arith.constant 0 : i32
    return %arg0, %c0_i32, %c0_i32_0 : i32, i32, i32
  }
  func.func @transform_1(%arg0: i32) -> (i32, i32, i32) {
    %c0_i32 = arith.constant 0 : i32
    %c0_i32_0 = arith.constant 0 : i32
    %c0_i32_1 = arith.constant 0 : i32
    return %arg0, %c0_i32, %c0_i32_0 : i32, i32, i32
  }
  func.func @transform_2(%arg0: i32) -> (i32, i32) {
    %c0_i32 = arith.constant 0 : i32
    %c0_i32_0 = arith.constant 0 : i32
    %c0_i32_1 = arith.constant 0 : i32
    return %c0_i32, %c0_i32_0 : i32, i32
  }
  func.func @transform_3(%arg0: i32) -> (i32, i32) {
    %c0_i32 = arith.constant 0 : i32
    %c0_i32_0 = arith.constant 0 : i32
    %c0_i32_1 = arith.constant 0 : i32
    return %c0_i32, %c0_i32_0 : i32, i32
  }
  func.func @transform_4(%arg0: i32) -> (i32, i32) {
    %c0_i32 = arith.constant 0 : i32
    %c0_i32_0 = arith.constant 0 : i32
    %c0_i32_1 = arith.constant 0 : i32
    return %c0_i32, %c0_i32_0 : i32, i32
  }
  func.func @transform_5(%arg0: i32) -> (i32, i32) {
    %c0_i32 = arith.constant 0 : i32
    %c0_i32_0 = arith.constant 0 : i32
    %c0_i32_1 = arith.constant 0 : i32
    return %c0_i32, %c0_i32_0 : i32, i32
  }
  func.func @transform_6(%arg0: i32) -> (i32, i32) {
    %c0_i32 = arith.constant 0 : i32
    %c0_i32_0 = arith.constant 0 : i32
    %c0_i32_1 = arith.constant 0 : i32
    return %c0_i32, %c0_i32_0 : i32, i32
  }
  func.func @transform_7(%arg0: i32) -> (i32, i32) {
    %c0_i32 = arith.constant 0 : i32
    %c0_i32_0 = arith.constant 0 : i32
    %c0_i32_1 = arith.constant 0 : i32
    return %c0_i32, %c0_i32_0 : i32, i32
  }
  func.func @transform_8(%arg0: i32) -> (i32, i32) {
    %c0_i32 = arith.constant 0 : i32
    %c0_i32_0 = arith.constant 0 : i32
    %c0_i32_1 = arith.constant 0 : i32
    return %c0_i32, %c0_i32_0 : i32, i32
  }
  func.func @transform_9(%arg0: i32) -> (i32, i32) {
    %c0_i32 = arith.constant 0 : i32
    %c0_i32_0 = arith.constant 0 : i32
    %c0_i32_1 = arith.constant 0 : i32
    return %c0_i32, %c0_i32_0 : i32, i32
  }
  func.func @transform_10(%arg0: i32) -> (i32, i32) {
    %c0_i32 = arith.constant 0 : i32
    %c0_i32_0 = arith.constant 0 : i32
    %c0_i32_1 = arith.constant 0 : i32
    return %c0_i32, %c0_i32_0 : i32, i32
  }
  func.func @transform_11(%arg0: i32) -> (i32, i32) {
    %c0_i32 = arith.constant 0 : i32
    %c0_i32_0 = arith.constant 0 : i32
    %c0_i32_1 = arith.constant 0 : i32
    return %c0_i32, %c0_i32_0 : i32, i32
  }
  func.func @transform_12(%arg0: i32) -> (i32, i32) {
    %c0_i32 = arith.constant 0 : i32
    %c0_i32_0 = arith.constant 0 : i32
    %c0_i32_1 = arith.constant 0 : i32
    return %c0_i32, %c0_i32_0 : i32, i32
  }
  func.func @transform_13(%arg0: i32) -> (i32, i32, i32) {
    %c0_i32 = arith.constant 0 : i32
    %c0_i32_0 = arith.constant 0 : i32
    %c0_i32_1 = arith.constant 0 : i32
    return %arg0, %c0_i32, %c0_i32_0 : i32, i32, i32
  }
  func.func @transform_14(%arg0: i32) -> (i32, i32, i32) {
    %c0_i32 = arith.constant 0 : i32
    %c0_i32_0 = arith.constant 0 : i32
    %c0_i32_1 = arith.constant 0 : i32
    return %arg0, %c0_i32, %c0_i32_0 : i32, i32, i32
  }
  func.func @transform_15(%arg0: i32) -> (i32, i32, i32) {
    %c0_i32 = arith.constant 0 : i32
    %c0_i32_0 = arith.constant 0 : i32
    %c0_i32_1 = arith.constant 0 : i32
    return %arg0, %c0_i32, %c0_i32_0 : i32, i32, i32
  }
}

</mosaic_0001>

<sc_bundles>
// kernel: kernel.4.cloned.1.call-start
scs
__scs_entry_jumppad:
0x0: {  	(pc) =	sbr.rel $0x88, $3  }
0x1: {  	(tag) =	ssettag $0x0;
	lr =	simm.s32 $0x1  }
0x2: {  	[smem:$0x3F92] =	sst lr;
	_ =	strace $0xD0000000  }
0x3: {  	_ = 	snop  }
0x4: {  	_ = 	snop  }
0x5: {  	_ = 	snop  }
0x6: {  	_ = 	snop  }
0x7: {  	_ = 	snop  }
__scs_overlays_trampoline_lowered:
0x8: {  	[smem:$0x3FA1] =	sst s0  }
0x9: {  	[smem:$0x3FA2] =	sst s1  }
0xa: {  	[smem:$0x3FA3] =	sst s2  }
0xb: {  	[smem:$0x3FA4] =	sst s3  }
0xc: {  	[smem:$0x3FA5] =	sst s4  }
0xd: {  	[smem:$0x3FA6] =	sst s5  }
0xe: {  	[smem:$0x3FA7] =	sst s6  }
0xf: {  	[smem:$0x3FA8] =	sst s7  }
0x10: {  	[smem:$0x3FA9] =	sst s8  }
0x11: {  	[smem:$0x3FAA] =	sst s9;
	s0 =	simm.s32 @!p0 $0x0  }
0x12: {  	s1 =	sld [smem:$0x3F90];
	s0 =	simm.s32 @p0 $0x1  }
0x13: {  	[smem:$0x3FAB] =	sst s0;
	s0 =	simm.s32 @!p1 $0x0  }
0x14: {  	s2 =	sld [smem:$0x3F8F];
	s0 =	simm.s32 @p1 $0x1  }
0x15: {  	[smem:$0x3FAC] =	sst s0;
	s0 =	simm.s32 @!p2 $0x0  }
0x16: {  	s3 =	sld [smem:$0x3FDB];
	s0 =	simm.s32 @p2 $0x1  }
0x17: {  	s4 =	simm.s32 $0x1BF5;
	[smem:$0x3FAE] =	sst s0  }
0x18: {  	s0 =	sld [smem:$0x3F91];
	_ =	swait.ge [sflag:s4], $0x0  }
0x19: {  	s7 =	sld [smem:$0x3F92]  }
0x1a: {  	s8 =	sadd.s32 $0xFFFFE003, lr  }
0x1b: {  	s9 =	sadd.s32 $0xFFFFFEF7, lr;
	s5 =	simm.s32 $0xFFFFFFFF;
	p2 =	slt.u32 s8, $0xFFFFF086  }
0x1c: {  	p1 =	slt.u32 s9, $0xF7A;
	s5 =	simm.s32 @!p2 $0x0  }
0x1d: {  	s5 =	simm.s32 @p1 $0x1;
	p0 =	seq.s32 s7, s2  }
0x1e: {  	s7 =	smul.u32 @!p0 $0xF7A, s2;
	p2 =	seq.s32 @!p0 s5, $0x0  }
0x1f: {  	s9 =	smul.u32 $0xF7A, s1;
	s8 =	simm.s32 @!p0 $0x1BF5;
	p2 =	por !p2, p0  }
0x20: {  	[sflag:s8] =	ssyncset.s32 @!p0 $0xFFFFF086;
	s6 =	sadd.s32 @!p0 s3, s7;
	s7 =	simm.s32 @!p0 $0x108  }
0x21: {  	s3 =	sadd.s32 s3, s9;
	s6 =	sadd.s32 @!p0 $0x88, s6;
	s7 =	simm.s32 @p2 $0x1082  }
0x22: {  	[simem:s7], [sflag:s8] =	dma.local @!p0 [hbm:s6], $0xF7A  }
0x23: {  	s9 =	sor.u32 $0xD0000000, s2;
	s6 =	simm.s32 $0x108;
	_ =	swait.ge @!p0 [sflag:s8], $0x0  }
0x24: {  	s3 =	sadd.s32 $0x88, s3;
	s6 =	simm.s32 @!p1 $0x1082;
	[sflag:s4] =	ssyncset.s32 $0xFFFFF086  }
0x25: {  	[simem:s6], [sflag:s4] =	dma.local [hbm:s3], $0xF7A  }
0x26: {  	[smem:$0x3F92] =	sst s1;
	(tag) =	ssettag s2;
	_ =	strace s9  }
0x27: {  	s1 =	sld [smem:$0x3FA2]  }
0x28: {  	s2 =	sld [smem:$0x3FA3]  }
0x29: {  	s4 =	sld [smem:$0x3FA5]  }
0x2a: {  	p0 =	seq.s32 s5, $0x0;
	s5 =	sld [smem:$0x3FA6]  }
0x2b: {  	s6 =	sld [smem:$0x3FA7]  }
0x2c: {  	s7 =	sld [smem:$0x3FA8]  }
0x2d: {  	s3 =	simm.s32 $0x108;
	s8 =	sld [smem:$0x3FA9]  }
0x2e: {  	s3 =	simm.s32 @!p0 $0x1082;
	s9 =	sld [smem:$0x3FAA]  }
0x2f: {  	lr =	sadd.s32 s0, s3;
	s0 =	sld [smem:$0x3FA1]  }
0x30: {  	s3 =	sld [smem:$0x3FA4]  }
0x31: {  	[smem:$0x3FAD] =	sst s10  }
0x32: {  	s10 =	sld [smem:$0x3FAB];
	_ =	sdelay $0x3  }
0x33: {  	p0 =	seq.s32 s10, $0x1;
	s10 =	sld [smem:$0x3FAD];
	_ =	sdelay $0x3  }
0x34: {  	[smem:$0x3FAD] =	sst s10  }
0x35: {  	s10 =	sld [smem:$0x3FAC];
	_ =	sdelay $0x3  }
0x36: {  	p1 =	seq.s32 s10, $0x1;
	s10 =	sld [smem:$0x3FAD];
	_ =	sdelay $0x3  }
0x37: {  	[smem:$0x3FAD] =	sst s10  }
0x38: {  	s10 =	sld [smem:$0x3FAE]  }
0x39: {  	_ = 	snop;
	(pc) =	sbr.ind lr, $3  }
0x3a: {  	_ = 	snop  }
0x3b: {  	_ = 	snop  }
0x3c: {  	p2 =	seq.s32 s10, $0x1;
	s10 =	sld [smem:$0x3FAD]  }
0x3d: {  	_ =	shalt  }
0x3e: {  	_ =	shalt  }
0x3f: {  	_ =	shalt  }
0x40: {  	_ =	shalt  }
0x41: {  	_ =	shalt  }
0x42: {  	_ =	shalt  }
0x43: {  	_ =	shalt  }
0x44: {  	_ =	shalt  }
0x45: {  	_ =	shalt  }
0x46: {  	_ =	shalt  }
0x47: {  	_ =	shalt  }
0x48: {  	_ =	shalt  }
0x49: {  	_ =	shalt  }
0x4a: {  	_ =	shalt  }
0x4b: {  	_ =	shalt  }
0x4c: {  	_ =	shalt  }
0x4d: {  	_ =	shalt  }
0x4e: {  	_ =	shalt  }
0x4f: {  	_ =	shalt  }
0x50: {  	_ =	shalt  }
0x51: {  	_ =	shalt  }
0x52: {  	_ =	shalt  }
0x53: {  	_ =	shalt  }
0x54: {  	_ =	shalt  }
0x55: {  	_ =	shalt  }
0x56: {  	_ =	shalt  }
0x57: {  	_ =	shalt  }
0x58: {  	_ =	shalt  }
0x59: {  	_ =	shalt  }
0x5a: {  	_ =	shalt  }
0x5b: {  	_ =	shalt  }
0x5c: {  	_ =	shalt  }
0x5d: {  	_ =	shalt  }
0x5e: {  	_ =	shalt  }
0x5f: {  	_ =	shalt  }
0x60: {  	_ =	shalt  }
0x61: {  	_ =	shalt  }
0x62: {  	_ =	shalt  }
0x63: {  	_ =	shalt  }
0x64: {  	_ =	shalt  }
0x65: {  	_ =	shalt  }
0x66: {  	_ =	shalt  }
0x67: {  	_ =	shalt  }
0x68: {  	_ =	shalt  }
0x69: {  	_ =	shalt  }
0x6a: {  	_ =	shalt  }
0x6b: {  	_ =	shalt  }
0x6c: {  	_ =	shalt  }
0x6d: {  	_ =	shalt  }
0x6e: {  	_ =	shalt  }
0x6f: {  	_ =	shalt  }
0x70: {  	_ =	shalt  }
0x71: {  	_ =	shalt  }
0x72: {  	_ =	shalt  }
0x73: {  	_ =	shalt  }
0x74: {  	_ =	shalt  }
0x75: {  	_ =	shalt  }
0x76: {  	_ =	shalt  }
0x77: {  	_ =	shalt  }
0x78: {  	_ =	shalt  }
0x79: {  	_ =	shalt  }
0x7a: {  	_ =	shalt  }
0x7b: {  	_ =	shalt  }
0x7c: {  	_ =	shalt  }
0x7d: {  	_ =	shalt  }
0x7e: {  	_ =	shalt  }
0x7f: {  	_ =	shalt  }
0x80: {  	_ =	shalt  }
0x81: {  	_ =	shalt  }
0x82: {  	_ =	shalt  }
0x83: {  	_ =	shalt  }
0x84: {  	_ =	shalt  }
0x85: {  	_ =	shalt  }
0x86: {  	_ =	shalt  }
0x87: {  	_ =	shalt  }
.Lfunc_end0:
.L_simem_size_0:
called_computation_lowered:
.L_overlay_start_0:
0x88: {  	s2 =	sld [smem:$0x3FD9]  }
0x89: {  	s3 =	sld [smem:$0x3FFE];
	_ =	sdelay $0x1  }
0x8a: {  	s1 =	srdreg.scid  }
0x8b: {  	s0 =	sand.u32 $0x1, s1  }
0x8c: {  	s14 =	sshll.u32 s0, $0xA;
	s2 =	sadd.s32 s3, s2  }
0x8d: {  	s2 =	sadd.s32 s2, s14  }
0x8e: {  	[smem:$0x3FB9] =	sst s2  }
0x8f: {  	_ = 	snop  }
0x90: {  	s2 =	sld [smem:$0x3FD0];
	_ =	sdelay $0x2  }
0x91: {  	s15 =	simm.s32 $0xA;
	s4 =	simm.s32 $0x10  }
0x92: {  	[smem:s4], [sflag:s15] =	dma.local [hbm:s2], $0x1  }
0x93: {  	_ =	swait.eq [sflag:s15], $0x1  }
0x94: {  	[sflag:s15] =	ssyncset.done $0x0  }
0x95: {  	[sflag:s15] =	ssyncadd.s32 $0xFFFFFFFF  }
0x96: {  	s16 =	sld [smem:$0x11];
	(tm) =	ssettm $0x1  }
0x97: {  	s17 =	sld [smem:$0x3FFB];
	_ =	sdelay $0x3  }
0x98: {  	_ =	strace s17  }
0x99: {  	s3 =	sld [smem:$0x3FFC];
	_ =	sdelay $0x3  }
0x9a: {  	_ =	strace s3  }
0x9b: {  	s3 =	sld [smem:$0x3FFD];
	_ =	sdelay $0x3  }
0x9c: {  	_ =	strace s3  }
0x9d: {  	_ =	strace $0x8FFFFFFF  }
0x9e: {  	s18 =	sld [smem:$0x3FDB];
	_ =	sdelay $0x1  }
0x9f: {  	s19 =	simm.s32 $_scs_section_size  }
0xa0: {  	s5 =	simm.s32 $_size__tile_overlayer_lowered;
	s6 =	simm.s32 $_tile_overlayer_lowered  }
0xa1: {  	s22 =	simm.s32 $0x1BFF;
	s21 =	sshll.u32 s6, $0x1;
	s3 =	sadd.s32 s19, s18  }
0xa2: {  	s7 =	simm.s32 $0x0;
	s20 =	sshll.u32 s5, $0x1;
	s5 =	sadd.s32 s21, s3  }
0xa3: {  	[timem:s7], [sflag:s22] =	dma.local [hbm:s5], s20  }
0xa4: {  	_ =	swait.ge [sflag:s22], s20  }
0xa5: {  	s4 =	ssub.s32 $0x0, s20;
	[sflag:s22] =	ssyncset.done $0x0  }
0xa6: {  	[sflag:s22] =	ssyncadd.s32 s4;
	_ =	sdelay $0x1  }
0xa7: {  	s23 =	simm.s32 $0x1B8B  }
0xa8: {  	_ =	swait.ge [sflag:s23], $0x1  }
0xa9: {  	[sflag:s23] =	ssyncset.done $0x0  }
0xaa: {  	s25 =	simm.s32 $0x1B8E;
	s24 =	sld [smem:$0x3FFE];
	[sflag:s23] =	ssyncadd.s32 $0xFFFFFFFF  }
0xab: {  	s26 =	simm.s32 $execute0_lowered;
	[smem:$0x3FD2] =	sst s25  }
0xac: {  	s5 =	sshll.u32 s26, $0x1;
	_ =	strace $0x80000046;
	[dreg:$0x1] =	wrdreg $0xFFFFFFFF  }
0xad: {  	s28 =	simm.s32 $_size_execute0_lowered;
	s3 =	sadd.s32 s3, s5;
	[dreg:$0x0] =	wrdreg $0x0  }
0xae: {  	s5 =	sshll.u32 s28, $0x1;
	[dreg:$0x2] =	wrdreg s3  }
0xaf: {  	[dreg:$0x3] =	wrdreg s5  }
0xb0: {  	[dreg:$0x4] =	wrdreg $0xC0  }
0xb1: {  	_ =	task [dreg:s7], $0x5FFFF  }
0xb2: {  	[dreg:$0x1] =	wrdreg $0xFFFFFFFF  }
0xb3: {  	[dreg:$0x0] =	wrdreg $0x60  }
0xb4: {  	[dreg:$0x2] =	wrdreg s24  }
0xb5: {  	[dreg:$0x3] =	wrdreg s16  }
0xb6: {  	[dreg:$0x4] =	wrdreg $0x9  }
0xb7: {  	_ =	task.clear_ibuf [dreg:s7], $0x5FFFF;
	_ =	strace $0x90000046  }
0xb8: {  	s29 =	simm.s32 $0x9;
	_ =	strace $0x80000048  }
0xb9: {  	_ =	swait.ge [sflag:s29], $0x1  }
0xba: {  	[sflag:s29] =	ssyncadd.s32 $0xFFFFFFFF  }
0xbb: {  	_ =	strace $0x90000048  }
0xbc: {  	_ =	sfence  }
0xbd: {  	s30 =	sld [smem:$0x0];
	_ =	sdelay $0x2  }
0xbe: {  	s31 =	sshll.u32 s1, $0xD;
	s1 =	sshrl.u32 s1, $0x2  }
0xbf: {  	s3 =	sand.u32 $0x4000, s31;
	s1 =	sadd.s32 s1, s30  }
0xc0: {  	s0 =	sor.u32 s3, s0;
	s1 =	sshll.u32 s1, $0x11  }
0xc1: {  	s0 =	sor.u32 s1, s0  }
0xc2: {  	s0 =	sadd.s32 $0x8F2B, s0  }
0xc3: {  	[sflag:s0] =	ssyncadd.remote.s32 $0x1  }
0xc4: {  	_ =	sfence.sel $0xFFFF  }
0xc5: {  	[dreg:$0x0] =	wrdreg $0xFFFFFFFF;
	(pc) =	sbr.abs _section_cstart, $3  }
0xc6: {  	[dreg:$0x1] =	wrdreg $0xFFFFFFFF  }
0xc7: {  	_ =	task.clear_ibuf [dreg:s7], $0x2FFFF;
	_ =	strace $0x9FFFFFFF  }
0xc8: {  	(tm) =	ssettm $0x7FFFFFFF  }
0xc9: {  	_ =	shalt  }
tec
execute0_lowered:
.L_overlay_start_1:
0x0: {  	(tag) =	ssettag $0x1  }
0x1: {  	s0 =	rddreg [dreg:$0x0]  }
0x2: {  	s1 =	rddreg [dreg:$0x1];
	s2 =	simm.s32 $0x0;
	s8 =	stileid.u32  }
0x3: {  	s3 =	srdreg.scid;
	[smem:$0x7FF] =	sst s2  }
0x4: {  	s22 =	sshll.u32 s8, $0xC;
	s3 =	sand.u32 $0x1, s3;
	s9 =	sadd.s32 $0x13400, s0  }
0x5: {  	s10 =	sadd.s32 $0x33400, s0;
	s6 =	sshll.u32 s8, $0x10;
	s24 =	sshll.u32 s8, $0xF  }
0x6: {  	s29 =	sshll.u32 s8, $0xE;
	_ =	strace $0x80000047;
	[dreg:$0x5] =	wrdreg s24  }
0x7: {  	s4 =	sadd.s32 s22, s0;
	s23 =	ssub.s32 $0x2, s3;
	[dreg:$0x4] =	wrdreg s10  }
0x8: {  	s7 =	sshll.u32 s3, $0xF;
	s2 =	sadd.s32 s10, s22;
	[dreg:$0x3] =	wrdreg s9  }
0x9: {  	s3 =	sshll.u32 s3, $0xD;
	s4 =	sadd.s32 $0x3400, s4;
	[dreg:$0xa] =	wrdreg s2  }
0xa: {  	s25 =	sor.u32 s7, s6;
	s28 =	ssub.s32 s6, s7;
	[dreg:$0x7] =	wrdreg s4  }
0xb: {  	s3 =	sor.u32 s3, s29;
	[dreg:$0x6] =	wrdreg s25;
	s6 =	sadd.s32 $0x8000, s28  }
0xc: {  	s26 =	sshrl.u32 s25, $0x3;
	s1 =	sadd.s32 s1, s3;
	[dreg:$0x8] =	wrdreg s6  }
0xd: {  	s5 =	sshrl.u32 s23, $0x1;
	s4 =	sadd.s32 s9, s26;
	[dreg:$0xc] =	wrdreg s1  }
0xe: {  	s0 =	ssub.s32 s23, s5;
	s1 =	sadd.s32 $0x1000, s1;
	[dreg:$0x9] =	wrdreg s4  }
0xf: {  	s30 =	sshrl.u32 s6, $0x3;
	s0 =	smax.u32 s0, $0x1;
	[dreg:$0xd] =	wrdreg s1  }
0x10: {  	s18 =	simm.s32 $0x18000;
	s31 =	sadd.s32 s9, s30;
	[dreg:$0xe] =	wrdreg s0  }
0x11: {  	v0 =	vimm.f32 $0.0e+00;
	s3 =	simm.s32 $0x0;
	s0 =	simm.s32 $0x0;
	[dreg:$0xb] =	wrdreg s31  }
.LBB2_1:
0x12: {  	s1 =	rddreg [dreg:$0x7]  }
0x13: {  	[tilespmem:s0], [sflag:$0x2] =	stream.linear.gather [hbm4b:s1+s0], $0x8000, $0x38;
	[tilespmem:$0x1F800] =	vst v63  }
0x14: {  	s0 =	simm.s32 $0x0  }
.LBB2_2:
0x15: {  	p0 =	sne.s32 s0, $0x1FFC0  }
.Ltmp0:
0x16: {  	_ = 	snop;
	(pc) =	sbr.rel @p0 .LBB2_2-.Ltmp0, $4  }
0x17: {  	_ = 	snop  }
0x18: {  	s1 =	sshra.s32 s0, $0x2  }
0x19: {  	[tilespmem:s1+$0x8000] =	vst v0  }
0x1a: {  	s0 =	sadd.s32 $0x40, s0;
	[tilespmem:s1+$0x10000] =	vst v0  }
0x1b: {  	[dreg:$0xf] =	wrdreg s3;
	s0 =	simm.s32 $0x40;
	s1 =	simm.s32 $0x0  }
.LBB2_4:
0x1c: {  	p0 =	sne.s32 s0, $0x1FC0;
	[tilespmem:s1+$0x18000] =	vst v0;
	s1 =	smov.u32 s0;
	s0 =	sadd.s32 $0x40, s0  }
.Ltmp1:
0x1d: {  	(pc) =	sbr.rel @p0 .LBB2_4-.Ltmp1, $2  }
0x1e: {  	_ =	sdelay $0x2  }
0x1f: {  	s1 =	sshra.s32 s1, $0x2  }
0x20: {  	[tilespmem:s1+$0x18000] =	vst v0;
	s0 =	simm.s32 $0x0;
	s29 =	rddreg [dreg:$0x9];
	s2 =	simm.s32 $0x18800  }
0x21: {  	[tilespmem:s2], [sflag:$0x1] =	stream.linear.gather [hbm4b:s29+s0], $0x1000, $0x38;
	[tilespmem:$0x1F800] =	vst v63  }
0x22: {  	s30 =	rddreg [dreg:$0xa];
	s31 =	simm.s32 $0x1C800  }
0x23: {  	[tilespmem:s31], [sflag:$0x1] =	stream.linear.gather [hbm4b:s30+s0], $0x1000, $0x38;
	[tilespmem:$0x1F800] =	vst v63  }
.LBB2_7:
0x24: {  	s4 =	simm.s32 $0x1  }
0x25: {  	_ =	swait.ge [sflag:s4], $0x1000  }
0x26: {  	[sflag:s4] =	ssyncset.done $0x0  }
0x27: {  	s1 =	smov.u32 s0;
	[sflag:s4] =	ssyncadd.s32 $0xFFFFF000  }
0x28: {  	s0 =	sadd.s32 $0x1, s0;
	p0 =	seq.s32 s1, $0x7;
	_ =	swait.ge [sflag:s4], $0x1000  }
0x29: {  	s2 =	sshll.u32 @!p0 s0, $0xC;
	s1 =	sshll.u32 @!p0 s1, $0xC;
	s3 =	rddreg [dreg:$0x6]  }
0x2a: {  	s1 =	sand.u32 @!p0 $0x1000, s1;
	[sflag:s4] =	ssyncset.done $0x0;
	s3 =	sadd.s32 @!p0 s3, s2  }
0x2b: {  	s5 =	rddreg [dreg:$0x3];
	[sflag:s4] =	ssyncadd.s32 $0xFFFFF000;
	s3 =	sshrl.u32 @!p0 s3, $0x3  }
0x2c: {  	s4 =	sxor.u32 @!p0 $0x19800, s1;
	s3 =	sadd.s32 @!p0 s5, s3;
	s5 =	simm.s32 @!p0 $0x0  }
0x2d: {  	[tilespmem:s4], [sflag:$0x1] =	stream.linear.gather @!p0 [hbm4b:s3+s5], $0x1000, $0x38;
	[tilespmem:$0x1F800] =	vst v63  }
0x2e: {  	s3 =	rddreg [dreg:$0x5]  }
0x2f: {  	s4 =	rddreg [dreg:$0x4];
	s2 =	sadd.s32 @!p0 s3, s2  }
0x30: {  	s3 =	sxor.u32 @!p0 $0x1D800, s1;
	s1 =	simm.s32 @p0 $0x1000;
	s2 =	sshrl.u32 @!p0 s2, $0x3  }
0x31: {  	s31 =	sadd.s32 $0x18820, s1;
	s2 =	sadd.s32 @!p0 s4, s2  }
0x32: {  	[tilespmem:s3], [sflag:$0x1] =	stream.linear.gather @!p0 [hbm4b:s2+s5], $0x1000, $0x38;
	[tilespmem:$0x1F800] =	vst v63  }
0x33: {  	v5 =	vld [tilespmem:s31+$0x10]  }
0x34: {  	v6 =	vld [tilespmem:s31+$0xFFFFFFF0]  }
0x35: {  	s1 =	sadd.s32 $0x1C820, s1;
	v1 =	vld [tilespmem:s31+$0x0]  }
0x36: {  	v7 =	vld [tilespmem:s1+$0x10]  }
0x37: {  	v8 =	vld [tilespmem:s1+$0xFFFFFFF0]  }
0x38: {  	v4 =	vld [tilespmem:s1+$0x0]  }
0x39: {  	v2 =	vld [tilespmem:s31+$0xFFFFFFE0]  }
0x3a: {  	v3 =	vld [tilespmem:s1+$0xFFFFFFE0]  }
0x3b: {  	[tilespmem:v5+s18+$0x0] =	vst.idx.add.f32.msk $0xffff, v7  }
0x3c: {  	s2 =	simm.s32 $0x0;
	s3 =	sadd.s32 $0x40, s31;
	[tilespmem:v6+s18+$0x0] =	vst.idx.add.f32.msk $0xffff, v8  }
.LBB2_8:
0x3d: {  	v5 =	vld [tilespmem:s3+$0x10];
	s2 =	sadd.s32 $0x4, s2;
	v6 =	vmov v4  }
0x3e: {  	v7 =	vld [tilespmem:s3+$0xFFFFFFF0];
	p0 =	slt.u32 s2, $0xFC  }
0x3f: {  	s1 =	sadd.s32 $0x40, s1;
	v8 =	vld [tilespmem:s3+$0x0]  }
0x40: {  	v9 =	vld [tilespmem:s1+$0x10]  }
0x41: {  	v10 =	vld [tilespmem:s3+$0xFFFFFFE0]  }
0x42: {  	v11 =	vld [tilespmem:s1+$0xFFFFFFE0]  }
0x43: {  	v12 =	vld [tilespmem:s1+$0xFFFFFFF0]  }
.Ltmp2:
0x44: {  	v4 =	vld [tilespmem:s1+$0x0];
	(pc) =	sbr.rel @p0 .LBB2_8-.Ltmp2, $4  }
0x45: {  	[tilespmem:v5+s18+$0x0] =	vst.idx.add.f32.msk $0xffff, v9  }
0x46: {  	[tilespmem:v2+s18+$0x0] =	vst.idx.add.f32.msk $0xffff, v3;
	v2 =	vmov v10  }
0x47: {  	[tilespmem:v1+s18+$0x0] =	vst.idx.add.f32.msk $0xffff, v6;
	v1 =	vmov v8;
	v3 =	vmov v11  }
0x48: {  	s3 =	sadd.s32 $0x40, s3;
	[tilespmem:v7+s18+$0x0] =	vst.idx.add.f32.msk $0xffff, v12  }
0x49: {  	_ =	sdelay $0x3  }
0x4a: {  	[tilespmem:v2+s18+$0x0] =	vst.idx.add.f32.msk $0xffff, v3  }
0x4b: {  	[tilespmem:v1+s18+$0x0] =	vst.idx.add.f32.msk $0xffff, v4  }
0x4c: {  	p0 =	seq.s32 s0, $0x8  }
.Ltmp3:
0x4d: {  	_ = 	snop;
	(pc) =	sbr.rel @!p0 .LBB2_7-.Ltmp3, $1  }
0x4e: {  	_ =	sdelay $0x3  }
0x4f: {  	s0 =	simm.s32 $0x2  }
0x50: {  	_ =	swait.ge [sflag:s0], $0x8000  }
0x51: {  	s2 =	simm.s32 $0x0;
	[sflag:s0] =	ssyncset.done $0x0  }
0x52: {  	s1 =	simm.s32 $0x18800;
	s26 =	rddreg [dreg:$0x9];
	[sflag:s0] =	ssyncadd.s32 $0xFFFF8000  }
0x53: {  	[tilespmem:s1], [sflag:$0x1] =	stream.linear.gather [hbm4b:s26+s2], $0x1000, $0x38;
	[tilespmem:$0x1F800] =	vst v63  }
0x54: {  	s29 =	simm.s32 $0x1A800;
	s28 =	rddreg [dreg:$0xb]  }
0x55: {  	[tilespmem:s29], [sflag:$0x1] =	stream.linear.gather [hbm4b:s28+s2], $0x1000, $0x38;
	[tilespmem:$0x1F800] =	vst v63  }
0x56: {  	s31 =	simm.s32 $0x1C800;
	s30 =	rddreg [dreg:$0xa]  }
0x57: {  	[tilespmem:s31], [sflag:$0x1] =	stream.linear.gather [hbm4b:s30+s2], $0x1000, $0x38;
	[tilespmem:$0x1F800] =	vst v63  }
.LBB2_12:
0x58: {  	s3 =	simm.s32 $0x1  }
0x59: {  	_ =	swait.ge [sflag:s3], $0x1000  }
0x5a: {  	[sflag:s3] =	ssyncset.done $0x0  }
0x5b: {  	[sflag:s3] =	ssyncadd.s32 $0xFFFFF000  }
0x5c: {  	_ =	swait.ge [sflag:s3], $0x1000  }
0x5d: {  	[sflag:s3] =	ssyncset.done $0x0  }
0x5e: {  	s1 =	sadd.s32 $0x1, s2;
	[sflag:s3] =	ssyncadd.s32 $0xFFFFF000  }
0x5f: {  	p0 =	seq.s32 s2, $0x7;
	_ =	swait.ge [sflag:s3], $0x1000;
	[dreg:$0x11] =	wrdreg s1  }
0x60: {  	s0 =	sshll.u32 @!p0 s2, $0xC;
	s1 =	sshll.u32 @!p0 s1, $0xC;
	s2 =	rddreg [dreg:$0x6]  }
0x61: {  	s4 =	simm.s32 @!p0 $0x0;
	s0 =	sand.u32 @!p0 $0x1000, s0;
	s2 =	sadd.s32 @!p0 s2, s1  }
0x62: {  	[sflag:s3] =	ssyncset.done $0x0;
	s5 =	rddreg [dreg:$0x3];
	s2 =	sshrl.u32 @!p0 s2, $0x3  }
0x63: {  	[sflag:s3] =	ssyncadd.s32 $0xFFFFF000;
	s3 =	sxor.u32 @!p0 $0x19800, s0;
	s2 =	sadd.s32 @!p0 s5, s2  }
0x64: {  	[tilespmem:s3], [sflag:$0x1] =	stream.linear.gather @!p0 [hbm4b:s2+s4], $0x1000, $0x38;
	[tilespmem:$0x1F800] =	vst v63  }
0x65: {  	s2 =	rddreg [dreg:$0x8]  }
0x66: {  	s2 =	sadd.s32 @!p0 s2, s1  }
0x67: {  	s2 =	sshrl.u32 @!p0 s2, $0x3  }
0x68: {  	s3 =	sxor.u32 @!p0 $0x1B800, s0;
	s2 =	sadd.s32 @!p0 s5, s2  }
0x69: {  	[tilespmem:s3], [sflag:$0x1] =	stream.linear.gather @!p0 [hbm4b:s2+s4], $0x1000, $0x38;
	[tilespmem:$0x1F800] =	vst v63  }
0x6a: {  	s2 =	rddreg [dreg:$0x5]  }
0x6b: {  	s3 =	rddreg [dreg:$0x4];
	s1 =	sadd.s32 @!p0 s2, s1  }
0x6c: {  	s2 =	sxor.u32 @!p0 $0x1D800, s0;
	s0 =	simm.s32 @p0 $0x1000;
	s1 =	sshrl.u32 @!p0 s1, $0x3  }
0x6d: {  	s29 =	sadd.s32 $0x18820, s0;
	s1 =	sadd.s32 @!p0 s3, s1  }
0x6e: {  	[tilespmem:s2], [sflag:$0x1] =	stream.linear.gather @!p0 [hbm4b:s1+s4], $0x1000, $0x38;
	[tilespmem:$0x1F800] =	vst v63  }
0x6f: {  	v1 =	vld [tilespmem:s29+$0x10]  }
0x70: {  	v2 =	vld [tilespmem:s29+$0xFFFFFFF0]  }
0x71: {  	v3 =	vld [tilespmem:s29+$0x0];
	_ =	sdelay $0x3  }
0x72: {  	s1 =	sadd.s32 $0x40, s29;
	v4 =	vld [tilespmem:s29+$0xFFFFFFE0]  }
0x73: {  	v5 =	vld [tilespmem:s1+$0x10]  }
0x74: {  	v1 =	vld.idx.msk [tilespmem:v1+s18+$0x0], $0xffff  }
0x75: {  	v2 =	vld.idx.msk [tilespmem:v2+s18+$0x0], $0xffff  }
0x76: {  	v3 =	vld.idx.msk [tilespmem:v3+s18+$0x0], $0xffff  }
0x77: {  	v6 =	vld [tilespmem:s1+$0xFFFFFFF0]  }
0x78: {  	v7 =	vld [tilespmem:s1+$0x0]  }
0x79: {  	v8 =	vld [tilespmem:s1+$0xFFFFFFE0];
	(erf) = vrcp.f32 v1  }
0x7a: {  	(erf) = vrcp.f32 v2  }
0x7b: {  	s30 =	sadd.s32 $0x1C820, s0;
	v4 =	vld.idx.msk [tilespmem:v4+s18+$0x0], $0xffff;
	(erf) = vrcp.f32 v3  }
0x7c: {  	v9 =	vld [tilespmem:s30+$0x10]  }
0x7d: {  	s31 =	sadd.s32 $0x40, s1;
	v1 =	vld.idx.msk [tilespmem:v5+s18+$0x0], $0xffff  }
0x7e: {  	v5 =	vld [tilespmem:s31+$0x10]  }
0x7f: {  	v2 =	vld.idx.msk [tilespmem:v6+s18+$0x0], $0xffff  }
0x80: {  	v3 =	vld.idx.msk [tilespmem:v7+s18+$0x0], $0xffff;
	(erf) = vrcp.f32 v4  }
0x81: {  	v4 =	vld.idx.msk [tilespmem:v8+s18+$0x0], $0xffff  }
0x82: {  	v8 =	vld [tilespmem:s31+$0xFFFFFFE0];
	v11 =	vpop (erf)  }
0x83: {  	v6 =	vld [tilespmem:s31+$0xFFFFFFF0];
	(erf) = vrcp.f32 v1;
	v13 =	vpop (erf)  }
0x84: {  	v7 =	vld [tilespmem:s31+$0x0];
	v15 =	vpop (erf);
	(erf) = vrcp.f32 v2  }
0x85: {  	v10 =	vld [tilespmem:s30+$0xFFFFFFE0];
	(erf) = vrcp.f32 v3  }
0x86: {  	v12 =	vld [tilespmem:s30+$0xFFFFFFF0];
	(erf) = vrcp.f32 v4  }
0x87: {  	v14 =	vld [tilespmem:s30+$0x0];
	s1 =	sadd.s32 $0x40, s30  }
0x88: {  	v1 =	vld [tilespmem:s1+$0x10]  }
0x89: {  	v9 =	vmul.f32 v11, v9;
	v2 =	vld.idx.msk [tilespmem:v5+s18+$0x0], $0xffff;
	v11 =	vpop (erf)  }
0x8a: {  	s2 =	simm.s32 $0x1E820;
	v5 =	vld.idx.msk [tilespmem:v8+s18+$0x0], $0xffff;
	v10 =	vmul.f32 v11, v10  }
0x8b: {  	v3 =	vld.idx.msk [tilespmem:v6+s18+$0x0], $0xffff;
	[tilespmem:s2+$0x10] =	vst v9;
	v6 =	vmul.f32 v13, v12  }
0x8c: {  	s0 =	sshll.u32 s0, $0x2;
	s3 =	simm.s32 $0x8;
	s4 =	sadd.s32 $0x40, s31;
	v4 =	vld.idx.msk [tilespmem:v7+s18+$0x0], $0xffff;
	v7 =	vmul.f32 v15, v14;
	v8 =	vpop (erf);
	[tilespmem:s2+$0xFFFFFFE0] =	vst v10  }
.LBB2_13:
0x8d: {  	v9 =	vld [tilespmem:s4+$0x10];
	s3 =	sadd.s32 $0x4, s3;
	v1 =	vmul.f32 v8, v1;
	v8 =	vpop (erf);
	[tilespmem:s2+$0xFFFFFFF0] =	vst v6  }
0x8e: {  	v6 =	vld [tilespmem:s4+$0xFFFFFFF0];
	p0 =	slt.u32 s3, $0xFC;
	v10 =	vpop (erf);
	[tilespmem:s2+$0x0] =	vst v7;
	s2 =	sadd.s32 $0x40, s2  }
0x8f: {  	v7 =	vld [tilespmem:s4+$0x0];
	(erf) = vrcp.f32 v2;
	[tilespmem:s2+$0x10] =	vst v1;
	v11 =	vpop (erf)  }
0x90: {  	v12 =	vld [tilespmem:s4+$0xFFFFFFE0];
	(erf) = vrcp.f32 v3  }
0x91: {  	(erf) = vrcp.f32 v4;
	v4 =	vld [tilespmem:s1+$0xFFFFFFE0]  }
0x92: {  	(erf) = vrcp.f32 v5;
	v5 =	vld [tilespmem:s1+$0xFFFFFFF0]  }
0x93: {  	v13 =	vld [tilespmem:s1+$0x0];
	s1 =	sadd.s32 $0x40, s1  }
.Ltmp4:
0x94: {  	v1 =	vld [tilespmem:s1+$0x10];
	(pc) =	sbr.rel @p0 .LBB2_13-.Ltmp4, $4  }
0x95: {  	v2 =	vld.idx.msk [tilespmem:v9+s18+$0x0], $0xffff  }
0x96: {  	v3 =	vld.idx.msk [tilespmem:v6+s18+$0x0], $0xffff;
	v9 =	vmul.f32 v11, v4  }
0x97: {  	v4 =	vld.idx.msk [tilespmem:v7+s18+$0x0], $0xffff;
	v6 =	vmul.f32 v8, v5  }
0x98: {  	s4 =	sadd.s32 $0x40, s4;
	v5 =	vld.idx.msk [tilespmem:v12+s18+$0x0], $0xffff;
	v8 =	vpop (erf);
	[tilespmem:s2+$0xFFFFFFE0] =	vst v9;
	v7 =	vmul.f32 v10, v13  }
0x99: {  	_ = 	snop  }
0x9a: {  	(erf) = vrcp.f32 v2  }
0x9b: {  	(erf) = vrcp.f32 v3  }
0x9c: {  	(erf) = vrcp.f32 v4  }
0x9d: {  	v3 =	vld [tilespmem:s1+$0xFFFFFFF0];
	(erf) = vrcp.f32 v5  }
0x9e: {  	v2 =	vld [tilespmem:s1+$0xFFFFFFE0];
	_ =	sdelay $0x1  }
0x9f: {  	s13 =	sadd.s32 $0x40, s1;
	v1 =	vmul.f32 v8, v1;
	v4 =	vpop (erf);
	v5 =	vld [tilespmem:s1+$0x0]  }
0xa0: {  	[tilespmem:s2+$0xFFFFFFF0] =	vst v6;
	s14 =	sadd.s32 $0x40, s2;
	v10 =	vld [tilespmem:s13+$0x10];
	v9 =	vpop (erf)  }
0xa1: {  	v6 =	vld [tilespmem:s13+$0xFFFFFFE0];
	[tilespmem:s14+$0x10] =	vst v1;
	v11 =	vpop (erf);
	v1 =	vmul.f32 v4, v3  }
0xa2: {  	[tilespmem:s2+$0x0] =	vst v7;
	v8 =	vld [tilespmem:s13+$0xFFFFFFF0];
	v2 =	vmul.f32 v11, v2;
	v7 =	vpop (erf)  }
0xa3: {  	v4 =	vld [tilespmem:s13+$0x0];
	v3 =	vpop (erf)  }
0xa4: {  	s0 =	sshrl.u32 s0, $0x2;
	[tilespmem:s14+$0xFFFFFFE0] =	vst v2;
	v2 =	vmul.f32 v9, v5;
	v5 =	vpop (erf)  }
0xa5: {  	s15 =	sadd.s32 $0x18800, s0;
	[tilespmem:s14+$0xFFFFFFF0] =	vst v1;
	v7 =	vmul.f32 v7, v10;
	v1 =	vpop (erf)  }
0xa6: {  	s2 =	sadd.s32 $0x40, s14;
	v11 =	vmov s15;
	[tilespmem:s14+$0x0] =	vst v2;
	v1 =	vmul.f32 v1, v6  }
0xa7: {  	v2 =	vmul.f32 v3, v8;
	[tilespmem:s2+$0x10] =	vst v7  }
0xa8: {  	[tilespmem:s2+$0xFFFFFFE0] =	vst v1;
	v1 =	vmul.f32 v5, v4  }
0xa9: {  	[tilespmem:s2+$0xFFFFFFF0] =	vst v2  }
0xaa: {  	s16 =	simm.s32 $0x0;
	[tilespmem:s2+$0x0] =	vst v1  }
0xab: {  	s0 =	sadd.s32 $0x1A800, s0;
	v1 =	vld.idx.msk [tilespmem:v11+s16+$0x0 ss:$0x1], $0xffff  }
0xac: {  	v12 =	vmov s0;
	_ =	sdelay $0x3  }
0xad: {  	v1 =	vshll.u32 v1, $0x6  }
0xae: {  	v2 =	vld.idx.msk [tilespmem:v12+s16+$0x0 ss:$0x1], $0xffff;
	v14 =	vshra.s32 v1, $0x2  }
0xaf: {  	(v2sf) =	vpush v14, $0x0;
	_ =	sdelay $0x3  }
0xb0: {  	v1 =	vshll.u32 v2, $0x6  }
0xb1: {  	v1 =	vshra.s32 v1, $0x2  }
0xb2: {  	v13 =	vadd.s32 $0x8000, v1  }
0xb3: {  	(v2sf) =	vpush v13, $0x0  }
0xb4: {  	(v2sf) =	vpush v14, $0x1;
	_ =	sdelay $0x5  }
0xb5: {  	v1 =	vld [tilespmem:s16+$0x1E800]  }
0xb6: {  	(v2sf) =	vpush v13, $0x1;
	s17 =	spop (v2sf)  }
0xb7: {  	(v2sf) =	vpush v14, $0x2;
	v2 =	vld [tilespmem:s17+$0x0];
	_ =	sdelay $0x2  }
0xb8: {  	v3 =	vbroadcast v1, $0x0;
	_ =	sdelay $0x1  }
0xb9: {  	s19 =	simm.s32 $0x10;
	v2 =	vmul.f32 v3, v2  }
0xba: {  	s20 =	spop (v2sf);
	v3 =	vld.idx.msk [tilespmem:v11+s19+$0x0 ss:$0x1], $0xffff  }
0xbb: {  	(v2sf) =	vpush v13, $0x2;
	s21 =	spop (v2sf);
	[tilespmem:s20+$0x0] =	vst.add.f32.msk $0xffff, v2  }
0xbc: {  	(v2sf) =	vpush v14, $0x3;
	v2 =	vld [tilespmem:s21+$0x0];
	_ =	sdelay $0x2  }
0xbd: {  	v4 =	vbroadcast v1, $0x1  }
0xbe: {  	v3 =	vshll.u32 v3, $0x6  }
0xbf: {  	v5 =	vld.idx.msk [tilespmem:v12+s19+$0x0 ss:$0x1], $0xffff;
	v10 =	vshra.s32 v3, $0x2;
	v2 =	vmul.f32 v2, v4  }
0xc0: {  	s22 =	spop (v2sf);
	(v2sf) =	vpush v10, $0x0  }
0xc1: {  	s23 =	spop (v2sf);
	(v2sf) =	vpush v13, $0x3;
	[tilespmem:s22+$0x0] =	vst.add.f32.msk $0xffff, v2  }
0xc2: {  	(v2sf) =	vpush v14, $0x4;
	v2 =	vld [tilespmem:s23+$0x0];
	_ =	sdelay $0x1  }
0xc3: {  	v3 =	vshll.u32 v5, $0x6  }
0xc4: {  	v3 =	vshra.s32 v3, $0x2;
	v4 =	vbroadcast v1, $0x2  }
0xc5: {  	v9 =	vadd.s32 $0x8000, v3  }
0xc6: {  	(v2sf) =	vpush v9, $0x0;
	v2 =	vmul.f32 v2, v4  }
0xc7: {  	s24 =	spop (v2sf);
	(v2sf) =	vpush v10, $0x1  }
0xc8: {  	s25 =	spop (v2sf);
	(v2sf) =	vpush v13, $0x4;
	[tilespmem:s24+$0x0] =	vst.add.f32.msk $0xffff, v2  }
0xc9: {  	(v2sf) =	vpush v14, $0x5;
	v2 =	vld [tilespmem:s25+$0x0];
	_ =	sdelay $0x2  }
0xca: {  	v3 =	vbroadcast v1, $0x3;
	_ =	sdelay $0x1  }
0xcb: {  	s26 =	spop (v2sf);
	v2 =	vmul.f32 v2, v3  }
0xcc: {  	(v2sf) =	vpush v9, $0x1;
	s28 =	spop (v2sf)  }
0xcd: {  	(v2sf) =	vpush v13, $0x5;
	s29 =	spop (v2sf);
	[tilespmem:s28+$0x0] =	vst.add.f32.msk $0xffff, v2  }
0xce: {  	(v2sf) =	vpush v14, $0x6;
	v3 =	vld [tilespmem:s29+$0x0]  }
0xcf: {  	v2 =	vld [tilespmem:s19+$0x1E800];
	_ =	sdelay $0x1  }
0xd0: {  	v5 =	vbroadcast v1, $0x4;
	(v2sf) =	vpush v10, $0x2;
	v4 =	vld [tilespmem:s26+$0x0]  }
0xd1: {  	s30 =	spop (v2sf)  }
0xd2: {  	s31 =	simm.s32 $0x20;
	s4 =	spop (v2sf);
	v3 =	vmul.f32 v3, v5  }
0xd3: {  	s3 =	spop (v2sf);
	v6 =	vbroadcast v2, $0x0;
	v5 =	vld.idx.msk [tilespmem:v11+s31+$0x0 ss:$0x1], $0xffff  }
0xd4: {  	(v2sf) =	vpush v13, $0x6;
	s5 =	spop (v2sf);
	[tilespmem:s3+$0x0] =	vst.add.f32.msk $0xffff, v3  }
0xd5: {  	(v2sf) =	vpush v14, $0x7;
	v3 =	vmul.f32 v6, v4;
	v4 =	vld [tilespmem:s5+$0x0];
	_ =	sdelay $0x1  }
0xd6: {  	(v2sf) =	vpush v9, $0x2;
	[tilespmem:s30+$0x0] =	vst.add.f32.msk $0xffff, v3  }
0xd7: {  	v7 =	vbroadcast v1, $0x5;
	(v2sf) =	vpush v10, $0x3;
	v3 =	vld [tilespmem:s4+$0x0]  }
0xd8: {  	v5 =	vshll.u32 v5, $0x6  }
0xd9: {  	s6 =	spop (v2sf);
	v6 =	vshra.s32 v5, $0x2;
	v4 =	vmul.f32 v4, v7  }
0xda: {  	s7 =	spop (v2sf);
	v5 =	vbroadcast v2, $0x1;
	(v2sf) =	vpush v6, $0x0;
	v7 =	vld.idx.msk [tilespmem:v12+s31+$0x0 ss:$0x1], $0xffff  }
0xdb: {  	s8 =	spop (v2sf);
	(v2sf) =	vpush v13, $0x7;
	[tilespmem:s7+$0x0] =	vst.add.f32.msk $0xffff, v4  }
0xdc: {  	(v2sf) =	vpush v14, $0x8;
	v3 =	vmul.f32 v3, v5;
	v4 =	vld [tilespmem:s8+$0x0];
	_ =	sdelay $0x1  }
0xdd: {  	s9 =	spop (v2sf);
	(v2sf) =	vpush v9, $0x3;
	[tilespmem:s6+$0x0] =	vst.add.f32.msk $0xffff, v3  }
0xde: {  	v8 =	vbroadcast v1, $0x6;
	(v2sf) =	vpush v10, $0x4;
	v3 =	vshll.u32 v7, $0x6;
	v7 =	vld [tilespmem:s9+$0x0]  }
0xdf: {  	v3 =	vshra.s32 v3, $0x2  }
0xe0: {  	v5 =	vadd.s32 $0x8000, v3;
	v3 =	vmul.f32 v4, v8  }
0xe1: {  	s10 =	spop (v2sf);
	(v2sf) =	vpush v5, $0x0;
	v4 =	vbroadcast v2, $0x2  }
0xe2: {  	s11 =	spop (v2sf);
	(v2sf) =	vpush v13, $0x8;
	[tilespmem:s10+$0x0] =	vst.add.f32.msk $0xffff, v3  }
0xe3: {  	v3 =	vmul.f32 v7, v4;
	(v2sf) =	vpush v14, $0x9;
	v4 =	vld [tilespmem:s11+$0x0]  }
0xe4: {  	s12 =	spop (v2sf);
	(v2sf) =	vpush v6, $0x1  }
0xe5: {  	s13 =	spop (v2sf);
	[tilespmem:s12+$0x0] =	vst.add.f32.msk $0xffff, v3;
	(v2sf) =	vpush v9, $0x4  }
0xe6: {  	v7 =	vbroadcast v1, $0x7;
	v3 =	vld [tilespmem:s13+$0x0];
	(v2sf) =	vpush v10, $0x5;
	_ =	sdelay $0x1  }
0xe7: {  	s14 =	spop (v2sf);
	v4 =	vmul.f32 v4, v7  }
0xe8: {  	s15 =	spop (v2sf);
	v7 =	vbroadcast v2, $0x3  }
0xe9: {  	(v2sf) =	vpush v13, $0x9;
	s16 =	spop (v2sf);
	[tilespmem:s15+$0x0] =	vst.add.f32.msk $0xffff, v4  }
0xea: {  	(v2sf) =	vpush v14, $0xA;
	v3 =	vmul.f32 v3, v7;
	v4 =	vld [tilespmem:s16+$0x0]  }
0xeb: {  	(v2sf) =	vpush v5, $0x1;
	s17 =	spop (v2sf)  }
0xec: {  	(v2sf) =	vpush v9, $0x5;
	s19 =	spop (v2sf);
	[tilespmem:s17+$0x0] =	vst.add.f32.msk $0xffff, v3  }
0xed: {  	v8 =	vbroadcast v1, $0x8;
	(v2sf) =	vpush v10, $0x6;
	v7 =	vld [tilespmem:s19+$0x0]  }
0xee: {  	v3 =	vld [tilespmem:s31+$0x1E800]  }
0xef: {  	s20 =	spop (v2sf);
	v4 =	vmul.f32 v4, v8  }
0xf0: {  	v15 =	vbroadcast v2, $0x4;
	(v2sf) =	vpush v6, $0x2;
	v8 =	vld [tilespmem:s14+$0x0];
	s21 =	spop (v2sf)  }
0xf1: {  	(v2sf) =	vpush v13, $0xA;
	s22 =	spop (v2sf);
	[tilespmem:s21+$0x0] =	vst.add.f32.msk $0xffff, v4  }
0xf2: {  	s23 =	simm.s32 $0x30;
	(v2sf) =	vpush v14, $0xB;
	s24 =	spop (v2sf);
	v4 =	vmul.f32 v7, v15;
	v7 =	vld [tilespmem:s22+$0x0]  }
0xf3: {  	v16 =	vbroadcast v3, $0x0;
	v15 =	vld.idx.msk [tilespmem:v11+s23+$0x0 ss:$0x1], $0xffff;
	s25 =	spop (v2sf)  }
0xf4: {  	(v2sf) =	vpush v9, $0x6;
	[tilespmem:s25+$0x0] =	vst.add.f32.msk $0xffff, v4;
	s26 =	spop (v2sf)  }
0xf5: {  	(v2sf) =	vpush v10, $0x7;
	v4 =	vmul.f32 v16, v8;
	v8 =	vld [tilespmem:s26+$0x0];
	v16 =	vbroadcast v1, $0x9;
	_ =	sdelay $0x1  }
0xf6: {  	(v2sf) =	vpush v5, $0x2;
	[tilespmem:s20+$0x0] =	vst.add.f32.msk $0xffff, v4;
	v4 =	vmul.f32 v7, v16  }
0xf7: {  	v17 =	vbroadcast v2, $0x5;
	s28 =	spop (v2sf);
	(v2sf) =	vpush v6, $0x3;
	v16 =	vld [tilespmem:s24+$0x0]  }
0xf8: {  	s29 =	spop (v2sf);
	(v2sf) =	vpush v13, $0xB;
	v7 =	vshll.u32 v15, $0x6;
	[tilespmem:s28+$0x0] =	vst.add.f32.msk $0xffff, v4  }
0xf9: {  	s30 =	spop (v2sf);
	(v2sf) =	vpush v14, $0xC;
	v7 =	vshra.s32 v7, $0x2;
	v4 =	vmul.f32 v8, v17;
	v8 =	vld [tilespmem:s29+$0x0]  }
0xfa: {  	v15 =	vbroadcast v3, $0x1;
	s31 =	spop (v2sf);
	v17 =	vld.idx.msk [tilespmem:v12+s23+$0x0 ss:$0x1], $0xffff;
	(v2sf) =	vpush v7, $0x0  }
0xfb: {  	s3 =	spop (v2sf);
	(v2sf) =	vpush v9, $0x7;
	[tilespmem:s31+$0x0] =	vst.add.f32.msk $0xffff, v4  }
0xfc: {  	(v2sf) =	vpush v10, $0x8;
	v4 =	vmul.f32 v16, v15;
	v15 =	vld [tilespmem:s3+$0x0];
	v16 =	vbroadcast v1, $0xA;
	_ =	sdelay $0x1  }
0xfd: {  	s4 =	spop (v2sf);
	(v2sf) =	vpush v5, $0x3;
	[tilespmem:s30+$0x0] =	vst.add.f32.msk $0xffff, v4;
	v4 =	vmul.f32 v8, v16  }
0xfe: {  	(v2sf) =	vpush v6, $0x4;
	s5 =	spop (v2sf);
	v8 =	vshll.u32 v17, $0x6;
	v16 =	vld [tilespmem:s4+$0x0];
	v17 =	vbroadcast v2, $0x6  }
0xff: {  	(v2sf) =	vpush v13, $0xC;
	s6 =	spop (v2sf);
	v8 =	vshra.s32 v8, $0x2;
	[tilespmem:s5+$0x0] =	vst.add.f32.msk $0xffff, v4  }
0x100: {  	(v2sf) =	vpush v14, $0xD;
	v8 =	vadd.s32 $0x8000, v8;
	v4 =	vmul.f32 v15, v17;
	v15 =	vld [tilespmem:s6+$0x0]  }
0x101: {  	s7 =	spop (v2sf);
	v17 =	vbroadcast v3, $0x2;
	(v2sf) =	vpush v8, $0x0  }
0x102: {  	s8 =	spop (v2sf);
	[tilespmem:s7+$0x0] =	vst.add.f32.msk $0xffff, v4;
	(v2sf) =	vpush v9, $0x8  }
0x103: {  	v18 =	vbroadcast v1, $0xB;
	v16 =	vmul.f32 v16, v17;
	v17 =	vld [tilespmem:s8+$0x0];
	(v2sf) =	vpush v10, $0x9  }
0x104: {  	v4 =	vld [tilespmem:s23+$0x1E800];
	s9 =	spop (v2sf);
	(v2sf) =	vpush v7, $0x1  }
0x105: {  	s10 =	spop (v2sf);
	[tilespmem:s9+$0x0] =	vst.add.f32.msk $0xffff, v16;
	(v2sf) =	vpush v5, $0x4;
	v15 =	vmul.f32 v15, v18  }
0x106: {  	s11 =	spop (v2sf);
	v16 =	vld [tilespmem:s10+$0x0];
	(v2sf) =	vpush v6, $0x5;
	v18 =	vbroadcast v2, $0x7  }
0x107: {  	s12 =	spop (v2sf);
	(v2sf) =	vpush v13, $0xD;
	[tilespmem:s11+$0x0] =	vst.add.f32.msk $0xffff, v15  }
0x108: {  	s13 =	spop (v2sf);
	v15 =	vmul.f32 v17, v18;
	(v2sf) =	vpush v14, $0xE;
	v17 =	vld [tilespmem:s12+$0x0]  }
0x109: {  	v19 =	vbroadcast v3, $0x3;
	v18 =	vld [tilespmem:s13+$0x0];
	s14 =	spop (v2sf)  }
0x10a: {  	s15 =	spop (v2sf);
	(v2sf) =	vpush v9, $0x9;
	[tilespmem:s14+$0x0] =	vst.add.f32.msk $0xffff, v15  }
0x10b: {  	s0 =	simm.s32 $0x40;
	(v2sf) =	vpush v10, $0xA;
	v15 =	vmul.f32 v16, v19;
	v16 =	vld [tilespmem:s15+$0x0];
	v19 =	vbroadcast v1, $0xC  }
0x10c: {  	v20 =	vld.idx.msk [tilespmem:v11+s0+$0x0 ss:$0x1], $0xffff;
	s16 =	spop (v2sf);
	(v2sf) =	vpush v8, $0x1  }
0x10d: {  	v21 =	vbroadcast v4, $0x0;
	s17 =	spop (v2sf);
	(v2sf) =	vpush v5, $0x5;
	[tilespmem:s16+$0x0] =	vst.add.f32.msk $0xffff, v15;
	v15 =	vmul.f32 v17, v19  }
0x10e: {  	s19 =	spop (v2sf);
	(v2sf) =	vpush v6, $0x6;
	v17 =	vld [tilespmem:s17+$0x0];
	v19 =	vbroadcast v2, $0x8  }
0x10f: {  	v18 =	vmul.f32 v21, v18;
	s20 =	spop (v2sf);
	(v2sf) =	vpush v13, $0xE;
	[tilespmem:s19+$0x0] =	vst.add.f32.msk $0xffff, v15  }
0x110: {  	(v2sf) =	vpush v14, $0xF;
	s21 =	spop (v2sf);
	v15 =	vmul.f32 v16, v19;
	v16 =	vld [tilespmem:s20+$0x0]  }
0x111: {  	v14 =	vbroadcast v3, $0x4;
	(v2sf) =	vpush v7, $0x2;
	[tilespmem:s21+$0x0] =	vst.add.f32.msk $0xffff, v18;
	s22 =	spop (v2sf)  }
0x112: {  	(v2sf) =	vpush v9, $0xA;
	[tilespmem:s22+$0x0] =	vst.add.f32.msk $0xffff, v15;
	s23 =	spop (v2sf)  }
0x113: {  	(v2sf) =	vpush v10, $0xB;
	s24 =	spop (v2sf);
	v14 =	vmul.f32 v17, v14;
	v15 =	vld [tilespmem:s23+$0x0];
	v17 =	vbroadcast v1, $0xD  }
0x114: {  	v18 =	vld [tilespmem:s24+$0x0];
	s25 =	spop (v2sf)  }
0x115: {  	(v2sf) =	vpush v5, $0x6;
	[tilespmem:s25+$0x0] =	vst.add.f32.msk $0xffff, v14;
	s26 =	spop (v2sf);
	v14 =	vmul.f32 v16, v17  }
0x116: {  	(v2sf) =	vpush v6, $0x7;
	v17 =	vld [tilespmem:s26+$0x0];
	v16 =	vbroadcast v2, $0x9;
	s28 =	spop (v2sf)  }
0x117: {  	(v2sf) =	vpush v13, $0xF;
	s29 =	spop (v2sf);
	[tilespmem:s28+$0x0] =	vst.add.f32.msk $0xffff, v14  }
0x118: {  	v13 =	vbroadcast v4, $0x1;
	(v2sf) =	vpush v8, $0x2;
	v14 =	vmul.f32 v15, v16;
	v15 =	vld [tilespmem:s29+$0x0]  }
0x119: {  	v20 =	vshll.u32 v20, $0x6;
	v63 =	vbroadcast v3, $0x5;
	v19 =	vld.idx.msk [tilespmem:v12+s0+$0x0 ss:$0x1], $0xffff;
	(v2sf) =	vpush v7, $0x3;
	s30 =	spop (v2sf)  }
0x11a: {  	v16 =	vbroadcast v1, $0xE;
	(v2sf) =	vpush v9, $0xB;
	v18 =	vmul.f32 v18, v13;
	s31 =	spop (v2sf);
	[tilespmem:s30+$0x0] =	vst.add.f32.msk $0xffff, v14  }
0x11b: {  	s1 =	simm.s32 $0x140;
	v13 =	vshra.s32 v20, $0x2;
	(v2sf) =	vpush v10, $0xC;
	s8 =	spop (v2sf);
	v17 =	vmul.f32 v17, v63;
	v14 =	vld [tilespmem:s31+$0x0]  }
.LBB2_15:
0x11c: {  	p0 =	seq.s32 s1, $0x3FC0;
	(v2sf) =	vpush v13, $0x0;
	[tilespmem:s8+$0x0] =	vst.add.f32.msk $0xffff, v18;
	s2 =	spop (v2sf)  }
0x11d: {  	[tilespmem:s2+$0x0] =	vst.add.f32.msk $0xffff, v17;
	s2 =	spop (v2sf);
	(v2sf) =	vpush v5, $0x7;
	v15 =	vmul.f32 v15, v16  }
0x11e: {  	v17 =	vbroadcast v2, $0xA;
	v16 =	vld [tilespmem:s2+$0x0];
	(v2sf) =	vpush v6, $0x8;
	s2 =	spop (v2sf)  }
0x11f: {  	[tilespmem:s2+$0x0] =	vst.add.f32.msk $0xffff, v15;
	s2 =	spop (v2sf)  }
0x120: {  	s3 =	spop (v2sf);
	(v2sf) =	vpush v8, $0x3;
	v14 =	vmul.f32 v14, v17;
	v15 =	vld [tilespmem:s2+$0x0]  }
0x121: {  	v17 =	vshll.u32 v19, $0x6;
	v19 =	vbroadcast v3, $0x6;
	v18 =	vld [tilespmem:s3+$0x0];
	(v2sf) =	vpush v7, $0x4;
	s2 =	spop (v2sf)  }
0x122: {  	v17 =	vshra.s32 v17, $0x2;
	[tilespmem:s2+$0x0] =	vst.add.f32.msk $0xffff, v14;
	s2 =	spop (v2sf);
	(v2sf) =	vpush v9, $0xC;
	v14 =	vbroadcast v1, $0xF;
	v1 =	vmovc v2;
	v2 =	vmovc v3  }
0x123: {  	v17 =	vadd.s32 $0x8000, v17;
	v3 =	vmovc v4;
	v16 =	vmul.f32 v16, v19;
	v19 =	vld [tilespmem:s2+$0x0];
	(v2sf) =	vpush v10, $0xD  }
0x124: {  	v20 =	vbroadcast v3, $0x2;
	v4 =	vld [tilespmem:s0+$0x1E800];
	(v2sf) =	vpush v17, $0x0;
	s0 =	spop (v2sf)  }
0x125: {  	[tilespmem:s0+$0x0] =	vst.add.f32.msk $0xffff, v16;
	s0 =	spop (v2sf);
	(v2sf) =	vpush v5, $0x8;
	v14 =	vmul.f32 v15, v14  }
0x126: {  	v15 =	vmul.f32 v18, v20;
	v16 =	vld [tilespmem:s0+$0x0];
	(v2sf) =	vpush v6, $0x9;
	v18 =	vbroadcast v1, $0xB;
	s0 =	spop (v2sf)  }
0x127: {  	(v2sf) =	vpush v13, $0x1;
	s2 =	spop (v2sf);
	[tilespmem:s0+$0x0] =	vst.add.f32.msk $0xffff, v14  }
0x128: {  	[tilespmem:s2+$0x0] =	vst.add.f32.msk $0xffff, v15;
	s0 =	spop (v2sf);
	(v2sf) =	vpush v8, $0x4;
	v14 =	vmul.f32 v19, v18  }
0x129: {  	v18 =	vbroadcast v2, $0x7;
	v15 =	vld [tilespmem:s0+$0x0];
	(v2sf) =	vpush v7, $0x5;
	s0 =	spop (v2sf)  }
0x12a: {  	[tilespmem:s0+$0x0] =	vst.add.f32.msk $0xffff, v14;
	s0 =	spop (v2sf);
	(v2sf) =	vpush v9, $0xD  }
0x12b: {  	s2 =	spop (v2sf);
	v14 =	vmul.f32 v16, v18;
	v16 =	vld [tilespmem:s0+$0x0];
	(v2sf) =	vpush v10, $0xE  }
0x12c: {  	v19 =	vbroadcast v3, $0x3;
	v18 =	vld [tilespmem:s2+$0x0];
	s0 =	spop (v2sf)  }
0x12d: {  	[tilespmem:s0+$0x0] =	vst.add.f32.msk $0xffff, v14;
	s2 =	spop (v2sf);
	(v2sf) =	vpush v5, $0x9  }
0x12e: {  	s0 =	sshra.s32 s1, $0x2;
	v14 =	vmul.f32 v15, v19;
	v15 =	vld [tilespmem:s2+$0x0];
	(v2sf) =	vpush v6, $0xA;
	v19 =	vbroadcast v1, $0xC  }
0x12f: {  	v20 =	vld.idx.msk [tilespmem:v11+s0+$0x0 ss:$0x1], $0xffff;
	(v2sf) =	vpush v17, $0x1;
	s2 =	spop (v2sf)  }
0x130: {  	v21 =	vbroadcast v4, $0x0;
	[tilespmem:s2+$0x0] =	vst.add.f32.msk $0xffff, v14;
	s2 =	spop (v2sf);
	(v2sf) =	vpush v8, $0x5;
	v14 =	vmul.f32 v16, v19  }
0x131: {  	v19 =	vbroadcast v2, $0x8;
	v16 =	vld [tilespmem:s2+$0x0];
	(v2sf) =	vpush v7, $0x6;
	s2 =	spop (v2sf)  }
0x132: {  	v18 =	vmul.f32 v21, v18;
	[tilespmem:s2+$0x0] =	vst.add.f32.msk $0xffff, v14;
	s2 =	spop (v2sf);
	(v2sf) =	vpush v9, $0xE  }
0x133: {  	s3 =	spop (v2sf);
	v14 =	vmul.f32 v15, v19;
	v15 =	vld [tilespmem:s2+$0x0];
	(v2sf) =	vpush v10, $0xF;
	v10 =	vmovc v6;
	v6 =	vmovc v7;
	v7 =	vmov v13  }
0x134: {  	v13 =	vbroadcast v3, $0x4;
	[tilespmem:s3+$0x0] =	vst.add.f32.msk $0xffff, v18;
	(v2sf) =	vpush v7, $0x2;
	s2 =	spop (v2sf)  }
0x135: {  	[tilespmem:s2+$0x0] =	vst.add.f32.msk $0xffff, v14;
	s2 =	spop (v2sf);
	(v2sf) =	vpush v5, $0xA  }
0x136: {  	s3 =	spop (v2sf);
	v13 =	vmul.f32 v16, v13;
	v14 =	vld [tilespmem:s2+$0x0];
	(v2sf) =	vpush v10, $0xB;
	v16 =	vbroadcast v1, $0xD  }
0x137: {  	v18 =	vld [tilespmem:s3+$0x0];
	s2 =	spop (v2sf)  }
0x138: {  	[tilespmem:s2+$0x0] =	vst.add.f32.msk $0xffff, v13;
	s2 =	spop (v2sf);
	(v2sf) =	vpush v8, $0x6;
	v13 =	vmul.f32 v15, v16  }
0x139: {  	v15 =	vbroadcast v2, $0x9;
	v21 =	vld [tilespmem:s2+$0x0];
	(v2sf) =	vpush v6, $0x7;
	s2 =	spop (v2sf)  }
.Ltmp5:
0x13a: {  	[tilespmem:s2+$0x0] =	vst.add.f32.msk $0xffff, v13;
	s2 =	spop (v2sf);
	(v2sf) =	vpush v9, $0xF;
	v9 =	vmovc v5;
	v5 =	vmov v8;
	v8 =	vmov v17;
	(pc) =	sbr.rel @!p0 .LBB2_15-.Ltmp5, $4  }
0x13b: {  	v13 =	vbroadcast v4, $0x1;
	(v2sf) =	vpush v8, $0x2;
	v14 =	vmul.f32 v14, v15;
	v15 =	vld [tilespmem:s2+$0x0]  }
0x13c: {  	v16 =	vbroadcast v1, $0xE;
	v17 =	vbroadcast v3, $0x5;
	v19 =	vld.idx.msk [tilespmem:v12+s0+$0x0 ss:$0x1], $0xffff;
	(v2sf) =	vpush v7, $0x3;
	s2 =	spop (v2sf)  }
0x13d: {  	v20 =	vshll.u32 v20, $0x6;
	v18 =	vmul.f32 v18, v13;
	[tilespmem:s2+$0x0] =	vst.add.f32.msk $0xffff, v14;
	s2 =	spop (v2sf);
	(v2sf) =	vpush v9, $0xB  }
0x13e: {  	s1 =	sadd.s32 $0x40, s1;
	v13 =	vshra.s32 v20, $0x2;
	s8 =	spop (v2sf);
	v17 =	vmul.f32 v21, v17;
	v14 =	vld [tilespmem:s2+$0x0];
	(v2sf) =	vpush v10, $0xC  }
0x13f: {  	(v2sf) =	vpush v13, $0x0  }
0x140: {  	s15 =	spop (v2sf);
	(v2sf) =	vpush v5, $0x7  }
0x141: {  	s10 =	spop (v2sf);
	(v2sf) =	vpush v6, $0x8  }
0x142: {  	s28 =	spop (v2sf);
	(v2sf) =	vpush v8, $0x3  }
0x143: {  	v11 =	vshll.u32 v19, $0x6;
	s29 =	spop (v2sf);
	(v2sf) =	vpush v7, $0x4  }
0x144: {  	v11 =	vshra.s32 v11, $0x2;
	s5 =	spop (v2sf);
	(v2sf) =	vpush v9, $0xC  }
0x145: {  	v11 =	vadd.s32 $0x8000, v11;
	s30 =	spop (v2sf);
	(v2sf) =	vpush v10, $0xD  }
0x146: {  	s31 =	spop (v2sf);
	(v2sf) =	vpush v11, $0x0  }
0x147: {  	s9 =	spop (v2sf);
	(v2sf) =	vpush v5, $0x8  }
0x148: {  	s14 =	spop (v2sf);
	(v2sf) =	vpush v6, $0x9  }
0x149: {  	s1 =	spop (v2sf);
	(v2sf) =	vpush v13, $0x1  }
0x14a: {  	s19 =	spop (v2sf);
	(v2sf) =	vpush v8, $0x4  }
0x14b: {  	s3 =	spop (v2sf);
	(v2sf) =	vpush v7, $0x5  }
0x14c: {  	s21 =	spop (v2sf);
	(v2sf) =	vpush v9, $0xD  }
0x14d: {  	s22 =	spop (v2sf);
	(v2sf) =	vpush v10, $0xE  }
0x14e: {  	s2 =	spop (v2sf);
	(v2sf) =	vpush v5, $0x9  }
0x14f: {  	s11 =	spop (v2sf);
	(v2sf) =	vpush v6, $0xA  }
0x150: {  	s25 =	spop (v2sf);
	(v2sf) =	vpush v11, $0x1  }
0x151: {  	[dreg:$0x13] =	wrdreg s1;
	s7 =	spop (v2sf);
	(v2sf) =	vpush v8, $0x5  }
0x152: {  	[smem:$0x7F9] =	sst s21;
	s1 =	spop (v2sf);
	(v2sf) =	vpush v7, $0x6  }
0x153: {  	[smem:$0x7FA] =	sst s22;
	s23 =	spop (v2sf);
	(v2sf) =	vpush v9, $0xE  }
0x154: {  	v12 =	vld [tilespmem:s0+$0x1E800];
	[smem:$0x7FB] =	sst s23;
	s24 =	spop (v2sf)  }
0x155: {  	(v2sf) =	vpush v10, $0xF;
	[dreg:$0x1e] =	wrdreg s24;
	s26 =	spop (v2sf)  }
0x156: {  	v58 =	vld [tilespmem:s2+$0x0];
	s17 =	spop (v2sf)  }
0x157: {  	(v2sf) =	vpush v13, $0x2;
	s24 =	spop (v2sf)  }
0x158: {  	(v2sf) =	vpush v5, $0xA;
	s6 =	spop (v2sf)  }
0x159: {  	v59 =	vbroadcast v12, $0x0;
	(v2sf) =	vpush v6, $0xB;
	s4 =	spop (v2sf)  }
0x15a: {  	(v2sf) =	vpush v8, $0x6;
	s0 =	spop (v2sf)  }
0x15b: {  	(v2sf) =	vpush v7, $0x7;
	v10 =	vmul.f32 v59, v58;
	s12 =	spop (v2sf)  }
0x15c: {  	(v2sf) =	vpush v9, $0xF;
	[dreg:$0x1f] =	wrdreg s12;
	s13 =	spop (v2sf)  }
0x15d: {  	[tilespmem:s26+$0x0] =	vst.add.f32.msk $0xffff, v10;
	s12 =	spop (v2sf)  }
0x15e: {  	(v2sf) =	vpush v11, $0x2;
	[smem:$0x7FC] =	sst s13;
	s22 =	spop (v2sf)  }
0x15f: {  	(v2sf) =	vpush v13, $0x3;
	v60 =	vld [tilespmem:s6+$0x0];
	s16 =	spop (v2sf)  }
0x160: {  	s2 =	spop (v2sf)  }
0x161: {  	s13 =	spop (v2sf)  }
0x162: {  	v61 =	vbroadcast v12, $0x1;
	(v2sf) =	vpush v5, $0xB;
	[tilespmem:s8+$0x0] =	vst.add.f32.msk $0xffff, v18;
	s20 =	spop (v2sf)  }
0x163: {  	(v2sf) =	vpush v6, $0xC;
	[dreg:$0x18] =	wrdreg s20  }
0x164: {  	(v2sf) =	vpush v8, $0x7;
	s21 =	spop (v2sf);
	v9 =	vmul.f32 v60, v61;
	v62 =	vld [tilespmem:s5+$0x0]  }
0x165: {  	(v2sf) =	vpush v7, $0x8;
	[dreg:$0x19] =	wrdreg s21  }
0x166: {  	(v2sf) =	vpush v11, $0x3;
	s23 =	spop (v2sf);
	[tilespmem:s16+$0x0] =	vst.add.f32.msk $0xffff, v9  }
0x167: {  	v63 =	vbroadcast v4, $0x2;
	(v2sf) =	vpush v13, $0x4;
	s16 =	spop (v2sf);
	v9 =	vld [tilespmem:s23+$0x0]  }
0x168: {  	s23 =	spop (v2sf)  }
0x169: {  	s5 =	spop (v2sf);
	v10 =	vmul.f32 v62, v63  }
0x16a: {  	v21 =	vbroadcast v12, $0x2;
	(v2sf) =	vpush v5, $0xC;
	s6 =	spop (v2sf)  }
0x16b: {  	(v2sf) =	vpush v6, $0xD;
	s26 =	spop (v2sf);
	[tilespmem:s19+$0x0] =	vst.add.f32.msk $0xffff, v10  }
0x16c: {  	(v2sf) =	vpush v8, $0x8;
	v9 =	vmul.f32 v9, v21;
	[dreg:$0x15] =	wrdreg s26  }
0x16d: {  	(v2sf) =	vpush v7, $0x9;
	s8 =	spop (v2sf);
	v10 =	vld [tilespmem:s3+$0x0]  }
0x16e: {  	(v2sf) =	vpush v11, $0x4;
	s19 =	spop (v2sf);
	[tilespmem:s8+$0x0] =	vst.add.f32.msk $0xffff, v9  }
0x16f: {  	(v2sf) =	vpush v13, $0x5;
	v9 =	vld [tilespmem:s19+$0x0]  }
0x170: {  	v22 =	vbroadcast v4, $0x3  }
0x171: {  	s21 =	spop (v2sf);
	(v2sf) =	vpush v5, $0xD  }
0x172: {  	v23 =	vbroadcast v12, $0x3;
	s19 =	spop (v2sf);
	v10 =	vmul.f32 v10, v22  }
0x173: {  	(v2sf) =	vpush v6, $0xE;
	s3 =	spop (v2sf)  }
0x174: {  	(v2sf) =	vpush v8, $0x9;
	[tilespmem:s7+$0x0] =	vst.add.f32.msk $0xffff, v10;
	v9 =	vmul.f32 v9, v23;
	s7 =	spop (v2sf)  }
0x175: {  	(v2sf) =	vpush v7, $0xA;
	v10 =	vld [tilespmem:s1+$0x0];
	s20 =	spop (v2sf)  }
0x176: {  	(v2sf) =	vpush v11, $0x5;
	[tilespmem:s20+$0x0] =	vst.add.f32.msk $0xffff, v9;
	s26 =	spop (v2sf)  }
0x177: {  	(v2sf) =	vpush v13, $0x6;
	v9 =	vld [tilespmem:s26+$0x0]  }
0x178: {  	v24 =	vbroadcast v4, $0x4  }
0x179: {  	s26 =	spop (v2sf)  }
0x17a: {  	v25 =	vbroadcast v12, $0x4;
	(v2sf) =	vpush v5, $0xE;
	s20 =	spop (v2sf);
	v10 =	vmul.f32 v10, v24  }
0x17b: {  	(v2sf) =	vpush v6, $0xF;
	s1 =	spop (v2sf)  }
0x17c: {  	(v2sf) =	vpush v8, $0xA;
	s8 =	spop (v2sf);
	[tilespmem:s4+$0x0] =	vst.add.f32.msk $0xffff, v10;
	v26 =	vmul.f32 v9, v25  }
0x17d: {  	(v2sf) =	vpush v7, $0xB;
	s4 =	spop (v2sf);
	v27 =	vld [tilespmem:s0+$0x0]  }
0x17e: {  	(v2sf) =	vpush v11, $0x6;
	[tilespmem:s4+$0x0] =	vst.add.f32.msk $0xffff, v26;
	s4 =	spop (v2sf)  }
0x17f: {  	(v2sf) =	vpush v13, $0x7;
	v6 =	vld [tilespmem:s4+$0x0]  }
0x180: {  	v28 =	vbroadcast v4, $0x5;
	s4 =	spop (v2sf)  }
0x181: {  	[smem:$0x7FD] =	sst s4  }
0x182: {  	v29 =	vbroadcast v12, $0x5;
	[tilespmem:s15+$0x0] =	vst.add.f32.msk $0xffff, v17;
	s15 =	spop (v2sf);
	v9 =	vmul.f32 v27, v28  }
0x183: {  	(v2sf) =	vpush v5, $0xF;
	v17 =	vld [tilespmem:s10+$0x0];
	s4 =	spop (v2sf)  }
0x184: {  	(v2sf) =	vpush v8, $0xB;
	[tilespmem:s2+$0x0] =	vst.add.f32.msk $0xffff, v9;
	v30 =	vmul.f32 v6, v29;
	s2 =	spop (v2sf)  }
0x185: {  	(v2sf) =	vpush v7, $0xC;
	v31 =	vld [tilespmem:s13+$0x0];
	s10 =	spop (v2sf)  }
0x186: {  	v32 =	vbroadcast v3, $0x6;
	(v2sf) =	vpush v11, $0x7;
	[tilespmem:s10+$0x0] =	vst.add.f32.msk $0xffff, v30;
	s13 =	spop (v2sf)  }
0x187: {  	(v2sf) =	vpush v13, $0x8;
	v33 =	vld [tilespmem:s13+$0x0]  }
0x188: {  	v34 =	vbroadcast v4, $0x6;
	v5 =	vmul.f32 v17, v32  }
0x189: {  	s13 =	spop (v2sf)  }
0x18a: {  	v36 =	vbroadcast v12, $0x6;
	s10 =	spop (v2sf);
	[tilespmem:s9+$0x0] =	vst.add.f32.msk $0xffff, v5;
	v35 =	vmul.f32 v31, v34  }
0x18b: {  	s9 =	spop (v2sf);
	v37 =	vld [tilespmem:s14+$0x0]  }
0x18c: {  	(v2sf) =	vpush v8, $0xC;
	s14 =	spop (v2sf);
	[tilespmem:s5+$0x0] =	vst.add.f32.msk $0xffff, v35;
	v38 =	vmul.f32 v33, v36  }
0x18d: {  	(v2sf) =	vpush v7, $0xD;
	s5 =	spop (v2sf);
	v39 =	vld [tilespmem:s6+$0x0]  }
0x18e: {  	v40 =	vbroadcast v3, $0x7;
	(v2sf) =	vpush v11, $0x8;
	s6 =	spop (v2sf);
	[tilespmem:s5+$0x0] =	vst.add.f32.msk $0xffff, v38  }
0x18f: {  	(v2sf) =	vpush v13, $0x9;
	v41 =	vld [tilespmem:s6+$0x0]  }
0x190: {  	v42 =	vbroadcast v4, $0x7;
	v5 =	vmul.f32 v37, v40;
	_ =	sdelay $0x1  }
0x191: {  	v44 =	vbroadcast v12, $0x7;
	s6 =	spop (v2sf);
	[tilespmem:s11+$0x0] =	vst.add.f32.msk $0xffff, v5;
	v43 =	vmul.f32 v39, v42  }
0x192: {  	v45 =	vld [tilespmem:s25+$0x0];
	s25 =	spop (v2sf)  }
0x193: {  	(v2sf) =	vpush v8, $0xD;
	s0 =	spop (v2sf);
	[tilespmem:s3+$0x0] =	vst.add.f32.msk $0xffff, v43;
	v46 =	vmul.f32 v41, v44  }
0x194: {  	(v2sf) =	vpush v7, $0xE;
	s5 =	spop (v2sf);
	v47 =	vld [tilespmem:s7+$0x0]  }
0x195: {  	v48 =	vbroadcast v3, $0x8;
	(v2sf) =	vpush v11, $0x9;
	s7 =	spop (v2sf);
	[tilespmem:s5+$0x0] =	vst.add.f32.msk $0xffff, v46  }
0x196: {  	(v2sf) =	vpush v13, $0xA;
	v49 =	vld [tilespmem:s7+$0x0]  }
0x197: {  	v50 =	vbroadcast v4, $0x8;
	v5 =	vmul.f32 v45, v48;
	_ =	sdelay $0x1  }
0x198: {  	v52 =	vbroadcast v12, $0x8;
	[tilespmem:s17+$0x0] =	vst.add.f32.msk $0xffff, v5;
	v51 =	vmul.f32 v47, v50  }
0x199: {  	s17 =	spop (v2sf);
	v53 =	vld [tilespmem:s24+$0x0]  }
0x19a: {  	(v2sf) =	vpush v8, $0xE;
	s24 =	spop (v2sf);
	[tilespmem:s1+$0x0] =	vst.add.f32.msk $0xffff, v51;
	v54 =	vmul.f32 v49, v52  }
0x19b: {  	(v2sf) =	vpush v7, $0xF;
	v55 =	vld [tilespmem:s8+$0x0];
	s8 =	spop (v2sf)  }
0x19c: {  	v57 =	vbroadcast v3, $0x9;
	v56 =	vmul.f32 v15, v16;
	(v2sf) =	vpush v11, $0xA;
	[tilespmem:s8+$0x0] =	vst.add.f32.msk $0xffff, v54;
	s11 =	spop (v2sf)  }
0x19d: {  	v58 =	vld [tilespmem:s11+$0x0]  }
0x19e: {  	v60 =	vbroadcast v4, $0x9;
	[tilespmem:s28+$0x0] =	vst.add.f32.msk $0xffff, v56;
	v59 =	vmul.f32 v53, v57  }
0x19f: {  	v10 =	vld [tilespmem:s29+$0x0];
	(v2sf) =	vpush v13, $0xB  }
0x1a0: {  	v62 =	vbroadcast v12, $0x9;
	[tilespmem:s12+$0x0] =	vst.add.f32.msk $0xffff, v59;
	v61 =	vmul.f32 v55, v60  }
0x1a1: {  	s7 =	spop (v2sf);
	v63 =	vld [tilespmem:s22+$0x0]  }
0x1a2: {  	s1 =	spop (v2sf);
	[tilespmem:s4+$0x0] =	vst.add.f32.msk $0xffff, v61;
	v6 =	vmul.f32 v58, v62  }
0x1a3: {  	v15 =	vbroadcast v2, $0xA;
	s28 =	spop (v2sf);
	v16 =	vld [tilespmem:s2+$0x0]  }
0x1a4: {  	s29 =	spop (v2sf);
	[tilespmem:s28+$0x0] =	vst.add.f32.msk $0xffff, v6  }
0x1a5: {  	v17 =	vbroadcast v3, $0xA;
	v5 =	vmul.f32 v14, v15;
	v18 =	vld [tilespmem:s29+$0x0]  }
0x1a6: {  	(v2sf) =	vpush v8, $0xF  }
0x1a7: {  	v20 =	vbroadcast v4, $0xA;
	[tilespmem:s30+$0x0] =	vst.add.f32.msk $0xffff, v5;
	(v2sf) =	vpush v11, $0xB;
	v19 =	vmul.f32 v63, v17  }
0x1a8: {  	v23 =	vbroadcast v12, $0xA;
	v21 =	vld [tilespmem:s31+$0x0]  }
0x1a9: {  	s3 =	spop (v2sf);
	[tilespmem:s16+$0x0] =	vst.add.f32.msk $0xffff, v19;
	v22 =	vmul.f32 v16, v20  }
0x1aa: {  	(v2sf) =	vpush v13, $0xC;
	s5 =	spop (v2sf);
	v24 =	vld [tilespmem:s23+$0x0];
	v6 =	vmul.f32 v18, v23  }
0x1ab: {  	s8 =	spop (v2sf);
	[tilespmem:s9+$0x0] =	vst.add.f32.msk $0xffff, v22  }
0x1ac: {  	v25 =	vbroadcast v2, $0xB;
	[tilespmem:s8+$0x0] =	vst.add.f32.msk $0xffff, v6  }
0x1ad: {  	s11 =	sld [smem:$0x7F9]  }
0x1ae: {  	v5 =	vmul.f32 v21, v25;
	s9 =	spop (v2sf);
	v26 =	vld [tilespmem:s14+$0x0]  }
0x1af: {  	v27 =	vbroadcast v3, $0xB;
	v28 =	vld [tilespmem:s9+$0x0]  }
0x1b0: {  	[tilespmem:s11+$0x0] =	vst.add.f32.msk $0xffff, v5  }
0x1b1: {  	v30 =	vbroadcast v4, $0xB;
	v29 =	vmul.f32 v24, v27;
	s4 =	sld [smem:$0x7FA]  }
0x1b2: {  	(v2sf) =	vpush v11, $0xC  }
0x1b3: {  	v33 =	vbroadcast v12, $0xB;
	(v2sf) =	vpush v13, $0xD;
	v32 =	vmul.f32 v26, v30;
	[tilespmem:s21+$0x0] =	vst.add.f32.msk $0xffff, v29  }
0x1b4: {  	v31 =	vld [tilespmem:s4+$0x0]  }
0x1b5: {  	s12 =	spop (v2sf);
	[tilespmem:s25+$0x0] =	vst.add.f32.msk $0xffff, v32;
	v36 =	vmul.f32 v28, v33  }
0x1b6: {  	s14 =	spop (v2sf);
	v37 =	vld [tilespmem:s0+$0x0]  }
0x1b7: {  	v35 =	vbroadcast v2, $0xC;
	[tilespmem:s14+$0x0] =	vst.add.f32.msk $0xffff, v36  }
0x1b8: {  	v34 =	vld [tilespmem:s19+$0x0];
	s19 =	sld [smem:$0x7FB]  }
0x1b9: {  	s16 =	spop (v2sf);
	v38 =	vmul.f32 v31, v35  }
0x1ba: {  	v41 =	vbroadcast v4, $0xC;
	v5 =	vld [tilespmem:s16+$0x0]  }
0x1bb: {  	(v2sf) =	vpush v11, $0xD;
	[tilespmem:s19+$0x0] =	vst.add.f32.msk $0xffff, v38  }
0x1bc: {  	v39 =	vbroadcast v3, $0xC;
	(v2sf) =	vpush v13, $0xE;
	v6 =	vmul.f32 v37, v41;
	s0 =	rddreg [dreg:$0x1e]  }
0x1bd: {  	v42 =	vld [tilespmem:s0+$0x0]  }
0x1be: {  	v43 =	vbroadcast v12, $0xC;
	v40 =	vmul.f32 v34, v39;
	[tilespmem:s17+$0x0] =	vst.add.f32.msk $0xffff, v6  }
0x1bf: {  	v46 =	vld [tilespmem:s24+$0x0]  }
0x1c0: {  	v45 =	vbroadcast v2, $0xD;
	v5 =	vmul.f32 v5, v43;
	[tilespmem:s26+$0x0] =	vst.add.f32.msk $0xffff, v40  }
0x1c1: {  	v44 =	vld [tilespmem:s20+$0x0];
	s20 =	spop (v2sf)  }
0x1c2: {  	v49 =	vbroadcast v4, $0xD;
	[tilespmem:s20+$0x0] =	vst.add.f32.msk $0xffff, v5;
	s21 =	spop (v2sf);
	v6 =	vmul.f32 v42, v45  }
0x1c3: {  	(v2sf) =	vpush v11, $0xE;
	v5 =	vld [tilespmem:s21+$0x0];
	s22 =	rddreg [dreg:$0x1f]  }
0x1c4: {  	v51 =	vmul.f32 v46, v49;
	[tilespmem:s22+$0x0] =	vst.add.f32.msk $0xffff, v6  }
0x1c5: {  	v47 =	vbroadcast v3, $0xD;
	s0 =	sld [smem:$0x7FC]  }
0x1c6: {  	s23 =	sld [smem:$0x7FD];
	[tilespmem:s7+$0x0] =	vst.add.f32.msk $0xffff, v51  }
0x1c7: {  	v52 =	vbroadcast v12, $0xD;
	(v2sf) =	vpush v13, $0xF;
	v48 =	vmul.f32 v44, v47;
	v55 =	vld [tilespmem:s1+$0x0]  }
0x1c8: {  	v50 =	vld [tilespmem:s0+$0x0]  }
0x1c9: {  	v5 =	vmul.f32 v5, v52;
	[tilespmem:s23+$0x0] =	vst.add.f32.msk $0xffff, v48  }
0x1ca: {  	s24 =	spop (v2sf);
	v53 =	vld [tilespmem:s15+$0x0]  }
0x1cb: {  	s25 =	spop (v2sf);
	[tilespmem:s24+$0x0] =	vst.add.f32.msk $0xffff, v5  }
0x1cc: {  	v54 =	vbroadcast v2, $0xE;
	v5 =	vld [tilespmem:s25+$0x0]  }
0x1cd: {  	v56 =	vbroadcast v3, $0xE  }
0x1ce: {  	v58 =	vbroadcast v4, $0xE;
	(v2sf) =	vpush v11, $0xF;
	v6 =	vmul.f32 v50, v54  }
0x1cf: {  	v61 =	vbroadcast v12, $0xE;
	s26 =	rddreg [dreg:$0x18];
	v57 =	vmul.f32 v53, v56  }
0x1d0: {  	v60 =	vmul.f32 v55, v58;
	[tilespmem:s26+$0x0] =	vst.add.f32.msk $0xffff, v6  }
0x1d1: {  	v5 =	vmul.f32 v5, v61;
	s0 =	rddreg [dreg:$0x19];
	[tilespmem:s13+$0x0] =	vst.add.f32.msk $0xffff, v57  }
0x1d2: {  	s28 =	spop (v2sf);
	[tilespmem:s3+$0x0] =	vst.add.f32.msk $0xffff, v60  }
0x1d3: {  	[tilespmem:s28+$0x0] =	vst.add.f32.msk $0xffff, v5  }
0x1d4: {  	v59 =	vld [tilespmem:s0+$0x0]  }
0x1d5: {  	v1 =	vbroadcast v1, $0xF;
	v62 =	vld [tilespmem:s10+$0x0]  }
0x1d6: {  	s29 =	spop (v2sf);
	v6 =	vld [tilespmem:s5+$0x0]  }
0x1d7: {  	v1 =	vmul.f32 v10, v1;
	v2 =	vbroadcast v2, $0xF;
	v5 =	vld [tilespmem:s29+$0x0]  }
0x1d8: {  	v3 =	vbroadcast v3, $0xF;
	s30 =	rddreg [dreg:$0x13]  }
0x1d9: {  	v63 =	vbroadcast v4, $0xF;
	[tilespmem:s30+$0x0] =	vst.add.f32.msk $0xffff, v1;
	v2 =	vmul.f32 v59, v2  }
0x1da: {  	s0 =	rddreg [dreg:$0x15];
	v1 =	vmul.f32 v62, v3;
	v3 =	vbroadcast v12, $0xF  }
0x1db: {  	[tilespmem:s0+$0x0] =	vst.add.f32.msk $0xffff, v2;
	v2 =	vmul.f32 v6, v63  }
0x1dc: {  	[tilespmem:s6+$0x0] =	vst.add.f32.msk $0xffff, v1;
	v1 =	vmul.f32 v5, v3  }
0x1dd: {  	s31 =	spop (v2sf);
	[tilespmem:s12+$0x0] =	vst.add.f32.msk $0xffff, v2  }
0x1de: {  	[tilespmem:s31+$0x0] =	vst.add.f32.msk $0xffff, v1  }
0x1df: {  	s2 =	rddreg [dreg:$0x11]  }
0x1e0: {  	p0 =	seq.s32 s2, $0x8  }
.Ltmp6:
0x1e1: {  	_ = 	snop;
	(pc) =	sbr.rel @!p0 .LBB2_12-.Ltmp6, $1  }
0x1e2: {  	_ =	sdelay $0x3  }
0x1e3: {  	s2 =	simm.s32 $0x0;
	s0 =	rddreg [dreg:$0x9];
	s1 =	simm.s32 $0x18800  }
0x1e4: {  	[tilespmem:s1], [sflag:$0x1] =	stream.linear.gather [hbm4b:s0+s2], $0x1000, $0x38;
	[tilespmem:$0x1F800] =	vst v63  }
0x1e5: {  	s28 =	rddreg [dreg:$0xb];
	s29 =	simm.s32 $0x1A800  }
0x1e6: {  	[tilespmem:s29], [sflag:$0x1] =	stream.linear.gather [hbm4b:s28+s2], $0x1000, $0x38;
	[tilespmem:$0x1F800] =	vst v63  }
0x1e7: {  	s30 =	rddreg [dreg:$0xa];
	s31 =	simm.s32 $0x1C800  }
0x1e8: {  	[tilespmem:s31], [sflag:$0x1] =	stream.linear.gather [hbm4b:s30+s2], $0x1000, $0x38;
	[tilespmem:$0x1F800] =	vst v63  }
.LBB2_19:
0x1e9: {  	s3 =	simm.s32 $0x1  }
0x1ea: {  	_ =	swait.ge [sflag:s3], $0x1000  }
0x1eb: {  	[sflag:s3] =	ssyncset.done $0x0  }
0x1ec: {  	[sflag:s3] =	ssyncadd.s32 $0xFFFFF000  }
0x1ed: {  	_ =	swait.ge [sflag:s3], $0x1000  }
0x1ee: {  	[sflag:s3] =	ssyncset.done $0x0  }
0x1ef: {  	s1 =	sadd.s32 $0x1, s2;
	[sflag:s3] =	ssyncadd.s32 $0xFFFFF000  }
0x1f0: {  	p0 =	seq.s32 s2, $0x7;
	_ =	swait.ge [sflag:s3], $0x1000;
	[dreg:$0x10] =	wrdreg s1  }
0x1f1: {  	s0 =	sshll.u32 @!p0 s2, $0xC;
	s1 =	sshll.u32 @!p0 s1, $0xC;
	s2 =	rddreg [dreg:$0x6]  }
0x1f2: {  	s4 =	simm.s32 @!p0 $0x0;
	s0 =	sand.u32 @!p0 $0x1000, s0;
	s2 =	sadd.s32 @!p0 s2, s1  }
0x1f3: {  	[sflag:s3] =	ssyncset.done $0x0;
	s5 =	rddreg [dreg:$0x3];
	s2 =	sshrl.u32 @!p0 s2, $0x3  }
0x1f4: {  	[sflag:s3] =	ssyncadd.s32 $0xFFFFF000;
	s3 =	sxor.u32 @!p0 $0x19800, s0;
	s2 =	sadd.s32 @!p0 s5, s2  }
0x1f5: {  	[tilespmem:s3], [sflag:$0x1] =	stream.linear.gather @!p0 [hbm4b:s2+s4], $0x1000, $0x38;
	[tilespmem:$0x1F800] =	vst v63  }
0x1f6: {  	s2 =	rddreg [dreg:$0x8]  }
0x1f7: {  	s2 =	sadd.s32 @!p0 s2, s1  }
0x1f8: {  	s2 =	sshrl.u32 @!p0 s2, $0x3  }
0x1f9: {  	s3 =	sxor.u32 @!p0 $0x1B800, s0;
	s2 =	sadd.s32 @!p0 s5, s2  }
0x1fa: {  	[tilespmem:s3], [sflag:$0x1] =	stream.linear.gather @!p0 [hbm4b:s2+s4], $0x1000, $0x38;
	[tilespmem:$0x1F800] =	vst v63  }
0x1fb: {  	s2 =	rddreg [dreg:$0x5]  }
0x1fc: {  	s3 =	rddreg [dreg:$0x4];
	s1 =	sadd.s32 @!p0 s2, s1  }
0x1fd: {  	s2 =	sxor.u32 @!p0 $0x1D800, s0;
	s0 =	simm.s32 @p0 $0x1000;
	s1 =	sshrl.u32 @!p0 s1, $0x3  }
0x1fe: {  	s29 =	sadd.s32 $0x18820, s0;
	s1 =	sadd.s32 @!p0 s3, s1  }
0x1ff: {  	[tilespmem:s2], [sflag:$0x1] =	stream.linear.gather @!p0 [hbm4b:s1+s4], $0x1000, $0x38;
	[tilespmem:$0x1F800] =	vst v63  }
0x200: {  	v1 =	vld [tilespmem:s29+$0x10]  }
0x201: {  	v2 =	vld [tilespmem:s29+$0xFFFFFFF0]  }
0x202: {  	v3 =	vld [tilespmem:s29+$0x0];
	_ =	sdelay $0x3  }
0x203: {  	s1 =	sadd.s32 $0x40, s29;
	v4 =	vld [tilespmem:s29+$0xFFFFFFE0]  }
0x204: {  	v5 =	vld [tilespmem:s1+$0x10]  }
0x205: {  	v1 =	vld.idx.msk [tilespmem:v1+s18+$0x0], $0xffff  }
0x206: {  	v2 =	vld.idx.msk [tilespmem:v2+s18+$0x0], $0xffff  }
0x207: {  	v3 =	vld.idx.msk [tilespmem:v3+s18+$0x0], $0xffff  }
0x208: {  	v6 =	vld [tilespmem:s1+$0xFFFFFFF0]  }
0x209: {  	v7 =	vld [tilespmem:s1+$0x0]  }
0x20a: {  	v8 =	vld [tilespmem:s1+$0xFFFFFFE0];
	(erf) = vrcp.f32 v1  }
0x20b: {  	(erf) = vrcp.f32 v2  }
0x20c: {  	s30 =	sadd.s32 $0x1C820, s0;
	v4 =	vld.idx.msk [tilespmem:v4+s18+$0x0], $0xffff;
	(erf) = vrcp.f32 v3  }
0x20d: {  	v9 =	vld [tilespmem:s30+$0x10]  }
0x20e: {  	s31 =	sadd.s32 $0x40, s1;
	v1 =	vld.idx.msk [tilespmem:v5+s18+$0x0], $0xffff  }
0x20f: {  	v5 =	vld [tilespmem:s31+$0x10]  }
0x210: {  	v2 =	vld.idx.msk [tilespmem:v6+s18+$0x0], $0xffff  }
0x211: {  	v3 =	vld.idx.msk [tilespmem:v7+s18+$0x0], $0xffff;
	(erf) = vrcp.f32 v4  }
0x212: {  	v4 =	vld.idx.msk [tilespmem:v8+s18+$0x0], $0xffff  }
0x213: {  	v8 =	vld [tilespmem:s31+$0xFFFFFFE0];
	v11 =	vpop (erf)  }
0x214: {  	v6 =	vld [tilespmem:s31+$0xFFFFFFF0];
	(erf) = vrcp.f32 v1;
	v13 =	vpop (erf)  }
0x215: {  	v7 =	vld [tilespmem:s31+$0x0];
	v15 =	vpop (erf);
	(erf) = vrcp.f32 v2  }
0x216: {  	v10 =	vld [tilespmem:s30+$0xFFFFFFE0];
	(erf) = vrcp.f32 v3  }
0x217: {  	v12 =	vld [tilespmem:s30+$0xFFFFFFF0];
	(erf) = vrcp.f32 v4  }
0x218: {  	v14 =	vld [tilespmem:s30+$0x0];
	s1 =	sadd.s32 $0x40, s30  }
0x219: {  	v1 =	vld [tilespmem:s1+$0x10]  }
0x21a: {  	v9 =	vmul.f32 v11, v9;
	v2 =	vld.idx.msk [tilespmem:v5+s18+$0x0], $0xffff;
	v11 =	vpop (erf)  }
0x21b: {  	s2 =	simm.s32 $0x1E820;
	v5 =	vld.idx.msk [tilespmem:v8+s18+$0x0], $0xffff;
	v10 =	vmul.f32 v11, v10  }
0x21c: {  	v3 =	vld.idx.msk [tilespmem:v6+s18+$0x0], $0xffff;
	[tilespmem:s2+$0x10] =	vst v9;
	v6 =	vmul.f32 v13, v12  }
0x21d: {  	s0 =	sshll.u32 s0, $0x2;
	s3 =	simm.s32 $0x8;
	s4 =	sadd.s32 $0x40, s31;
	v4 =	vld.idx.msk [tilespmem:v7+s18+$0x0], $0xffff;
	v7 =	vmul.f32 v15, v14;
	v8 =	vpop (erf);
	[tilespmem:s2+$0xFFFFFFE0] =	vst v10  }
.LBB2_20:
0x21e: {  	v9 =	vld [tilespmem:s4+$0x10];
	s3 =	sadd.s32 $0x4, s3;
	v1 =	vmul.f32 v8, v1;
	v8 =	vpop (erf);
	[tilespmem:s2+$0xFFFFFFF0] =	vst v6  }
0x21f: {  	v6 =	vld [tilespmem:s4+$0xFFFFFFF0];
	p0 =	slt.u32 s3, $0xFC;
	v10 =	vpop (erf);
	[tilespmem:s2+$0x0] =	vst v7;
	s2 =	sadd.s32 $0x40, s2  }
0x220: {  	v7 =	vld [tilespmem:s4+$0x0];
	(erf) = vrcp.f32 v2;
	[tilespmem:s2+$0x10] =	vst v1;
	v11 =	vpop (erf)  }
0x221: {  	v12 =	vld [tilespmem:s4+$0xFFFFFFE0];
	(erf) = vrcp.f32 v3  }
0x222: {  	(erf) = vrcp.f32 v4;
	v4 =	vld [tilespmem:s1+$0xFFFFFFE0]  }
0x223: {  	(erf) = vrcp.f32 v5;
	v5 =	vld [tilespmem:s1+$0xFFFFFFF0]  }
0x224: {  	v13 =	vld [tilespmem:s1+$0x0];
	s1 =	sadd.s32 $0x40, s1  }
.Ltmp7:
0x225: {  	v1 =	vld [tilespmem:s1+$0x10];
	(pc) =	sbr.rel @p0 .LBB2_20-.Ltmp7, $4  }
0x226: {  	v2 =	vld.idx.msk [tilespmem:v9+s18+$0x0], $0xffff  }
0x227: {  	v3 =	vld.idx.msk [tilespmem:v6+s18+$0x0], $0xffff;
	v9 =	vmul.f32 v11, v4  }
0x228: {  	v4 =	vld.idx.msk [tilespmem:v7+s18+$0x0], $0xffff;
	v6 =	vmul.f32 v8, v5  }
0x229: {  	s4 =	sadd.s32 $0x40, s4;
	v5 =	vld.idx.msk [tilespmem:v12+s18+$0x0], $0xffff;
	v8 =	vpop (erf);
	[tilespmem:s2+$0xFFFFFFE0] =	vst v9;
	v7 =	vmul.f32 v10, v13  }
0x22a: {  	_ = 	snop  }
0x22b: {  	(erf) = vrcp.f32 v2  }
0x22c: {  	(erf) = vrcp.f32 v3  }
0x22d: {  	(erf) = vrcp.f32 v4  }
0x22e: {  	v3 =	vld [tilespmem:s1+$0xFFFFFFF0];
	(erf) = vrcp.f32 v5  }
0x22f: {  	v2 =	vld [tilespmem:s1+$0xFFFFFFE0];
	_ =	sdelay $0x1  }
0x230: {  	s15 =	sadd.s32 $0x40, s1;
	v1 =	vmul.f32 v8, v1;
	v4 =	vpop (erf);
	v5 =	vld [tilespmem:s1+$0x0]  }
0x231: {  	[tilespmem:s2+$0xFFFFFFF0] =	vst v6;
	s16 =	sadd.s32 $0x40, s2;
	v10 =	vld [tilespmem:s15+$0x10];
	v9 =	vpop (erf)  }
0x232: {  	v6 =	vld [tilespmem:s15+$0xFFFFFFE0];
	[tilespmem:s16+$0x10] =	vst v1;
	v11 =	vpop (erf);
	v1 =	vmul.f32 v4, v3  }
0x233: {  	[tilespmem:s2+$0x0] =	vst v7;
	v8 =	vld [tilespmem:s15+$0xFFFFFFF0];
	v2 =	vmul.f32 v11, v2;
	v7 =	vpop (erf)  }
0x234: {  	v4 =	vld [tilespmem:s15+$0x0];
	v3 =	vpop (erf)  }
0x235: {  	s0 =	sshrl.u32 s0, $0x2;
	[tilespmem:s16+$0xFFFFFFE0] =	vst v2;
	v2 =	vmul.f32 v9, v5;
	v5 =	vpop (erf)  }
0x236: {  	s17 =	sadd.s32 $0x18800, s0;
	[tilespmem:s16+$0xFFFFFFF0] =	vst v1;
	v7 =	vmul.f32 v7, v10;
	v1 =	vpop (erf)  }
0x237: {  	s2 =	sadd.s32 $0x40, s16;
	v11 =	vmov s17;
	[tilespmem:s16+$0x0] =	vst v2;
	v1 =	vmul.f32 v1, v6  }
0x238: {  	v2 =	vmul.f32 v3, v8;
	[tilespmem:s2+$0x10] =	vst v7  }
0x239: {  	[tilespmem:s2+$0xFFFFFFE0] =	vst v1;
	v1 =	vmul.f32 v5, v4  }
0x23a: {  	[tilespmem:s2+$0xFFFFFFF0] =	vst v2  }
0x23b: {  	s19 =	simm.s32 $0x0;
	[tilespmem:s2+$0x0] =	vst v1  }
0x23c: {  	v1 =	vld.idx.msk [tilespmem:v11+s19+$0x0 ss:$0x1], $0xffff  }
0x23d: {  	s0 =	sadd.s32 $0x1A800, s0  }
0x23e: {  	v12 =	vmov s0;
	_ =	sdelay $0x2  }
0x23f: {  	v1 =	vshll.u32 v1, $0x6  }
0x240: {  	v1 =	vshra.s32 v1, $0x2  }
0x241: {  	v2 =	vld.idx.msk [tilespmem:v12+s19+$0x0 ss:$0x1], $0xffff;
	v14 =	vadd.s32 $0x8000, v1  }
0x242: {  	(v2sf) =	vpush v14, $0x0;
	_ =	sdelay $0x3  }
0x243: {  	v1 =	vshll.u32 v2, $0x6  }
0x244: {  	v1 =	vshra.s32 v1, $0x2  }
0x245: {  	v13 =	vadd.s32 $0x10000, v1  }
0x246: {  	(v2sf) =	vpush v13, $0x0  }
0x247: {  	(v2sf) =	vpush v14, $0x1;
	_ =	sdelay $0x5  }
0x248: {  	v1 =	vld [tilespmem:s19+$0x1E800]  }
0x249: {  	(v2sf) =	vpush v13, $0x1;
	s20 =	spop (v2sf)  }
0x24a: {  	(v2sf) =	vpush v14, $0x2;
	v2 =	vld [tilespmem:s20+$0x0];
	_ =	sdelay $0x2  }
0x24b: {  	v3 =	vbroadcast v1, $0x0;
	_ =	sdelay $0x1  }
0x24c: {  	s21 =	simm.s32 $0x10;
	v2 =	vmul.f32 v3, v2  }
0x24d: {  	s22 =	spop (v2sf);
	v3 =	vld.idx.msk [tilespmem:v11+s21+$0x0 ss:$0x1], $0xffff  }
0x24e: {  	(v2sf) =	vpush v13, $0x2;
	s23 =	spop (v2sf);
	[tilespmem:s22+$0x0] =	vst.add.f32.msk $0xffff, v2  }
0x24f: {  	(v2sf) =	vpush v14, $0x3;
	v2 =	vld [tilespmem:s23+$0x0];
	_ =	sdelay $0x2  }
0x250: {  	v4 =	vbroadcast v1, $0x1;
	v3 =	vshll.u32 v3, $0x6  }
0x251: {  	v3 =	vshra.s32 v3, $0x2  }
0x252: {  	v5 =	vld.idx.msk [tilespmem:v12+s21+$0x0 ss:$0x1], $0xffff;
	v10 =	vadd.s32 $0x8000, v3;
	v2 =	vmul.f32 v2, v4  }
0x253: {  	s24 =	spop (v2sf);
	(v2sf) =	vpush v10, $0x0  }
0x254: {  	s25 =	spop (v2sf);
	(v2sf) =	vpush v13, $0x3;
	[tilespmem:s24+$0x0] =	vst.add.f32.msk $0xffff, v2  }
0x255: {  	(v2sf) =	vpush v14, $0x4;
	v2 =	vld [tilespmem:s25+$0x0];
	_ =	sdelay $0x1  }
0x256: {  	v3 =	vshll.u32 v5, $0x6  }
0x257: {  	v3 =	vshra.s32 v3, $0x2;
	v4 =	vbroadcast v1, $0x2  }
0x258: {  	v9 =	vadd.s32 $0x10000, v3  }
0x259: {  	(v2sf) =	vpush v9, $0x0;
	v2 =	vmul.f32 v2, v4  }
0x25a: {  	s26 =	spop (v2sf);
	(v2sf) =	vpush v10, $0x1  }
0x25b: {  	s28 =	spop (v2sf);
	(v2sf) =	vpush v13, $0x4;
	[tilespmem:s26+$0x0] =	vst.add.f32.msk $0xffff, v2  }
0x25c: {  	(v2sf) =	vpush v14, $0x5;
	v2 =	vld [tilespmem:s28+$0x0];
	_ =	sdelay $0x2  }
0x25d: {  	v3 =	vbroadcast v1, $0x3;
	_ =	sdelay $0x1  }
0x25e: {  	s29 =	spop (v2sf);
	v2 =	vmul.f32 v2, v3  }
0x25f: {  	(v2sf) =	vpush v9, $0x1;
	s30 =	spop (v2sf)  }
0x260: {  	(v2sf) =	vpush v13, $0x5;
	s31 =	spop (v2sf);
	[tilespmem:s30+$0x0] =	vst.add.f32.msk $0xffff, v2  }
0x261: {  	(v2sf) =	vpush v14, $0x6;
	v3 =	vld [tilespmem:s31+$0x0]  }
0x262: {  	v2 =	vld [tilespmem:s21+$0x1E800];
	_ =	sdelay $0x1  }
0x263: {  	v5 =	vbroadcast v1, $0x4;
	v4 =	vld [tilespmem:s29+$0x0];
	(v2sf) =	vpush v10, $0x2  }
0x264: {  	s2 =	spop (v2sf)  }
0x265: {  	s4 =	simm.s32 $0x20;
	s5 =	spop (v2sf);
	v3 =	vmul.f32 v3, v5  }
0x266: {  	s3 =	spop (v2sf);
	v6 =	vbroadcast v2, $0x0;
	v5 =	vld.idx.msk [tilespmem:v11+s4+$0x0 ss:$0x1], $0xffff  }
0x267: {  	(v2sf) =	vpush v13, $0x6;
	s6 =	spop (v2sf);
	[tilespmem:s3+$0x0] =	vst.add.f32.msk $0xffff, v3  }
0x268: {  	(v2sf) =	vpush v14, $0x7;
	v3 =	vmul.f32 v6, v4;
	v4 =	vld [tilespmem:s6+$0x0];
	_ =	sdelay $0x1  }
0x269: {  	(v2sf) =	vpush v9, $0x2;
	[tilespmem:s2+$0x0] =	vst.add.f32.msk $0xffff, v3  }
0x26a: {  	v7 =	vbroadcast v1, $0x5;
	(v2sf) =	vpush v10, $0x3;
	v3 =	vld [tilespmem:s5+$0x0];
	v5 =	vshll.u32 v5, $0x6  }
0x26b: {  	v5 =	vshra.s32 v5, $0x2  }
0x26c: {  	s7 =	spop (v2sf);
	v6 =	vadd.s32 $0x8000, v5;
	v4 =	vmul.f32 v4, v7  }
0x26d: {  	s8 =	spop (v2sf);
	v5 =	vbroadcast v2, $0x1;
	v7 =	vld.idx.msk [tilespmem:v12+s4+$0x0 ss:$0x1], $0xffff;
	(v2sf) =	vpush v6, $0x0  }
0x26e: {  	s9 =	spop (v2sf);
	(v2sf) =	vpush v13, $0x7;
	[tilespmem:s8+$0x0] =	vst.add.f32.msk $0xffff, v4  }
0x26f: {  	v3 =	vmul.f32 v3, v5;
	(v2sf) =	vpush v14, $0x8;
	v4 =	vld [tilespmem:s9+$0x0];
	_ =	sdelay $0x1  }
0x270: {  	s10 =	spop (v2sf);
	(v2sf) =	vpush v9, $0x3;
	[tilespmem:s7+$0x0] =	vst.add.f32.msk $0xffff, v3  }
0x271: {  	v8 =	vbroadcast v1, $0x6;
	(v2sf) =	vpush v10, $0x4;
	v3 =	vshll.u32 v7, $0x6;
	v7 =	vld [tilespmem:s10+$0x0]  }
0x272: {  	v3 =	vshra.s32 v3, $0x2  }
0x273: {  	v5 =	vadd.s32 $0x10000, v3;
	v3 =	vmul.f32 v4, v8  }
0x274: {  	s11 =	spop (v2sf);
	(v2sf) =	vpush v5, $0x0;
	v4 =	vbroadcast v2, $0x2  }
0x275: {  	s12 =	spop (v2sf);
	(v2sf) =	vpush v13, $0x8;
	[tilespmem:s11+$0x0] =	vst.add.f32.msk $0xffff, v3  }
0x276: {  	v3 =	vmul.f32 v7, v4;
	(v2sf) =	vpush v14, $0x9;
	v4 =	vld [tilespmem:s12+$0x0]  }
0x277: {  	s13 =	spop (v2sf);
	(v2sf) =	vpush v6, $0x1  }
0x278: {  	s14 =	spop (v2sf);
	[tilespmem:s13+$0x0] =	vst.add.f32.msk $0xffff, v3;
	(v2sf) =	vpush v9, $0x4  }
0x279: {  	v7 =	vbroadcast v1, $0x7;
	v3 =	vld [tilespmem:s14+$0x0];
	(v2sf) =	vpush v10, $0x5;
	_ =	sdelay $0x1  }
0x27a: {  	s15 =	spop (v2sf);
	v4 =	vmul.f32 v4, v7  }
0x27b: {  	v7 =	vbroadcast v2, $0x3;
	s16 =	spop (v2sf)  }
0x27c: {  	(v2sf) =	vpush v13, $0x9;
	s17 =	spop (v2sf);
	[tilespmem:s16+$0x0] =	vst.add.f32.msk $0xffff, v4  }
0x27d: {  	(v2sf) =	vpush v14, $0xA;
	v3 =	vmul.f32 v3, v7;
	v4 =	vld [tilespmem:s17+$0x0]  }
0x27e: {  	(v2sf) =	vpush v5, $0x1;
	s19 =	spop (v2sf)  }
0x27f: {  	(v2sf) =	vpush v9, $0x5;
	s20 =	spop (v2sf);
	[tilespmem:s19+$0x0] =	vst.add.f32.msk $0xffff, v3  }
0x280: {  	v8 =	vbroadcast v1, $0x8;
	(v2sf) =	vpush v10, $0x6;
	v7 =	vld [tilespmem:s20+$0x0]  }
0x281: {  	v3 =	vld [tilespmem:s4+$0x1E800]  }
0x282: {  	s21 =	spop (v2sf);
	v4 =	vmul.f32 v4, v8  }
0x283: {  	v15 =	vbroadcast v2, $0x4;
	(v2sf) =	vpush v6, $0x2;
	v8 =	vld [tilespmem:s15+$0x0];
	s22 =	spop (v2sf)  }
0x284: {  	(v2sf) =	vpush v13, $0xA;
	s23 =	spop (v2sf);
	[tilespmem:s22+$0x0] =	vst.add.f32.msk $0xffff, v4  }
0x285: {  	s24 =	simm.s32 $0x30;
	(v2sf) =	vpush v14, $0xB;
	s25 =	spop (v2sf);
	v4 =	vmul.f32 v7, v15;
	v7 =	vld [tilespmem:s23+$0x0]  }
0x286: {  	v16 =	vbroadcast v3, $0x0;
	v15 =	vld.idx.msk [tilespmem:v11+s24+$0x0 ss:$0x1], $0xffff;
	s26 =	spop (v2sf)  }
0x287: {  	(v2sf) =	vpush v9, $0x6;
	[tilespmem:s26+$0x0] =	vst.add.f32.msk $0xffff, v4;
	s28 =	spop (v2sf)  }
0x288: {  	(v2sf) =	vpush v10, $0x7;
	v4 =	vld [tilespmem:s28+$0x0];
	v8 =	vmul.f32 v16, v8;
	v16 =	vbroadcast v1, $0x9;
	_ =	sdelay $0x1  }
0x289: {  	(v2sf) =	vpush v5, $0x2;
	[tilespmem:s21+$0x0] =	vst.add.f32.msk $0xffff, v8;
	v7 =	vmul.f32 v7, v16  }
0x28a: {  	s29 =	spop (v2sf);
	(v2sf) =	vpush v6, $0x3;
	v15 =	vshll.u32 v15, $0x6;
	v8 =	vld [tilespmem:s25+$0x0];
	v16 =	vbroadcast v2, $0x5  }
0x28b: {  	s30 =	spop (v2sf);
	(v2sf) =	vpush v13, $0xB;
	v15 =	vshra.s32 v15, $0x2;
	[tilespmem:s29+$0x0] =	vst.add.f32.msk $0xffff, v7  }
0x28c: {  	s31 =	spop (v2sf);
	(v2sf) =	vpush v14, $0xC;
	v7 =	vadd.s32 $0x8000, v15;
	v4 =	vmul.f32 v4, v16;
	v15 =	vld [tilespmem:s30+$0x0]  }
0x28d: {  	v17 =	vld.idx.msk [tilespmem:v12+s24+$0x0 ss:$0x1], $0xffff;
	s3 =	spop (v2sf);
	v16 =	vbroadcast v3, $0x1;
	(v2sf) =	vpush v7, $0x0  }
0x28e: {  	s4 =	spop (v2sf);
	[tilespmem:s3+$0x0] =	vst.add.f32.msk $0xffff, v4;
	(v2sf) =	vpush v9, $0x7  }
0x28f: {  	v4 =	vmul.f32 v8, v16;
	v16 =	vld [tilespmem:s4+$0x0];
	(v2sf) =	vpush v10, $0x8;
	v8 =	vbroadcast v1, $0xA;
	_ =	sdelay $0x1  }
0x290: {  	s5 =	spop (v2sf);
	(v2sf) =	vpush v5, $0x3;
	[tilespmem:s31+$0x0] =	vst.add.f32.msk $0xffff, v4;
	v4 =	vmul.f32 v15, v8  }
0x291: {  	(v2sf) =	vpush v6, $0x4;
	s6 =	spop (v2sf);
	v8 =	vshll.u32 v17, $0x6;
	v15 =	vld [tilespmem:s5+$0x0];
	v17 =	vbroadcast v2, $0x6  }
0x292: {  	s7 =	spop (v2sf);
	(v2sf) =	vpush v13, $0xC;
	v8 =	vshra.s32 v8, $0x2;
	[tilespmem:s6+$0x0] =	vst.add.f32.msk $0xffff, v4  }
0x293: {  	(v2sf) =	vpush v14, $0xD;
	v8 =	vadd.s32 $0x10000, v8;
	v4 =	vmul.f32 v16, v17;
	v16 =	vld [tilespmem:s7+$0x0]  }
0x294: {  	s8 =	spop (v2sf);
	v17 =	vbroadcast v3, $0x2;
	(v2sf) =	vpush v8, $0x0  }
0x295: {  	s9 =	spop (v2sf);
	[tilespmem:s8+$0x0] =	vst.add.f32.msk $0xffff, v4;
	(v2sf) =	vpush v9, $0x8  }
0x296: {  	v18 =	vbroadcast v1, $0xB;
	v15 =	vmul.f32 v15, v17;
	v17 =	vld [tilespmem:s9+$0x0];
	(v2sf) =	vpush v10, $0x9  }
0x297: {  	v4 =	vld [tilespmem:s24+$0x1E800];
	s10 =	spop (v2sf);
	(v2sf) =	vpush v7, $0x1  }
0x298: {  	s11 =	spop (v2sf);
	[tilespmem:s10+$0x0] =	vst.add.f32.msk $0xffff, v15;
	(v2sf) =	vpush v5, $0x4;
	v15 =	vmul.f32 v16, v18  }
0x299: {  	s12 =	spop (v2sf);
	v16 =	vld [tilespmem:s11+$0x0];
	(v2sf) =	vpush v6, $0x5;
	v18 =	vbroadcast v2, $0x7  }
0x29a: {  	s13 =	spop (v2sf);
	(v2sf) =	vpush v13, $0xD;
	[tilespmem:s12+$0x0] =	vst.add.f32.msk $0xffff, v15  }
0x29b: {  	s14 =	spop (v2sf);
	v15 =	vmul.f32 v17, v18;
	(v2sf) =	vpush v14, $0xE;
	v17 =	vld [tilespmem:s13+$0x0]  }
0x29c: {  	v19 =	vbroadcast v3, $0x3;
	v18 =	vld [tilespmem:s14+$0x0];
	s15 =	spop (v2sf)  }
0x29d: {  	(v2sf) =	vpush v9, $0x9;
	[tilespmem:s15+$0x0] =	vst.add.f32.msk $0xffff, v15;
	s16 =	spop (v2sf)  }
0x29e: {  	s0 =	simm.s32 $0x40;
	(v2sf) =	vpush v10, $0xA;
	v15 =	vmul.f32 v16, v19;
	v16 =	vld [tilespmem:s16+$0x0];
	v19 =	vbroadcast v1, $0xC  }
0x29f: {  	v20 =	vld.idx.msk [tilespmem:v11+s0+$0x0 ss:$0x1], $0xffff;
	s17 =	spop (v2sf);
	(v2sf) =	vpush v8, $0x1  }
0x2a0: {  	v21 =	vbroadcast v4, $0x0;
	s19 =	spop (v2sf);
	(v2sf) =	vpush v5, $0x5;
	[tilespmem:s17+$0x0] =	vst.add.f32.msk $0xffff, v15;
	v15 =	vmul.f32 v17, v19  }
0x2a1: {  	s20 =	spop (v2sf);
	(v2sf) =	vpush v6, $0x6;
	v17 =	vld [tilespmem:s19+$0x0];
	v19 =	vbroadcast v2, $0x8  }
0x2a2: {  	v18 =	vmul.f32 v21, v18;
	s21 =	spop (v2sf);
	(v2sf) =	vpush v13, $0xE;
	[tilespmem:s20+$0x0] =	vst.add.f32.msk $0xffff, v15  }
0x2a3: {  	(v2sf) =	vpush v14, $0xF;
	s22 =	spop (v2sf);
	v15 =	vmul.f32 v16, v19;
	v16 =	vld [tilespmem:s21+$0x0]  }
0x2a4: {  	v14 =	vbroadcast v3, $0x4;
	(v2sf) =	vpush v7, $0x2;
	[tilespmem:s22+$0x0] =	vst.add.f32.msk $0xffff, v18;
	s23 =	spop (v2sf)  }
0x2a5: {  	[tilespmem:s23+$0x0] =	vst.add.f32.msk $0xffff, v15;
	s24 =	spop (v2sf);
	(v2sf) =	vpush v9, $0xA  }
0x2a6: {  	s25 =	spop (v2sf);
	v14 =	vmul.f32 v17, v14;
	v15 =	vld [tilespmem:s24+$0x0];
	v17 =	vbroadcast v1, $0xD;
	(v2sf) =	vpush v10, $0xB  }
0x2a7: {  	v18 =	vld [tilespmem:s25+$0x0];
	s26 =	spop (v2sf)  }
0x2a8: {  	(v2sf) =	vpush v5, $0x6;
	[tilespmem:s26+$0x0] =	vst.add.f32.msk $0xffff, v14;
	s28 =	spop (v2sf);
	v14 =	vmul.f32 v16, v17  }
0x2a9: {  	(v2sf) =	vpush v6, $0x7;
	v16 =	vld [tilespmem:s28+$0x0];
	v17 =	vbroadcast v2, $0x9;
	s29 =	spop (v2sf)  }
0x2aa: {  	v63 =	vbroadcast v4, $0x1;
	(v2sf) =	vpush v13, $0xF;
	s30 =	spop (v2sf);
	[tilespmem:s29+$0x0] =	vst.add.f32.msk $0xffff, v14  }
0x2ab: {  	v19 =	vshll.u32 v20, $0x6;
	(v2sf) =	vpush v8, $0x2;
	v22 =	vmul.f32 v15, v17;
	v15 =	vld [tilespmem:s30+$0x0]  }
0x2ac: {  	v19 =	vshra.s32 v19, $0x2;
	v13 =	vld.idx.msk [tilespmem:v12+s0+$0x0 ss:$0x1], $0xffff;
	(v2sf) =	vpush v7, $0x3;
	v17 =	vbroadcast v3, $0x5;
	s31 =	spop (v2sf)  }
0x2ad: {  	s1 =	simm.s32 $0x140;
	v14 =	vbroadcast v1, $0xE;
	v18 =	vmul.f32 v18, v63;
	s12 =	spop (v2sf);
	(v2sf) =	vpush v9, $0xB;
	[tilespmem:s31+$0x0] =	vst.add.f32.msk $0xffff, v22  }
.LBB2_22:
0x2ae: {  	p0 =	seq.s32 s1, $0x3FC0;
	v19 =	vadd.s32 $0x8000, v19;
	s2 =	spop (v2sf);
	v16 =	vmul.f32 v16, v17;
	v17 =	vld [tilespmem:s12+$0x0];
	(v2sf) =	vpush v10, $0xC  }
0x2af: {  	(v2sf) =	vpush v19, $0x0;
	[tilespmem:s2+$0x0] =	vst.add.f32.msk $0xffff, v18;
	s2 =	spop (v2sf)  }
0x2b0: {  	[tilespmem:s2+$0x0] =	vst.add.f32.msk $0xffff, v16;
	s2 =	spop (v2sf);
	(v2sf) =	vpush v5, $0x7;
	v14 =	vmul.f32 v15, v14  }
0x2b1: {  	v16 =	vbroadcast v2, $0xA;
	v15 =	vld [tilespmem:s2+$0x0];
	(v2sf) =	vpush v6, $0x8;
	s2 =	spop (v2sf)  }
0x2b2: {  	[tilespmem:s2+$0x0] =	vst.add.f32.msk $0xffff, v14;
	s2 =	spop (v2sf)  }
0x2b3: {  	s3 =	spop (v2sf);
	(v2sf) =	vpush v8, $0x3;
	v14 =	vmul.f32 v17, v16;
	v16 =	vld [tilespmem:s2+$0x0]  }
0x2b4: {  	v18 =	vbroadcast v3, $0x6;
	v13 =	vshll.u32 v13, $0x6;
	v17 =	vld [tilespmem:s3+$0x0];
	(v2sf) =	vpush v7, $0x4;
	s2 =	spop (v2sf)  }
0x2b5: {  	v13 =	vshra.s32 v13, $0x2;
	[tilespmem:s2+$0x0] =	vst.add.f32.msk $0xffff, v14;
	s2 =	spop (v2sf);
	(v2sf) =	vpush v9, $0xC;
	v14 =	vbroadcast v1, $0xF;
	v1 =	vmovc v2;
	v2 =	vmovc v3  }
0x2b6: {  	v13 =	vadd.s32 $0x10000, v13;
	v3 =	vmovc v4;
	v15 =	vmul.f32 v15, v18;
	v18 =	vld [tilespmem:s2+$0x0];
	(v2sf) =	vpush v10, $0xD  }
0x2b7: {  	v20 =	vbroadcast v3, $0x2;
	v4 =	vld [tilespmem:s0+$0x1E800];
	(v2sf) =	vpush v13, $0x0;
	s0 =	spop (v2sf)  }
0x2b8: {  	[tilespmem:s0+$0x0] =	vst.add.f32.msk $0xffff, v15;
	s0 =	spop (v2sf);
	(v2sf) =	vpush v5, $0x8;
	v14 =	vmul.f32 v16, v14  }
0x2b9: {  	v15 =	vmul.f32 v17, v20;
	v16 =	vld [tilespmem:s0+$0x0];
	(v2sf) =	vpush v6, $0x9;
	v17 =	vbroadcast v1, $0xB;
	s0 =	spop (v2sf)  }
0x2ba: {  	(v2sf) =	vpush v19, $0x1;
	s2 =	spop (v2sf);
	[tilespmem:s0+$0x0] =	vst.add.f32.msk $0xffff, v14  }
0x2bb: {  	[tilespmem:s2+$0x0] =	vst.add.f32.msk $0xffff, v15;
	s0 =	spop (v2sf);
	(v2sf) =	vpush v8, $0x4;
	v14 =	vmul.f32 v18, v17  }
0x2bc: {  	v17 =	vbroadcast v2, $0x7;
	v15 =	vld [tilespmem:s0+$0x0];
	(v2sf) =	vpush v7, $0x5;
	s0 =	spop (v2sf)  }
0x2bd: {  	[tilespmem:s0+$0x0] =	vst.add.f32.msk $0xffff, v14;
	s0 =	spop (v2sf);
	(v2sf) =	vpush v9, $0xD  }
0x2be: {  	s2 =	spop (v2sf);
	v14 =	vmul.f32 v16, v17;
	v16 =	vld [tilespmem:s0+$0x0];
	(v2sf) =	vpush v10, $0xE  }
0x2bf: {  	v18 =	vbroadcast v3, $0x3;
	v17 =	vld [tilespmem:s2+$0x0];
	s0 =	spop (v2sf)  }
0x2c0: {  	[tilespmem:s0+$0x0] =	vst.add.f32.msk $0xffff, v14;
	s2 =	spop (v2sf);
	(v2sf) =	vpush v5, $0x9  }
0x2c1: {  	s0 =	sshra.s32 s1, $0x2;
	v14 =	vmul.f32 v15, v18;
	v15 =	vld [tilespmem:s2+$0x0];
	(v2sf) =	vpush v6, $0xA;
	v18 =	vbroadcast v1, $0xC  }
0x2c2: {  	v20 =	vld.idx.msk [tilespmem:v11+s0+$0x0 ss:$0x1], $0xffff;
	(v2sf) =	vpush v13, $0x1;
	s2 =	spop (v2sf)  }
0x2c3: {  	v21 =	vbroadcast v4, $0x0;
	[tilespmem:s2+$0x0] =	vst.add.f32.msk $0xffff, v14;
	s2 =	spop (v2sf);
	(v2sf) =	vpush v8, $0x5;
	v14 =	vmul.f32 v16, v18  }
0x2c4: {  	v18 =	vbroadcast v2, $0x8;
	v16 =	vld [tilespmem:s2+$0x0];
	(v2sf) =	vpush v7, $0x6;
	s2 =	spop (v2sf)  }
0x2c5: {  	v17 =	vmul.f32 v21, v17;
	[tilespmem:s2+$0x0] =	vst.add.f32.msk $0xffff, v14;
	s2 =	spop (v2sf);
	(v2sf) =	vpush v9, $0xE  }
0x2c6: {  	s3 =	spop (v2sf);
	v14 =	vmul.f32 v15, v18;
	v15 =	vld [tilespmem:s2+$0x0];
	(v2sf) =	vpush v10, $0xF;
	v10 =	vmovc v6;
	v6 =	vmovc v7;
	v7 =	vmov v19  }
0x2c7: {  	[tilespmem:s3+$0x0] =	vst.add.f32.msk $0xffff, v17;
	(v2sf) =	vpush v7, $0x2;
	v17 =	vbroadcast v3, $0x4;
	s2 =	spop (v2sf)  }
0x2c8: {  	[tilespmem:s2+$0x0] =	vst.add.f32.msk $0xffff, v14;
	s2 =	spop (v2sf);
	(v2sf) =	vpush v5, $0xA  }
0x2c9: {  	s3 =	spop (v2sf);
	v14 =	vmul.f32 v16, v17;
	v17 =	vld [tilespmem:s2+$0x0];
	(v2sf) =	vpush v10, $0xB;
	v16 =	vbroadcast v1, $0xD  }
0x2ca: {  	v18 =	vld [tilespmem:s3+$0x0];
	s2 =	spop (v2sf)  }
0x2cb: {  	[tilespmem:s2+$0x0] =	vst.add.f32.msk $0xffff, v14;
	s2 =	spop (v2sf);
	(v2sf) =	vpush v8, $0x6;
	v14 =	vmul.f32 v15, v16  }
.Ltmp8:
0x2cc: {  	v15 =	vbroadcast v2, $0x9;
	v16 =	vld [tilespmem:s2+$0x0];
	(v2sf) =	vpush v6, $0x7;
	s2 =	spop (v2sf);
	(pc) =	sbr.rel @!p0 .LBB2_22-.Ltmp8, $4  }
0x2cd: {  	[tilespmem:s2+$0x0] =	vst.add.f32.msk $0xffff, v14;
	v14 =	vbroadcast v1, $0xE;
	s2 =	spop (v2sf);
	(v2sf) =	vpush v9, $0xF;
	v9 =	vmovc v5;
	v5 =	vmovc v8;
	v8 =	vmov v13  }
0x2ce: {  	v21 =	vbroadcast v4, $0x1;
	(v2sf) =	vpush v8, $0x2;
	v22 =	vmul.f32 v17, v15;
	v15 =	vld [tilespmem:s2+$0x0]  }
0x2cf: {  	v19 =	vshll.u32 v20, $0x6;
	v17 =	vbroadcast v3, $0x5;
	v13 =	vld.idx.msk [tilespmem:v12+s0+$0x0 ss:$0x1], $0xffff;
	(v2sf) =	vpush v7, $0x3;
	s2 =	spop (v2sf)  }
0x2d0: {  	s1 =	sadd.s32 $0x40, s1;
	v19 =	vshra.s32 v19, $0x2;
	v18 =	vmul.f32 v18, v21;
	[tilespmem:s2+$0x0] =	vst.add.f32.msk $0xffff, v22;
	s12 =	spop (v2sf);
	(v2sf) =	vpush v9, $0xB  }
0x2d1: {  	v12 =	vadd.s32 $0x8000, v19;
	(v2sf) =	vpush v10, $0xC  }
0x2d2: {  	s5 =	spop (v2sf);
	(v2sf) =	vpush v12, $0x0  }
0x2d3: {  	s24 =	spop (v2sf);
	(v2sf) =	vpush v5, $0x7  }
0x2d4: {  	s4 =	spop (v2sf);
	(v2sf) =	vpush v6, $0x8  }
0x2d5: {  	s29 =	spop (v2sf);
	(v2sf) =	vpush v8, $0x3  }
0x2d6: {  	v11 =	vshll.u32 v13, $0x6;
	s30 =	spop (v2sf);
	(v2sf) =	vpush v7, $0x4  }
0x2d7: {  	v11 =	vshra.s32 v11, $0x2;
	s8 =	spop (v2sf);
	(v2sf) =	vpush v9, $0xC  }
0x2d8: {  	v11 =	vadd.s32 $0x10000, v11;
	s1 =	spop (v2sf);
	(v2sf) =	vpush v10, $0xD  }
0x2d9: {  	s15 =	spop (v2sf);
	(v2sf) =	vpush v11, $0x0  }
0x2da: {  	s7 =	spop (v2sf);
	(v2sf) =	vpush v5, $0x8  }
0x2db: {  	s10 =	spop (v2sf);
	(v2sf) =	vpush v6, $0x9  }
0x2dc: {  	s16 =	spop (v2sf);
	(v2sf) =	vpush v12, $0x1  }
0x2dd: {  	s21 =	spop (v2sf);
	(v2sf) =	vpush v8, $0x4  }
0x2de: {  	[dreg:$0x12] =	wrdreg s16;
	s16 =	spop (v2sf);
	(v2sf) =	vpush v7, $0x5  }
0x2df: {  	s17 =	spop (v2sf);
	(v2sf) =	vpush v9, $0xD  }
0x2e0: {  	s19 =	spop (v2sf);
	(v2sf) =	vpush v10, $0xE  }
0x2e1: {  	s3 =	spop (v2sf);
	(v2sf) =	vpush v5, $0x9  }
0x2e2: {  	s25 =	spop (v2sf);
	(v2sf) =	vpush v6, $0xA  }
0x2e3: {  	[smem:$0x7F5] =	sst s1;
	s13 =	spop (v2sf);
	(v2sf) =	vpush v11, $0x1  }
0x2e4: {  	[smem:$0x7F6] =	sst s15;
	s1 =	spop (v2sf);
	(v2sf) =	vpush v8, $0x5  }
0x2e5: {  	[smem:$0x7F7] =	sst s17;
	s2 =	spop (v2sf);
	(v2sf) =	vpush v7, $0x6  }
0x2e6: {  	[smem:$0x7F8] =	sst s19;
	s20 =	spop (v2sf);
	(v2sf) =	vpush v9, $0xE  }
0x2e7: {  	v13 =	vld [tilespmem:s0+$0x1E800];
	[dreg:$0x1d] =	wrdreg s20;
	s22 =	spop (v2sf)  }
0x2e8: {  	(v2sf) =	vpush v10, $0xF;
	[dreg:$0x1a] =	wrdreg s22;
	s23 =	spop (v2sf)  }
0x2e9: {  	v55 =	vld [tilespmem:s3+$0x0];
	s17 =	spop (v2sf)  }
0x2ea: {  	(v2sf) =	vpush v12, $0x2;
	s14 =	spop (v2sf)  }
0x2eb: {  	(v2sf) =	vpush v5, $0xA;
	s9 =	spop (v2sf)  }
0x2ec: {  	v56 =	vbroadcast v13, $0x0;
	(v2sf) =	vpush v6, $0xB;
	s3 =	spop (v2sf)  }
0x2ed: {  	(v2sf) =	vpush v8, $0x6;
	s6 =	spop (v2sf)  }
0x2ee: {  	(v2sf) =	vpush v7, $0x7;
	v10 =	vmul.f32 v56, v55;
	s11 =	spop (v2sf)  }
0x2ef: {  	(v2sf) =	vpush v9, $0xF;
	[dreg:$0x1b] =	wrdreg s11;
	s26 =	spop (v2sf)  }
0x2f0: {  	[tilespmem:s23+$0x0] =	vst.add.f32.msk $0xffff, v10;
	s15 =	spop (v2sf)  }
0x2f1: {  	(v2sf) =	vpush v11, $0x2;
	[dreg:$0x1c] =	wrdreg s26;
	s19 =	spop (v2sf)  }
0x2f2: {  	(v2sf) =	vpush v12, $0x3;
	v57 =	vld [tilespmem:s9+$0x0];
	s28 =	spop (v2sf)  }
0x2f3: {  	s11 =	spop (v2sf)  }
0x2f4: {  	s9 =	spop (v2sf)  }
0x2f5: {  	v58 =	vbroadcast v13, $0x1;
	(v2sf) =	vpush v5, $0xB;
	[tilespmem:s5+$0x0] =	vst.add.f32.msk $0xffff, v18;
	s31 =	spop (v2sf)  }
0x2f6: {  	(v2sf) =	vpush v6, $0xC;
	[dreg:$0x16] =	wrdreg s31  }
0x2f7: {  	(v2sf) =	vpush v8, $0x7;
	v9 =	vmul.f32 v57, v58;
	v59 =	vld [tilespmem:s8+$0x0];
	s8 =	spop (v2sf)  }
0x2f8: {  	(v2sf) =	vpush v7, $0x8;
	[dreg:$0x17] =	wrdreg s8  }
0x2f9: {  	(v2sf) =	vpush v11, $0x3;
	s20 =	spop (v2sf);
	[tilespmem:s28+$0x0] =	vst.add.f32.msk $0xffff, v9  }
0x2fa: {  	v60 =	vbroadcast v4, $0x2;
	(v2sf) =	vpush v12, $0x4;
	v9 =	vld [tilespmem:s20+$0x0];
	s20 =	spop (v2sf)  }
0x2fb: {  	s31 =	spop (v2sf)  }
0x2fc: {  	v10 =	vmul.f32 v59, v60;
	s5 =	spop (v2sf)  }
0x2fd: {  	v61 =	vbroadcast v13, $0x2;
	(v2sf) =	vpush v5, $0xC;
	s8 =	spop (v2sf)  }
0x2fe: {  	(v2sf) =	vpush v6, $0xD;
	[tilespmem:s21+$0x0] =	vst.add.f32.msk $0xffff, v10;
	s21 =	spop (v2sf)  }
0x2ff: {  	(v2sf) =	vpush v8, $0x8;
	v9 =	vmul.f32 v9, v61;
	[dreg:$0x14] =	wrdreg s21  }
0x300: {  	(v2sf) =	vpush v7, $0x9;
	s22 =	spop (v2sf);
	v10 =	vld [tilespmem:s16+$0x0]  }
0x301: {  	(v2sf) =	vpush v11, $0x4;
	s23 =	spop (v2sf);
	[tilespmem:s22+$0x0] =	vst.add.f32.msk $0xffff, v9  }
0x302: {  	(v2sf) =	vpush v12, $0x5;
	v9 =	vld [tilespmem:s23+$0x0]  }
0x303: {  	v62 =	vbroadcast v4, $0x3  }
0x304: {  	s23 =	spop (v2sf)  }
0x305: {  	v63 =	vbroadcast v13, $0x3;
	(v2sf) =	vpush v5, $0xD;
	s22 =	spop (v2sf);
	v10 =	vmul.f32 v10, v62  }
0x306: {  	(v2sf) =	vpush v6, $0xE;
	s0 =	spop (v2sf)  }
0x307: {  	(v2sf) =	vpush v8, $0x9;
	[tilespmem:s1+$0x0] =	vst.add.f32.msk $0xffff, v10;
	v9 =	vmul.f32 v9, v63;
	s1 =	spop (v2sf)  }
0x308: {  	(v2sf) =	vpush v7, $0xA;
	v10 =	vld [tilespmem:s2+$0x0];
	s26 =	spop (v2sf)  }
0x309: {  	(v2sf) =	vpush v11, $0x5;
	[tilespmem:s26+$0x0] =	vst.add.f32.msk $0xffff, v9;
	s28 =	spop (v2sf)  }
0x30a: {  	(v2sf) =	vpush v12, $0x6;
	v9 =	vld [tilespmem:s28+$0x0]  }
0x30b: {  	v21 =	vbroadcast v4, $0x4  }
0x30c: {  	s28 =	spop (v2sf)  }
0x30d: {  	v22 =	vbroadcast v13, $0x4;
	(v2sf) =	vpush v5, $0xE;
	s26 =	spop (v2sf);
	v10 =	vmul.f32 v10, v21  }
0x30e: {  	(v2sf) =	vpush v6, $0xF;
	s2 =	spop (v2sf)  }
0x30f: {  	(v2sf) =	vpush v8, $0xA;
	[tilespmem:s3+$0x0] =	vst.add.f32.msk $0xffff, v10;
	v23 =	vmul.f32 v9, v22;
	s3 =	spop (v2sf)  }
0x310: {  	(v2sf) =	vpush v7, $0xB;
	v24 =	vld [tilespmem:s6+$0x0];
	s16 =	spop (v2sf)  }
0x311: {  	(v2sf) =	vpush v11, $0x6;
	[tilespmem:s16+$0x0] =	vst.add.f32.msk $0xffff, v23;
	s21 =	spop (v2sf)  }
0x312: {  	(v2sf) =	vpush v12, $0x7;
	v6 =	vld [tilespmem:s21+$0x0]  }
0x313: {  	v25 =	vmul.f32 v16, v17;
	v26 =	vbroadcast v4, $0x5  }
0x314: {  	s21 =	spop (v2sf)  }
0x315: {  	v27 =	vbroadcast v13, $0x5;
	[tilespmem:s24+$0x0] =	vst.add.f32.msk $0xffff, v25;
	s24 =	spop (v2sf);
	v9 =	vmul.f32 v24, v26  }
0x316: {  	v28 =	vld [tilespmem:s4+$0x0];
	(v2sf) =	vpush v5, $0xF;
	s6 =	spop (v2sf)  }
0x317: {  	(v2sf) =	vpush v8, $0xB;
	s4 =	spop (v2sf);
	[tilespmem:s11+$0x0] =	vst.add.f32.msk $0xffff, v9;
	v29 =	vmul.f32 v6, v27  }
0x318: {  	(v2sf) =	vpush v7, $0xC;
	s11 =	spop (v2sf);
	v30 =	vld [tilespmem:s9+$0x0]  }
0x319: {  	v31 =	vbroadcast v3, $0x6;
	(v2sf) =	vpush v11, $0x7;
	s16 =	spop (v2sf);
	[tilespmem:s11+$0x0] =	vst.add.f32.msk $0xffff, v29  }
0x31a: {  	(v2sf) =	vpush v12, $0x8;
	v32 =	vld [tilespmem:s16+$0x0]  }
0x31b: {  	v33 =	vbroadcast v4, $0x6;
	v5 =	vmul.f32 v28, v31  }
0x31c: {  	s16 =	spop (v2sf)  }
0x31d: {  	v35 =	vbroadcast v13, $0x6;
	[tilespmem:s7+$0x0] =	vst.add.f32.msk $0xffff, v5;
	s11 =	spop (v2sf);
	v34 =	vmul.f32 v30, v33  }
0x31e: {  	v36 =	vld [tilespmem:s10+$0x0];
	s9 =	spop (v2sf)  }
0x31f: {  	(v2sf) =	vpush v8, $0xC;
	[tilespmem:s5+$0x0] =	vst.add.f32.msk $0xffff, v34;
	v37 =	vmul.f32 v32, v35;
	s5 =	spop (v2sf)  }
0x320: {  	(v2sf) =	vpush v7, $0xD;
	v38 =	vld [tilespmem:s8+$0x0];
	s10 =	spop (v2sf)  }
0x321: {  	v39 =	vbroadcast v3, $0x7;
	(v2sf) =	vpush v11, $0x8;
	[tilespmem:s10+$0x0] =	vst.add.f32.msk $0xffff, v37;
	s8 =	spop (v2sf)  }
0x322: {  	(v2sf) =	vpush v12, $0x9;
	v40 =	vld [tilespmem:s8+$0x0]  }
0x323: {  	v41 =	vbroadcast v4, $0x7;
	v5 =	vmul.f32 v36, v39;
	_ =	sdelay $0x1  }
0x324: {  	v43 =	vbroadcast v13, $0x7;
	[tilespmem:s25+$0x0] =	vst.add.f32.msk $0xffff, v5;
	s25 =	spop (v2sf);
	v42 =	vmul.f32 v38, v41  }
0x325: {  	v44 =	vld [tilespmem:s13+$0x0];
	s8 =	spop (v2sf)  }
0x326: {  	(v2sf) =	vpush v8, $0xD;
	s7 =	spop (v2sf);
	[tilespmem:s0+$0x0] =	vst.add.f32.msk $0xffff, v42;
	v45 =	vmul.f32 v40, v43  }
0x327: {  	(v2sf) =	vpush v7, $0xE;
	s10 =	spop (v2sf);
	v46 =	vld [tilespmem:s1+$0x0]  }
0x328: {  	v47 =	vbroadcast v3, $0x8;
	(v2sf) =	vpush v11, $0x9;
	s13 =	spop (v2sf);
	[tilespmem:s10+$0x0] =	vst.add.f32.msk $0xffff, v45  }
0x329: {  	v48 =	vld [tilespmem:s13+$0x0]  }
0x32a: {  	v49 =	vbroadcast v4, $0x8;
	v5 =	vmul.f32 v44, v47  }
0x32b: {  	v50 =	vld [tilespmem:s12+$0x0];
	(v2sf) =	vpush v12, $0xA  }
0x32c: {  	v52 =	vbroadcast v13, $0x8;
	[tilespmem:s17+$0x0] =	vst.add.f32.msk $0xffff, v5;
	v51 =	vmul.f32 v46, v49  }
0x32d: {  	v53 =	vld [tilespmem:s14+$0x0];
	s10 =	spop (v2sf)  }
0x32e: {  	s12 =	spop (v2sf);
	[tilespmem:s2+$0x0] =	vst.add.f32.msk $0xffff, v51;
	v54 =	vmul.f32 v48, v52  }
0x32f: {  	s14 =	spop (v2sf);
	v55 =	vld [tilespmem:s3+$0x0]  }
0x330: {  	v57 =	vbroadcast v3, $0x9;
	(v2sf) =	vpush v8, $0xE;
	s17 =	spop (v2sf);
	[tilespmem:s14+$0x0] =	vst.add.f32.msk $0xffff, v54  }
0x331: {  	v56 =	vmul.f32 v15, v14;
	(v2sf) =	vpush v7, $0xF;
	v58 =	vld [tilespmem:s17+$0x0]  }
0x332: {  	v60 =	vbroadcast v4, $0x9;
	(v2sf) =	vpush v11, $0xA;
	v59 =	vmul.f32 v53, v57  }
0x333: {  	[tilespmem:s29+$0x0] =	vst.add.f32.msk $0xffff, v56;
	(v2sf) =	vpush v12, $0xB  }
0x334: {  	v62 =	vbroadcast v13, $0x9;
	[tilespmem:s15+$0x0] =	vst.add.f32.msk $0xffff, v59;
	v61 =	vmul.f32 v55, v60  }
0x335: {  	v63 =	vld [tilespmem:s19+$0x0];
	s1 =	spop (v2sf)  }
0x336: {  	s3 =	spop (v2sf);
	[tilespmem:s6+$0x0] =	vst.add.f32.msk $0xffff, v61;
	v6 =	vmul.f32 v58, v62  }
0x337: {  	s17 =	spop (v2sf);
	v15 =	vld [tilespmem:s4+$0x0]  }
0x338: {  	v14 =	vbroadcast v2, $0xA;
	[tilespmem:s17+$0x0] =	vst.add.f32.msk $0xffff, v6  }
0x339: {  	v17 =	vbroadcast v3, $0xA;
	(v2sf) =	vpush v8, $0xF;
	s29 =	sld [smem:$0x7F5]  }
0x33a: {  	v10 =	vld [tilespmem:s30+$0x0];
	v5 =	vmul.f32 v50, v14;
	(v2sf) =	vpush v11, $0xB;
	s19 =	spop (v2sf)  }
0x33b: {  	v20 =	vbroadcast v4, $0xA;
	v19 =	vmul.f32 v63, v17;
	v18 =	vld [tilespmem:s19+$0x0]  }
0x33c: {  	[tilespmem:s29+$0x0] =	vst.add.f32.msk $0xffff, v5  }
0x33d: {  	v22 =	vmul.f32 v15, v20;
	s2 =	sld [smem:$0x7F6];
	[tilespmem:s20+$0x0] =	vst.add.f32.msk $0xffff, v19  }
0x33e: {  	v23 =	vbroadcast v13, $0xA;
	(v2sf) =	vpush v12, $0xC;
	v24 =	vld [tilespmem:s31+$0x0]  }
0x33f: {  	s30 =	spop (v2sf);
	[tilespmem:s9+$0x0] =	vst.add.f32.msk $0xffff, v22  }
0x340: {  	v6 =	vmul.f32 v18, v23;
	s31 =	spop (v2sf);
	v21 =	vld [tilespmem:s2+$0x0]  }
0x341: {  	v26 =	vld [tilespmem:s5+$0x0];
	s5 =	spop (v2sf)  }
0x342: {  	[tilespmem:s5+$0x0] =	vst.add.f32.msk $0xffff, v6;
	s6 =	spop (v2sf)  }
0x343: {  	v25 =	vbroadcast v2, $0xB;
	v28 =	vld [tilespmem:s6+$0x0]  }
0x344: {  	v27 =	vbroadcast v3, $0xB;
	s9 =	sld [smem:$0x7F7]  }
0x345: {  	v30 =	vbroadcast v4, $0xB;
	(v2sf) =	vpush v11, $0xC;
	v5 =	vmul.f32 v21, v25  }
0x346: {  	v33 =	vbroadcast v13, $0xB;
	v29 =	vmul.f32 v24, v27  }
0x347: {  	v32 =	vmul.f32 v26, v30;
	[tilespmem:s9+$0x0] =	vst.add.f32.msk $0xffff, v5  }
0x348: {  	s13 =	spop (v2sf);
	v36 =	vmul.f32 v28, v33;
	s4 =	sld [smem:$0x7F8];
	[tilespmem:s23+$0x0] =	vst.add.f32.msk $0xffff, v29  }
0x349: {  	(v2sf) =	vpush v12, $0xD;
	s14 =	spop (v2sf);
	[tilespmem:s8+$0x0] =	vst.add.f32.msk $0xffff, v32  }
0x34a: {  	[tilespmem:s14+$0x0] =	vst.add.f32.msk $0xffff, v36  }
0x34b: {  	v31 =	vld [tilespmem:s4+$0x0]  }
0x34c: {  	v34 =	vld [tilespmem:s22+$0x0]  }
0x34d: {  	s15 =	spop (v2sf);
	v37 =	vld [tilespmem:s7+$0x0]  }
0x34e: {  	v35 =	vbroadcast v2, $0xC;
	v5 =	vld [tilespmem:s15+$0x0]  }
0x34f: {  	v39 =	vbroadcast v3, $0xC  }
0x350: {  	v41 =	vbroadcast v4, $0xC;
	(v2sf) =	vpush v11, $0xD;
	v38 =	vmul.f32 v31, v35  }
0x351: {  	v43 =	vbroadcast v13, $0xC;
	s17 =	rddreg [dreg:$0x1d];
	v40 =	vmul.f32 v34, v39  }
0x352: {  	v6 =	vmul.f32 v37, v41;
	[tilespmem:s17+$0x0] =	vst.add.f32.msk $0xffff, v38  }
0x353: {  	v5 =	vmul.f32 v5, v43;
	s5 =	rddreg [dreg:$0x1a];
	[tilespmem:s28+$0x0] =	vst.add.f32.msk $0xffff, v40  }
0x354: {  	(v2sf) =	vpush v12, $0xE;
	s19 =	spop (v2sf);
	[tilespmem:s10+$0x0] =	vst.add.f32.msk $0xffff, v6  }
0x355: {  	[tilespmem:s19+$0x0] =	vst.add.f32.msk $0xffff, v5  }
0x356: {  	v42 =	vld [tilespmem:s5+$0x0]  }
0x357: {  	v44 =	vld [tilespmem:s26+$0x0]  }
0x358: {  	s20 =	spop (v2sf);
	v46 =	vld [tilespmem:s12+$0x0]  }
0x359: {  	v45 =	vbroadcast v2, $0xD;
	v5 =	vld [tilespmem:s20+$0x0]  }
0x35a: {  	v47 =	vbroadcast v3, $0xD  }
0x35b: {  	v49 =	vbroadcast v4, $0xD;
	(v2sf) =	vpush v11, $0xE;
	v6 =	vmul.f32 v42, v45  }
0x35c: {  	v52 =	vbroadcast v13, $0xD;
	s22 =	rddreg [dreg:$0x1b];
	v48 =	vmul.f32 v44, v47  }
0x35d: {  	v51 =	vmul.f32 v46, v49;
	[tilespmem:s22+$0x0] =	vst.add.f32.msk $0xffff, v6  }
0x35e: {  	v5 =	vmul.f32 v5, v52;
	s5 =	rddreg [dreg:$0x1c];
	[tilespmem:s21+$0x0] =	vst.add.f32.msk $0xffff, v48  }
0x35f: {  	(v2sf) =	vpush v12, $0xF;
	s23 =	spop (v2sf);
	[tilespmem:s1+$0x0] =	vst.add.f32.msk $0xffff, v51  }
0x360: {  	[tilespmem:s23+$0x0] =	vst.add.f32.msk $0xffff, v5  }
0x361: {  	v50 =	vld [tilespmem:s5+$0x0]  }
0x362: {  	v53 =	vld [tilespmem:s24+$0x0]  }
0x363: {  	v55 =	vld [tilespmem:s3+$0x0];
	s24 =	spop (v2sf)  }
0x364: {  	v54 =	vbroadcast v2, $0xE;
	v5 =	vld [tilespmem:s24+$0x0]  }
0x365: {  	v56 =	vbroadcast v3, $0xE  }
0x366: {  	v58 =	vbroadcast v4, $0xE;
	(v2sf) =	vpush v11, $0xF;
	v6 =	vmul.f32 v50, v54  }
0x367: {  	v61 =	vbroadcast v13, $0xE;
	s26 =	rddreg [dreg:$0x16];
	v57 =	vmul.f32 v53, v56  }
0x368: {  	v60 =	vmul.f32 v55, v58;
	[tilespmem:s26+$0x0] =	vst.add.f32.msk $0xffff, v6  }
0x369: {  	v5 =	vmul.f32 v5, v61;
	s0 =	rddreg [dreg:$0x17];
	[tilespmem:s16+$0x0] =	vst.add.f32.msk $0xffff, v57  }
0x36a: {  	s28 =	spop (v2sf);
	[tilespmem:s30+$0x0] =	vst.add.f32.msk $0xffff, v60  }
0x36b: {  	[tilespmem:s28+$0x0] =	vst.add.f32.msk $0xffff, v5  }
0x36c: {  	v59 =	vld [tilespmem:s0+$0x0]  }
0x36d: {  	v1 =	vbroadcast v1, $0xF;
	v62 =	vld [tilespmem:s11+$0x0]  }
0x36e: {  	s29 =	spop (v2sf);
	v6 =	vld [tilespmem:s31+$0x0]  }
0x36f: {  	v1 =	vmul.f32 v10, v1;
	v2 =	vbroadcast v2, $0xF;
	v5 =	vld [tilespmem:s29+$0x0]  }
0x370: {  	v3 =	vbroadcast v3, $0xF;
	s30 =	rddreg [dreg:$0x12]  }
0x371: {  	v63 =	vbroadcast v4, $0xF;
	[tilespmem:s30+$0x0] =	vst.add.f32.msk $0xffff, v1;
	v2 =	vmul.f32 v59, v2  }
0x372: {  	s0 =	rddreg [dreg:$0x14];
	v1 =	vmul.f32 v62, v3;
	v3 =	vbroadcast v13, $0xF  }
0x373: {  	[tilespmem:s0+$0x0] =	vst.add.f32.msk $0xffff, v2;
	v2 =	vmul.f32 v6, v63  }
0x374: {  	[tilespmem:s25+$0x0] =	vst.add.f32.msk $0xffff, v1;
	v1 =	vmul.f32 v5, v3  }
0x375: {  	s31 =	spop (v2sf);
	[tilespmem:s13+$0x0] =	vst.add.f32.msk $0xffff, v2  }
0x376: {  	[tilespmem:s31+$0x0] =	vst.add.f32.msk $0xffff, v1  }
0x377: {  	s2 =	rddreg [dreg:$0x10]  }
0x378: {  	p0 =	seq.s32 s2, $0x8  }
.Ltmp9:
0x379: {  	_ = 	snop;
	(pc) =	sbr.rel @!p0 .LBB2_19-.Ltmp9, $1  }
0x37a: {  	_ =	sdelay $0x3  }
0x37b: {  	s0 =	simm.s32 $0x0  }
0x37c: {  	s1 =	rddreg [dreg:$0xc];
	s2 =	simm.s32 $0x8000;
	s28 =	simm.s32 $0x3  }
0x37d: {  	[hbm4b:s1+s0] =	stream.linear.scatter [tilespmem:s2], [sflag:$0x3], $0x8000, $0x38;
	[tilespmem:$0x1F800] =	vst v63  }
0x37e: {  	_ =	swait.ge [sflag:s28], $0x8000  }
0x37f: {  	[sflag:s28] =	ssyncset.done $0x0  }
0x380: {  	s3 =	simm.s32 $0x10000;
	s29 =	rddreg [dreg:$0xd];
	[sflag:s28] =	ssyncadd.s32 $0xFFFF8000  }
0x381: {  	[hbm4b:s29+s0] =	stream.linear.scatter [tilespmem:s3], [sflag:$0x3], $0x8000, $0x38;
	[tilespmem:$0x1F800] =	vst v63  }
0x382: {  	_ =	swait.ge [sflag:s28], $0x8000  }
0x383: {  	s30 =	rddreg [dreg:$0xf]  }
0x384: {  	s31 =	rddreg [dreg:$0xe];
	s3 =	sadd.s32 $0x1, s30  }
0x385: {  	p0 =	sne.s32 s3, s31  }
.Ltmp10:
0x386: {  	_ = 	snop;
	(pc) =	sbr.rel @p0 .LBB2_1-.Ltmp10, $3  }
0x387: {  	_ =	sdelay $0x1  }
0x388: {  	[sflag:s28] =	ssyncset.done $0x0  }
0x389: {  	[sflag:s28] =	ssyncadd.s32 $0xFFFF8000  }
0x38a: {  	_ =	sfence.sel $0x180000  }
0x38b: {  	[bflag:$0x0] =	sbarrier.arrive $0xFFFF  }
0x38c: {  	_ =	strace $0x90000047  }
0x38d: {  	s0 =	stileid.u32;
	[bflag:$0x2] =	sbarrier.arrive $0xFFFF  }
0x38e: {  	p0 =	sne.s32 s0, $0x0;
	s0 =	rddreg [dreg:$0x2]  }
0x38f: {  	s0 =	sadd.s32 @!p0 $0x100000, s0  }
0x390: {  	[sflag:s0] =	ssyncadd.tile.s32 @!p0 $0x1;
	_ =	shalt  }
.Lfunc_end2:
_tile_overlayer_lowered:
.L_overlay_start_2:
0x391: {  	(tag) =	ssettag $0x2  }
0x392: {  	s0 =	rddreg [dreg:$0x0];
	s2 =	stileid.u32  }
0x393: {  	s1 =	rddreg [dreg:$0x1];
	p0 =	sne.s32 s2, $0x0  }
0x394: {  	s3 =	rddreg [dreg:$0x2];
	[bflag:$0x3] =	sbarrier.arrive $0xFFFF;
	s2 =	simm.s32 @!p0 $0x1C03  }
0x395: {  	[timem:s3], [sflag:s2] =	dma.local @!p0 [hbm:s0], s1  }
0x396: {  	s0 =	simm.s32 @!p0 $0x3  }
0x397: {  	_ =	swait.ge @!p0 [sflag:s0], s1  }
0x398: {  	s1 =	ssub.s32 @!p0 $0x0, s1;
	[sflag:s0] =	ssyncset.done @!p0 $0x0  }
0x399: {  	[sflag:s0] =	ssyncadd.s32 @!p0 s1  }
0x39a: {  	[bflag:$0x3] =	sbarrier.arrive $0xFFFF  }
0x39b: {  	_ =	shalt  }

</sc_bundles>
